<compile_context>
chip_gen: v7x
topology: tpu7x:2x2x1
jax: 0.10.2.dev20260603
libtpu: 0.0.44.dev20260713+nightly
codegen_flags: <defaults>
</compile_context>

<pallas_src>
import jax
import jax.numpy as jnp
from jax import lax
from jax.experimental import pallas as pl
from jax.experimental.pallas import tpu as pltpu
from jax.experimental.pallas import tpu_sc as plsc

N = 10000
E = 160000
D = 128
H = 256
G = 64
HHALF = 128

NC = 2
NS = 16
ROWS_PER_TILE = N // NS
CHUNK = 125
NROWS = E // CHUNK
CPT = NROWS // NS
NPAIR = CPT // 2
DCPT = NROWS // (NC * NS)
DWIN = 4
RB = 1000
NRB = N // RB

_mesh = plsc.VectorSubcoreMesh(core_axis_name="c", subcore_axis_name="s",
                               num_cores=NC, num_subcores=NS)


def _deg_body(cidx_hbm, zeros_hbm, ones_hbm, out_hbm, acc, idxc_v, ones_v,
              isem, ssem):
    c = lax.axis_index("c")
    s = lax.axis_index("s")
    base = c * (NS * DCPT) + s * DCPT
    d1 = pltpu.async_copy(cidx_hbm.at[pl.ds(base, DCPT)], idxc_v, isem)
    d2 = pltpu.async_copy(ones_hbm, ones_v, isem)
    pltpu.sync_copy(zeros_hbm, acc.at[pl.ds(s * ROWS_PER_TILE, ROWS_PER_TILE)])
    d1.wait()
    d2.wait()
    plsc.subcore_barrier()

    def body(k, carry):
        pltpu.async_copy(ones_v, acc.at[idxc_v.at[k]], ssem, add=True)

        @pl.when(k >= DWIN)
        def _():
            pltpu.make_async_copy(ones_v, acc.at[idxc_v.at[0]], ssem).wait()

        return carry

    lax.fori_loop(0, DCPT, body, 0)
    for _ in range(DWIN):
        pltpu.make_async_copy(ones_v, acc.at[idxc_v.at[0]], ssem).wait()
    plsc.subcore_barrier()
    wid = c * NS + s
    pltpu.sync_copy(acc.at[pl.ds(s * ROWS_PER_TILE, ROWS_PER_TILE)],
                    out_hbm.at[wid])


_deg_call = pl.kernel(
    _deg_body,
    out_type=jax.ShapeDtypeStruct((NC * NS, ROWS_PER_TILE, 128), jnp.float32),
    mesh=_mesh,
    scratch_types=[
        pltpu.VMEM_SHARED((N, 128), jnp.float32),
        pltpu.VMEM((DCPT, CHUNK), jnp.int32),
        pltpu.VMEM((CHUNK, 128), jnp.float32),
        pltpu.SemaphoreType.DMA,
        pltpu.SemaphoreType.DMA,
    ],
)


GRP = 8
NGRP = CPT // GRP


def _scat_body(hflat_hbm, ridx_hbm, cidx_hbm, zeros_hbm, out_hbm,
               acc, idxr_v, idxc_v, buf0, buf1,
               gsem0, gsem1, ssem0, ssem1, isem):
    c = lax.axis_index("c")
    s = lax.axis_index("s")
    tbase = s * CPT
    d1 = pltpu.async_copy(ridx_hbm.at[c, pl.ds(tbase, GRP)],
                          idxr_v.at[pl.ds(0, GRP)], isem)
    d2 = pltpu.async_copy(cidx_hbm.at[pl.ds(tbase, GRP)],
                          idxc_v.at[pl.ds(0, GRP)], isem)
    pltpu.sync_copy(zeros_hbm, acc.at[pl.ds(s * ROWS_PER_TILE, ROWS_PER_TILE)])
    d1.wait()
    d2.wait()
    pltpu.async_copy(ridx_hbm.at[c, pl.ds(tbase + GRP, GRP)],
                     idxr_v.at[pl.ds(GRP, GRP)], isem)
    pltpu.async_copy(cidx_hbm.at[pl.ds(tbase + GRP, GRP)],
                     idxc_v.at[pl.ds(GRP, GRP)], isem)
    pltpu.async_copy(hflat_hbm.at[idxr_v.at[0]], buf0, gsem0)
    plsc.subcore_barrier()

    def body(k, carry):
        a = 2 * k
        b = a + 1
        ra = lax.rem(a, 2 * GRP)
        rb = ra + 1
        pltpu.make_async_copy(hflat_hbm.at[idxr_v.at[0]], buf0, gsem0).wait()
        pltpu.async_copy(buf0, acc.at[idxc_v.at[ra]], ssem0, add=True)

        @pl.when(k > 0)
        def _():
            pltpu.make_async_copy(buf1, acc.at[idxc_v.at[0]], ssem1).wait()

        pltpu.async_copy(hflat_hbm.at[idxr_v.at[rb]], buf1, gsem1)
        pltpu.make_async_copy(hflat_hbm.at[idxr_v.at[0]], buf1, gsem1).wait()
        pltpu.async_copy(buf1, acc.at[idxc_v.at[rb]], ssem1, add=True)
        pltpu.make_async_copy(buf0, acc.at[idxc_v.at[0]], ssem0).wait()

        boundary = lax.rem(k, 4) == 3
        g = k // 4

        @pl.when(boundary & (k < NPAIR - 4))
        def _():
            pltpu.make_async_copy(cidx_hbm.at[pl.ds(0, GRP)],
                                  idxr_v.at[pl.ds(0, GRP)], isem).wait()
            pltpu.make_async_copy(cidx_hbm.at[pl.ds(0, GRP)],
                                  idxc_v.at[pl.ds(0, GRP)], isem).wait()

        @pl.when(boundary & (k < NPAIR - 8))
        def _():
            half = lax.rem(g, 2) * GRP
            src = tbase + (g + 2) * GRP
            pltpu.async_copy(ridx_hbm.at[c, pl.ds(src, GRP)],
                             idxr_v.at[pl.ds(half, GRP)], isem)
            pltpu.async_copy(cidx_hbm.at[pl.ds(src, GRP)],
                             idxc_v.at[pl.ds(half, GRP)], isem)

        @pl.when(k < NPAIR - 1)
        def _():
            rnext = lax.rem(a + 2, 2 * GRP)
            pltpu.async_copy(hflat_hbm.at[idxr_v.at[rnext]], buf0, gsem0)

        return carry

    lax.fori_loop(0, NPAIR, body, 0)
    pltpu.make_async_copy(buf1, acc.at[idxc_v.at[0]], ssem1).wait()
    plsc.subcore_barrier()
    wid = c * NS + s
    pltpu.sync_copy(acc.at[pl.ds(s * ROWS_PER_TILE, ROWS_PER_TILE)],
                    out_hbm.at[wid])


_scat_call = pl.kernel(
    _scat_body,
    out_type=jax.ShapeDtypeStruct((NC * NS, ROWS_PER_TILE, HHALF), jnp.float32),
    mesh=_mesh,
    scratch_types=[
        pltpu.VMEM_SHARED((N, HHALF), jnp.float32),
        pltpu.VMEM((2 * GRP, CHUNK), jnp.int32),
        pltpu.VMEM((2 * GRP, CHUNK), jnp.int32),
        pltpu.VMEM((CHUNK, HHALF), jnp.float32),
        pltpu.VMEM((CHUNK, HHALF), jnp.float32),
        pltpu.SemaphoreType.DMA,
        pltpu.SemaphoreType.DMA,
        pltpu.SemaphoreType.DMA,
        pltpu.SemaphoreType.DMA,
        pltpu.SemaphoreType.DMA,
    ],
)


def _l1_body(x_ref, w_ref, dega_ref, degb_ref, out_ref):
    dinv = lax.rsqrt(dega_ref[0, 0, :] + degb_ref[0, 0, :] + 1.0)
    h = jnp.dot(x_ref[...], w_ref[...], preferred_element_type=jnp.float32)
    hp = h * dinv[:, None]
    out_ref[0, :, :] = hp[:, :HHALF]
    out_ref[1, :, :] = hp[:, HHALF:]


_l1_call = pl.pallas_call(
    _l1_body,
    grid=(NRB,),
    in_specs=[
        pl.BlockSpec((RB, D), lambda i: (i, 0)),
        pl.BlockSpec((D, H), lambda i: (0, 0)),
        pl.BlockSpec((1, 1, RB), lambda i: (i, 0, 0)),
        pl.BlockSpec((1, 1, RB), lambda i: (i, 0, 0)),
    ],
    out_specs=pl.BlockSpec((2, RB, HHALF), lambda i: (0, i, 0)),
    out_shape=jax.ShapeDtypeStruct((2, N, HHALF), jnp.float32),
)


def _l23_body(s_ref, hp_ref, dega_ref, degb_ref, b_ref, w_ref, out_ref):
    dinv = lax.rsqrt(dega_ref[0, 0, :] + degb_ref[0, 0, :] + 1.0)
    sfull = jnp.concatenate([s_ref[0], s_ref[1]], axis=-1)
    hpfull = jnp.concatenate([hp_ref[0], hp_ref[1]], axis=-1)
    xnew = jnp.maximum(dinv[:, None] * (sfull + hpfull) + b_ref[0], 0.0)
    h = jnp.dot(xnew, w_ref[...], preferred_element_type=jnp.float32)
    hp2 = h * dinv[:, None]
    out_ref[0, :, :] = hp2[:, :HHALF]
    out_ref[1, :, :] = hp2[:, HHALF:]


_l23_call = pl.pallas_call(
    _l23_body,
    grid=(NRB,),
    in_specs=[
        pl.BlockSpec((2, RB, HHALF), lambda i: (0, i, 0)),
        pl.BlockSpec((2, RB, HHALF), lambda i: (0, i, 0)),
        pl.BlockSpec((1, 1, RB), lambda i: (i, 0, 0)),
        pl.BlockSpec((1, 1, RB), lambda i: (i, 0, 0)),
        pl.BlockSpec((1, H), lambda i: (0, 0)),
        pl.BlockSpec((H, H), lambda i: (0, 0)),
    ],
    out_specs=pl.BlockSpec((2, RB, HHALF), lambda i: (0, i, 0)),
    out_shape=jax.ShapeDtypeStruct((2, N, HHALF), jnp.float32),
)


def _head_body(s_ref, hp_ref, dega_ref, degb_ref, b3_ref, batch_ref,
               wl1_ref, bl1_ref, wl_ref, bl_ref, out_ref, pool_acc, cnt_acc):
    i = pl.program_id(0)

    @pl.when(i == 0)
    def _():
        pool_acc[...] = jnp.zeros_like(pool_acc)
        cnt_acc[...] = jnp.zeros_like(cnt_acc)

    dinv = lax.rsqrt(dega_ref[0, 0, :] + degb_ref[0, 0, :] + 1.0)
    sfull = jnp.concatenate([s_ref[0], s_ref[1]], axis=-1)
    hpfull = jnp.concatenate([hp_ref[0], hp_ref[1]], axis=-1)
    x3 = jnp.maximum(dinv[:, None] * (sfull + hpfull) + b3_ref[0], 0.0)
    bb = batch_ref[0, 0, :]
    gids = lax.broadcasted_iota(jnp.int32, (G, RB), 0)
    P = (bb[None, :] == gids).astype(jnp.float32)
    pool_acc[...] += jnp.dot(P, x3, preferred_element_type=jnp.float32)
    cnt_acc[...] = cnt_acc[...] + jnp.sum(P, axis=1, keepdims=True)

    @pl.when(i == pl.num_programs(0) - 1)
    def _():
        cnt = cnt_acc[:, 0:1]
        pooled = pool_acc[...] / jnp.maximum(cnt, 1.0)
        z = jnp.maximum(
            jnp.dot(pooled, wl1_ref[...], preferred_element_type=jnp.float32)
            + bl1_ref[0], 0.0)
        out_ref[...] = (jnp.dot(z, wl_ref[...],
                                preferred_element_type=jnp.float32) + bl_ref[0])


_head_call = pl.pallas_call(
    _head_body,
    grid=(NRB,),
    in_specs=[
        pl.BlockSpec((2, RB, HHALF), lambda i: (0, i, 0)),
        pl.BlockSpec((2, RB, HHALF), lambda i: (0, i, 0)),
        pl.BlockSpec((1, 1, RB), lambda i: (i, 0, 0)),
        pl.BlockSpec((1, 1, RB), lambda i: (i, 0, 0)),
        pl.BlockSpec((1, H), lambda i: (0, 0)),
        pl.BlockSpec((1, 1, RB), lambda i: (i, 0, 0)),
        pl.BlockSpec((H, 32), lambda i: (0, 0)),
        pl.BlockSpec((1, 32), lambda i: (0, 0)),
        pl.BlockSpec((32, 2), lambda i: (0, 0)),
        pl.BlockSpec((1, 2), lambda i: (0, 0)),
    ],
    out_specs=pl.BlockSpec((G, 2), lambda i: (0, 0)),
    out_shape=jax.ShapeDtypeStruct((G, 2), jnp.float32),
    scratch_shapes=[
        pltpu.VMEM((G, H), jnp.float32),
        pltpu.VMEM((G, HHALF), jnp.float32),
    ],
)


def kernel(x, edge_index, batch, W1, b1, W2, b2, W3, b3, Wl1, bl1, Wl, bl):
    row = edge_index[0]
    col = edge_index[1]
    ridx = jnp.stack([row, row + N]).reshape(NC, NROWS, CHUNK)
    cidx = col.reshape(NROWS, CHUNK)
    zeros_slab = jnp.zeros((ROWS_PER_TILE, HHALF), jnp.float32)
    ones_chunk = jnp.ones((CHUNK, 128), jnp.float32)

    deg_raw = _deg_call(cidx, zeros_slab, ones_chunk)
    deg2 = deg_raw.reshape(NC, N, 128)[:, :, 0]
    deg_a = deg2[0].reshape(NRB, 1, RB)
    deg_b = deg2[1].reshape(NRB, 1, RB)

    hp = _l1_call(x, W1, deg_a, deg_b)
    for bprev, W in ((b1, W2), (b2, W3)):
        s_raw = _scat_call(hp.reshape(NC * N, HHALF), ridx, cidx, zeros_slab)
        s = s_raw.reshape(NC, N, HHALF)
        hp = _l23_call(s, hp, deg_a, deg_b, bprev.reshape(1, H), W)
    s_raw = _scat_call(hp.reshape(NC * N, HHALF), ridx, cidx, zeros_slab)
    s3 = s_raw.reshape(NC, N, HHALF)

    return _head_call(s3, hp, deg_a, deg_b, b3.reshape(1, H),
                      batch.reshape(NRB, 1, RB),
                      Wl1, bl1.reshape(1, 32), Wl, bl.reshape(1, 2))

# --- scband reference (transcript-rebuilt; emitter-appended) ---
"""Pipeline reference for scband-gcn-87385404605076 (READ-ONLY COPY).

The authoritative reference and input builder live on the scoring server;
editing this copy changes nothing except your own understanding.
"""

import jax, jax.numpy as jnp
import numpy as np

N = 10000
E = 160000
D = 128
H = 256
G = 64


def _glorot(key, shape):
    fan_in, fan_out = shape[0], shape[1]
    s = (2.0 / (fan_in + fan_out)) ** 0.5
    return jax.random.normal(key, shape, dtype=jnp.float32) * s


def setup_inputs(seed: int = 0) -> dict:
    key = jax.random.key(seed)
    ks = jax.random.split(key, 12)
    x = jax.random.normal(ks[0], (N, D), dtype=jnp.float32)
    edge_index = jax.random.randint(ks[1], (2, E), 0, N, dtype=jnp.int32)
    batch = jnp.sort(jax.random.randint(ks[2], (N,), 0, G, dtype=jnp.int32))
    W1 = _glorot(ks[3], (D, H)); b1 = jnp.zeros((H,), jnp.float32)
    W2 = _glorot(ks[4], (H, H)); b2 = jnp.zeros((H,), jnp.float32)
    W3 = _glorot(ks[5], (H, H)); b3 = jnp.zeros((H,), jnp.float32)
    Wl1 = _glorot(ks[6], (H, 32)); bl1 = jnp.zeros((32,), jnp.float32)
    Wl = _glorot(ks[7], (32, 2)); bl = jnp.zeros((2,), jnp.float32)
    return {"x": x, "edge_index": edge_index, "batch": batch,
            "W1": W1, "b1": b1, "W2": W2, "b2": b2, "W3": W3, "b3": b3,
            "Wl1": Wl1, "bl1": bl1, "Wl": Wl, "bl": bl}


def gcn_conv(x, edge_index, W, b):
    n = x.shape[0]
    sl = jnp.arange(n, dtype=edge_index.dtype)
    row = jnp.concatenate([edge_index[0], sl])  # source
    col = jnp.concatenate([edge_index[1], sl])  # target
    h = x @ W
    deg = jax.ops.segment_sum(jnp.ones(row.shape, dtype=h.dtype), col, num_segments=n)
    dinv = jnp.where(deg > 0, deg ** -0.5, 0.0)
    norm = dinv[row] * dinv[col]
    out = jax.ops.segment_sum(norm[:, None] * h[row], col, num_segments=n)
    return out + b


def reference(x, edge_index, batch, W1, b1, W2, b2, W3, b3, Wl1, bl1, Wl, bl):
    h = jax.nn.relu(gcn_conv(x, edge_index, W1, b1))
    h = jax.nn.relu(gcn_conv(h, edge_index, W2, b2))
    h = jax.nn.relu(gcn_conv(h, edge_index, W3, b3))
    # global_mean_pool over graph ids
    sums = jax.ops.segment_sum(h, batch, num_segments=G)
    cnt = jax.ops.segment_sum(jnp.ones((h.shape[0], 1), h.dtype), batch, num_segments=G)
    pooled = sums / jnp.maximum(cnt, 1.0)
    # dropout p=0.5 is identity in eval mode
    z = jax.nn.relu(pooled @ Wl1 + bl1)
    return z @ Wl + bl

if __name__ == "__main__":
    import jax
    _d = setup_inputs()
    print(jax.jit(kernel)(*tuple(_d.values())))

</pallas_src>

<mosaic_0001>
#map = affine_map<(d0, d1) -> (0, 0)>
#map1 = affine_map<(d0, d1) -> (0, 0, 0)>
module attributes {stable_mosaic.version = 14 : i64} {
  func.func @_scat_body(%arg0: i32, %arg1: i32, %arg2: memref<20000x128xf32, #tpu.memory_space<hbm>>, %arg3: memref<2x1280x125xi32, #tpu.memory_space<hbm>>, %arg4: memref<1280x125xi32, #tpu.memory_space<hbm>>, %arg5: memref<625x128xf32, #tpu.memory_space<hbm>>, %arg6: memref<32x625x128xf32, #tpu.memory_space<hbm>>, %arg7: memref<10000x128xf32, #tpu.memory_space<vmem_shared>>, %arg8: memref<16x125xi32, #tpu.memory_space<vmem>>, %arg9: memref<16x125xi32, #tpu.memory_space<vmem>>, %arg10: memref<125x128xf32, #tpu.memory_space<vmem>>, %arg11: memref<125x128xf32, #tpu.memory_space<vmem>>, %arg12: memref<!tpu.dma_semaphore, #tpu.memory_space<semaphore_mem>>, %arg13: memref<!tpu.dma_semaphore, #tpu.memory_space<semaphore_mem>>, %arg14: memref<!tpu.dma_semaphore, #tpu.memory_space<semaphore_mem>>, %arg15: memref<!tpu.dma_semaphore, #tpu.memory_space<semaphore_mem>>, %arg16: memref<!tpu.dma_semaphore, #tpu.memory_space<semaphore_mem>>) attributes {dimension_semantics = [#tpu.dimension_semantics<core_parallel>, #tpu.dimension_semantics<subcore_parallel>], iteration_bounds = array<i64: 2, 16>, scalar_prefetch = 0 : i64, scratch_operands = 10 : i64, tpu.core_type = #tpu.core_type<sc_vector_subcore>, window_params = [{transform_indices = #map}, {transform_indices = #map1}, {transform_indices = #map}, {transform_indices = #map}, {transform_indices = #map1}]} {
    %mul3A = arith.constant 80 : i32
    %mul3A_0 = arith.muli %arg1, %mul3A : i32
    %dma_start3A = arith.constant 0 : i32
    %dma_start3A_1 = arith.constant 0 : i32
    %dma_start3A_2 = tpu.memref_slice %arg8[%dma_start3A, %dma_start3A_1] : memref<16x125xi32, #tpu.memory_space<vmem>> -> memref<8x125xi32, #tpu.memory_space<vmem>>
    %dma_start3A_3 = arith.constant 0 : i32
    %dma_start3A_4 = tpu.memref_slice %arg3[%arg0, %mul3A_0, %dma_start3A_3] : memref<2x1280x125xi32, #tpu.memory_space<hbm>> -> memref<1x8x125xi32, #tpu.memory_space<hbm>>
    %dma_start3A_5 = tpu.memref_squeeze %dma_start3A_4 : memref<1x8x125xi32, #tpu.memory_space<hbm>> -> memref<8x125xi32, #tpu.memory_space<hbm>>
    %dma_start3A_6 = arith.constant 0 : i32
    %dma_start3A_7 = arith.constant 0 : i32
    %dma_start3A_8 = tpu.memref_slice %arg8[%dma_start3A_6, %dma_start3A_7] : memref<16x125xi32, #tpu.memory_space<vmem>> -> memref<8x125xi32, #tpu.memory_space<vmem>>
    %dma_start3A_9 = arith.constant 0 : i32
    %dma_start3A_10 = tpu.memref_slice %arg3[%arg0, %mul3A_0, %dma_start3A_9] : memref<2x1280x125xi32, #tpu.memory_space<hbm>> -> memref<1x8x125xi32, #tpu.memory_space<hbm>>
    %dma_start3A_11 = tpu.memref_squeeze %dma_start3A_10 : memref<1x8x125xi32, #tpu.memory_space<hbm>> -> memref<8x125xi32, #tpu.memory_space<hbm>>
    tpu.enqueue_dma source(%dma_start3A_11 : memref<8x125xi32, #tpu.memory_space<hbm>>) target(%dma_start3A_8 : memref<8x125xi32, #tpu.memory_space<vmem>>) target_semaphore(%arg16 : memref<!tpu.dma_semaphore, #tpu.memory_space<semaphore_mem>>)
    %dma_start3A_12 = arith.constant 0 : i32
    %dma_start3A_13 = arith.constant 0 : i32
    %dma_start3A_14 = tpu.memref_slice %arg9[%dma_start3A_12, %dma_start3A_13] : memref<16x125xi32, #tpu.memory_space<vmem>> -> memref<8x125xi32, #tpu.memory_space<vmem>>
    %dma_start3A_15 = arith.constant 0 : i32
    %dma_start3A_16 = tpu.memref_slice %arg4[%mul3A_0, %dma_start3A_15] : memref<1280x125xi32, #tpu.memory_space<hbm>> -> memref<8x125xi32, #tpu.memory_space<hbm>>
    %dma_start3A_17 = arith.constant 0 : i32
    %dma_start3A_18 = arith.constant 0 : i32
    %dma_start3A_19 = tpu.memref_slice %arg9[%dma_start3A_17, %dma_start3A_18] : memref<16x125xi32, #tpu.memory_space<vmem>> -> memref<8x125xi32, #tpu.memory_space<vmem>>
    %dma_start3A_20 = arith.constant 0 : i32
    %dma_start3A_21 = tpu.memref_slice %arg4[%mul3A_0, %dma_start3A_20] : memref<1280x125xi32, #tpu.memory_space<hbm>> -> memref<8x125xi32, #tpu.memory_space<hbm>>
    tpu.enqueue_dma source(%dma_start3A_21 : memref<8x125xi32, #tpu.memory_space<hbm>>) target(%dma_start3A_19 : memref<8x125xi32, #tpu.memory_space<vmem>>) target_semaphore(%arg16 : memref<!tpu.dma_semaphore, #tpu.memory_space<semaphore_mem>>)
    %mul3A_22 = arith.constant 625 : i32
    %mul3A_23 = arith.muli %arg1, %mul3A_22 : i32
    "tpu.region"() ({
      %run_scoped3A = tpu.sem_alloc : memref<!tpu.dma_semaphore, #tpu.memory_space<semaphore_mem>>
      %dma_start3A_95 = arith.constant 0 : i32
      %dma_start3A_96 = tpu.memref_slice %arg7[%mul3A_23, %dma_start3A_95] : memref<10000x128xf32, #tpu.memory_space<vmem_shared>> -> memref<625x128xf32, #tpu.memory_space<vmem_shared>>
      tpu.enqueue_dma source(%arg5 : memref<625x128xf32, #tpu.memory_space<hbm>>) target(%dma_start3A_96 : memref<625x128xf32, #tpu.memory_space<vmem_shared>>) target_semaphore(%run_scoped3A : memref<!tpu.dma_semaphore, #tpu.memory_space<semaphore_mem>>)
      %dma_wait3A_97 = arith.constant 0 : i32
      %dma_wait3A_98 = tpu.memref_slice %arg7[%mul3A_23, %dma_wait3A_97] : memref<10000x128xf32, #tpu.memory_space<vmem_shared>> -> memref<625x128xf32, #tpu.memory_space<vmem_shared>>
      tpu.wait_dma2 semaphore(%run_scoped3A : memref<!tpu.dma_semaphore, #tpu.memory_space<semaphore_mem>>) src(%arg5 : memref<625x128xf32, #tpu.memory_space<hbm>>) dst(%dma_wait3A_98 : memref<625x128xf32, #tpu.memory_space<vmem_shared>>)
      tpu.yield
    }) : () -> ()
    %dma_wait3A = arith.constant 0 : i32
    %dma_wait3A_24 = arith.constant 0 : i32
    %dma_wait3A_25 = tpu.memref_slice %arg8[%dma_wait3A, %dma_wait3A_24] : memref<16x125xi32, #tpu.memory_space<vmem>> -> memref<8x125xi32, #tpu.memory_space<vmem>>
    %dma_wait3A_26 = arith.constant 0 : i32
    %dma_wait3A_27 = tpu.memref_slice %arg3[%arg0, %mul3A_0, %dma_wait3A_26] : memref<2x1280x125xi32, #tpu.memory_space<hbm>> -> memref<1x8x125xi32, #tpu.memory_space<hbm>>
    %dma_wait3A_28 = tpu.memref_squeeze %dma_wait3A_27 : memref<1x8x125xi32, #tpu.memory_space<hbm>> -> memref<8x125xi32, #tpu.memory_space<hbm>>
    %dma_wait3A_29 = arith.constant 0 : i32
    %dma_wait3A_30 = arith.constant 0 : i32
    %dma_wait3A_31 = tpu.memref_slice %arg8[%dma_wait3A_29, %dma_wait3A_30] : memref<16x125xi32, #tpu.memory_space<vmem>> -> memref<8x125xi32, #tpu.memory_space<vmem>>
    %dma_wait3A_32 = arith.constant 0 : i32
    %dma_wait3A_33 = tpu.memref_slice %arg3[%arg0, %mul3A_0, %dma_wait3A_32] : memref<2x1280x125xi32, #tpu.memory_space<hbm>> -> memref<1x8x125xi32, #tpu.memory_space<hbm>>
    %dma_wait3A_34 = tpu.memref_squeeze %dma_wait3A_33 : memref<1x8x125xi32, #tpu.memory_space<hbm>> -> memref<8x125xi32, #tpu.memory_space<hbm>>
    tpu.wait_dma2 semaphore(%arg16 : memref<!tpu.dma_semaphore, #tpu.memory_space<semaphore_mem>>) src(%dma_wait3A_34 : memref<8x125xi32, #tpu.memory_space<hbm>>) dst(%dma_wait3A_31 : memref<8x125xi32, #tpu.memory_space<vmem>>)
    %dma_wait3A_35 = arith.constant 0 : i32
    %dma_wait3A_36 = arith.constant 0 : i32
    %dma_wait3A_37 = tpu.memref_slice %arg9[%dma_wait3A_35, %dma_wait3A_36] : memref<16x125xi32, #tpu.memory_space<vmem>> -> memref<8x125xi32, #tpu.memory_space<vmem>>
    %dma_wait3A_38 = arith.constant 0 : i32
    %dma_wait3A_39 = tpu.memref_slice %arg4[%mul3A_0, %dma_wait3A_38] : memref<1280x125xi32, #tpu.memory_space<hbm>> -> memref<8x125xi32, #tpu.memory_space<hbm>>
    %dma_wait3A_40 = arith.constant 0 : i32
    %dma_wait3A_41 = arith.constant 0 : i32
    %dma_wait3A_42 = tpu.memref_slice %arg9[%dma_wait3A_40, %dma_wait3A_41] : memref<16x125xi32, #tpu.memory_space<vmem>> -> memref<8x125xi32, #tpu.memory_space<vmem>>
    %dma_wait3A_43 = arith.constant 0 : i32
    %dma_wait3A_44 = tpu.memref_slice %arg4[%mul3A_0, %dma_wait3A_43] : memref<1280x125xi32, #tpu.memory_space<hbm>> -> memref<8x125xi32, #tpu.memory_space<hbm>>
    tpu.wait_dma2 semaphore(%arg16 : memref<!tpu.dma_semaphore, #tpu.memory_space<semaphore_mem>>) src(%dma_wait3A_44 : memref<8x125xi32, #tpu.memory_space<hbm>>) dst(%dma_wait3A_42 : memref<8x125xi32, #tpu.memory_space<vmem>>)
    %add3A = arith.constant 8 : i32
    %add3A_45 = arith.addi %mul3A_0, %add3A : i32
    %dma_start3A_46 = arith.constant 8 : i32
    %dma_start3A_47 = arith.constant 0 : i32
    %dma_start3A_48 = tpu.memref_slice %arg8[%dma_start3A_46, %dma_start3A_47] : memref<16x125xi32, #tpu.memory_space<vmem>> -> memref<8x125xi32, #tpu.memory_space<vmem>>
    %dma_start3A_49 = arith.constant 0 : i32
    %dma_start3A_50 = tpu.memref_slice %arg3[%arg0, %add3A_45, %dma_start3A_49] : memref<2x1280x125xi32, #tpu.memory_space<hbm>> -> memref<1x8x125xi32, #tpu.memory_space<hbm>>
    %dma_start3A_51 = tpu.memref_squeeze %dma_start3A_50 : memref<1x8x125xi32, #tpu.memory_space<hbm>> -> memref<8x125xi32, #tpu.memory_space<hbm>>
    %dma_start3A_52 = arith.constant 8 : i32
    %dma_start3A_53 = arith.constant 0 : i32
    %dma_start3A_54 = tpu.memref_slice %arg8[%dma_start3A_52, %dma_start3A_53] : memref<16x125xi32, #tpu.memory_space<vmem>> -> memref<8x125xi32, #tpu.memory_space<vmem>>
    %dma_start3A_55 = arith.constant 0 : i32
    %dma_start3A_56 = tpu.memref_slice %arg3[%arg0, %add3A_45, %dma_start3A_55] : memref<2x1280x125xi32, #tpu.memory_space<hbm>> -> memref<1x8x125xi32, #tpu.memory_space<hbm>>
    %dma_start3A_57 = tpu.memref_squeeze %dma_start3A_56 : memref<1x8x125xi32, #tpu.memory_space<hbm>> -> memref<8x125xi32, #tpu.memory_space<hbm>>
    tpu.enqueue_dma source(%dma_start3A_57 : memref<8x125xi32, #tpu.memory_space<hbm>>) target(%dma_start3A_54 : memref<8x125xi32, #tpu.memory_space<vmem>>) target_semaphore(%arg16 : memref<!tpu.dma_semaphore, #tpu.memory_space<semaphore_mem>>)
    %add3A_58 = arith.constant 8 : i32
    %add3A_59 = arith.addi %mul3A_0, %add3A_58 : i32
    %dma_start3A_60 = arith.constant 8 : i32
    %dma_start3A_61 = arith.constant 0 : i32
    %dma_start3A_62 = tpu.memref_slice %arg9[%dma_start3A_60, %dma_start3A_61] : memref<16x125xi32, #tpu.memory_space<vmem>> -> memref<8x125xi32, #tpu.memory_space<vmem>>
    %dma_start3A_63 = arith.constant 0 : i32
    %dma_start3A_64 = tpu.memref_slice %arg4[%add3A_59, %dma_start3A_63] : memref<1280x125xi32, #tpu.memory_space<hbm>> -> memref<8x125xi32, #tpu.memory_space<hbm>>
    %dma_start3A_65 = arith.constant 8 : i32
    %dma_start3A_66 = arith.constant 0 : i32
    %dma_start3A_67 = tpu.memref_slice %arg9[%dma_start3A_65, %dma_start3A_66] : memref<16x125xi32, #tpu.memory_space<vmem>> -> memref<8x125xi32, #tpu.memory_space<vmem>>
    %dma_start3A_68 = arith.constant 0 : i32
    %dma_start3A_69 = tpu.memref_slice %arg4[%add3A_59, %dma_start3A_68] : memref<1280x125xi32, #tpu.memory_space<hbm>> -> memref<8x125xi32, #tpu.memory_space<hbm>>
    tpu.enqueue_dma source(%dma_start3A_69 : memref<8x125xi32, #tpu.memory_space<hbm>>) target(%dma_start3A_67 : memref<8x125xi32, #tpu.memory_space<vmem>>) target_semaphore(%arg16 : memref<!tpu.dma_semaphore, #tpu.memory_space<semaphore_mem>>)
    %dma_start3A_70 = arith.constant 0 : i32
    %dma_start3A_71 = arith.constant 0 : i32
    %dma_start3A_72 = tpu.memref_slice %arg8[%dma_start3A_70, %dma_start3A_71] : memref<16x125xi32, #tpu.memory_space<vmem>> -> memref<1x125xi32, #tpu.memory_space<vmem>>
    %dma_start3A_73 = tpu.memref_squeeze %dma_start3A_72 : memref<1x125xi32, #tpu.memory_space<vmem>> -> memref<125xi32, #tpu.memory_space<vmem>>
    %dma_start3A_74 = arith.constant 0 : i32
    %dma_start3A_75 = arith.constant 0 : i32
    %dma_start3A_76 = tpu.memref_slice %arg2[%dma_start3A_74, %dma_start3A_75] : memref<20000x128xf32, #tpu.memory_space<hbm>> -> memref<20000x128xf32, #tpu.memory_space<hbm>>
    tpu.enqueue_indirect_dma source(%dma_start3A_76 : memref<20000x128xf32, #tpu.memory_space<hbm>>) target(%arg10 : memref<125x128xf32, #tpu.memory_space<vmem>>) offsets(%dma_start3A_73 : memref<125xi32, #tpu.memory_space<vmem>>) semaphore(%arg12 : memref<!tpu.dma_semaphore, #tpu.memory_space<semaphore_mem>>)
    %barrier3A = arith.constant 0 : index
    tpu.barrier barrier_id(%barrier3A)
    %scan3A = arith.constant 0 : i32
    %scan3A_77 = arith.constant 0 : i32
    %scan3A_78 = arith.constant 40 : i32
    %scan3A_79 = arith.addi %scan3A_77, %scan3A_78 : i32
    %scan3A_80 = arith.constant 1 : i32
    scf.for %scan3A_95 = %scan3A_77 to %scan3A_79 step %scan3A_80  : i32 {
      %mul3A_96 = arith.constant 2 : i32
      %mul3A_97 = arith.muli %mul3A_96, %scan3A_95 : i32
      %add3A_98 = arith.constant 1 : i32
      %add3A_99 = arith.addi %mul3A_97, %add3A_98 : i32
      %rem3A = arith.constant 16 : i32
      %rem3A_100 = arith.remsi %mul3A_97, %rem3A : i32
      %add3A_101 = arith.constant 1 : i32
      %add3A_102 = arith.addi %rem3A_100, %add3A_101 : i32
      %dma_wait3A_103 = arith.constant 0 : i32
      %dma_wait3A_104 = arith.constant 0 : i32
      %dma_wait3A_105 = tpu.memref_slice %arg8[%dma_wait3A_103, %dma_wait3A_104] : memref<16x125xi32, #tpu.memory_space<vmem>> -> memref<1x125xi32, #tpu.memory_space<vmem>>
      %dma_wait3A_106 = tpu.memref_squeeze %dma_wait3A_105 : memref<1x125xi32, #tpu.memory_space<vmem>> -> memref<125xi32, #tpu.memory_space<vmem>>
      %dma_wait3A_107 = arith.constant 0 : i32
      %dma_wait3A_108 = arith.constant 0 : i32
      %dma_wait3A_109 = tpu.memref_slice %arg2[%dma_wait3A_107, %dma_wait3A_108] : memref<20000x128xf32, #tpu.memory_space<hbm>> -> memref<20000x128xf32, #tpu.memory_space<hbm>>
      tpu.wait_indirect_dma semaphore(%arg12 : memref<!tpu.dma_semaphore, #tpu.memory_space<semaphore_mem>>) src(%dma_wait3A_109 : memref<20000x128xf32, #tpu.memory_space<hbm>>) dst(%arg10 : memref<125x128xf32, #tpu.memory_space<vmem>>)
      %dma_start3A_110 = arith.constant 0 : i32
      %dma_start3A_111 = tpu.memref_slice %arg9[%rem3A_100, %dma_start3A_110] : memref<16x125xi32, #tpu.memory_space<vmem>> -> memref<1x125xi32, #tpu.memory_space<vmem>>
      %dma_start3A_112 = tpu.memref_squeeze %dma_start3A_111 : memref<1x125xi32, #tpu.memory_space<vmem>> -> memref<125xi32, #tpu.memory_space<vmem>>
      %dma_start3A_113 = arith.constant 0 : i32
      %dma_start3A_114 = arith.constant 0 : i32
      %dma_start3A_115 = tpu.memref_slice %arg7[%dma_start3A_113, %dma_start3A_114] : memref<10000x128xf32, #tpu.memory_space<vmem_shared>> -> memref<10000x128xf32, #tpu.memory_space<vmem_shared>>
      tpu.enqueue_indirect_dma source(%arg10 : memref<125x128xf32, #tpu.memory_space<vmem>>) target(%dma_start3A_115 : memref<10000x128xf32, #tpu.memory_space<vmem_shared>>) offsets(%dma_start3A_112 : memref<125xi32, #tpu.memory_space<vmem>>) semaphore(%arg14 : memref<!tpu.dma_semaphore, #tpu.memory_space<semaphore_mem>>) {add = true}
      %gt3A = arith.constant 0 : i32
      %gt3A_116 = arith.cmpi sgt, %scan3A_95, %gt3A : i32
      %convert_element_type3A = arith.extui %gt3A_116 : i1 to i32
      %cond3A = arith.constant 0 : i32
      %cond3A_117 = arith.cmpi ne, %convert_element_type3A, %cond3A : i32
      scf.if %cond3A_117 {
        %dma_wait3A_180 = arith.constant 0 : i32
        %dma_wait3A_181 = arith.constant 0 : i32
        %dma_wait3A_182 = tpu.memref_slice %arg9[%dma_wait3A_180, %dma_wait3A_181] : memref<16x125xi32, #tpu.memory_space<vmem>> -> memref<1x125xi32, #tpu.memory_space<vmem>>
        %dma_wait3A_183 = tpu.memref_squeeze %dma_wait3A_182 : memref<1x125xi32, #tpu.memory_space<vmem>> -> memref<125xi32, #tpu.memory_space<vmem>>
        %dma_wait3A_184 = arith.constant 0 : i32
        %dma_wait3A_185 = arith.constant 0 : i32
        %dma_wait3A_186 = tpu.memref_slice %arg7[%dma_wait3A_184, %dma_wait3A_185] : memref<10000x128xf32, #tpu.memory_space<vmem_shared>> -> memref<10000x128xf32, #tpu.memory_space<vmem_shared>>
        tpu.wait_indirect_dma semaphore(%arg15 : memref<!tpu.dma_semaphore, #tpu.memory_space<semaphore_mem>>) src(%arg11 : memref<125x128xf32, #tpu.memory_space<vmem>>) dst(%dma_wait3A_186 : memref<10000x128xf32, #tpu.memory_space<vmem_shared>>)
      } else {
      }
      %dma_start3A_118 = arith.constant 0 : i32
      %dma_start3A_119 = tpu.memref_slice %arg8[%add3A_102, %dma_start3A_118] : memref<16x125xi32, #tpu.memory_space<vmem>> -> memref<1x125xi32, #tpu.memory_space<vmem>>
      %dma_start3A_120 = tpu.memref_squeeze %dma_start3A_119 : memref<1x125xi32, #tpu.memory_space<vmem>> -> memref<125xi32, #tpu.memory_space<vmem>>
      %dma_start3A_121 = arith.constant 0 : i32
      %dma_start3A_122 = arith.constant 0 : i32
      %dma_start3A_123 = tpu.memref_slice %arg2[%dma_start3A_121, %dma_start3A_122] : memref<20000x128xf32, #tpu.memory_space<hbm>> -> memref<20000x128xf32, #tpu.memory_space<hbm>>
      tpu.enqueue_indirect_dma source(%dma_start3A_123 : memref<20000x128xf32, #tpu.memory_space<hbm>>) target(%arg11 : memref<125x128xf32, #tpu.memory_space<vmem>>) offsets(%dma_start3A_120 : memref<125xi32, #tpu.memory_space<vmem>>) semaphore(%arg13 : memref<!tpu.dma_semaphore, #tpu.memory_space<semaphore_mem>>)
      %dma_wait3A_124 = arith.constant 0 : i32
      %dma_wait3A_125 = arith.constant 0 : i32
      %dma_wait3A_126 = tpu.memref_slice %arg8[%dma_wait3A_124, %dma_wait3A_125] : memref<16x125xi32, #tpu.memory_space<vmem>> -> memref<1x125xi32, #tpu.memory_space<vmem>>
      %dma_wait3A_127 = tpu.memref_squeeze %dma_wait3A_126 : memref<1x125xi32, #tpu.memory_space<vmem>> -> memref<125xi32, #tpu.memory_space<vmem>>
      %dma_wait3A_128 = arith.constant 0 : i32
      %dma_wait3A_129 = arith.constant 0 : i32
      %dma_wait3A_130 = tpu.memref_slice %arg2[%dma_wait3A_128, %dma_wait3A_129] : memref<20000x128xf32, #tpu.memory_space<hbm>> -> memref<20000x128xf32, #tpu.memory_space<hbm>>
      tpu.wait_indirect_dma semaphore(%arg13 : memref<!tpu.dma_semaphore, #tpu.memory_space<semaphore_mem>>) src(%dma_wait3A_130 : memref<20000x128xf32, #tpu.memory_space<hbm>>) dst(%arg11 : memref<125x128xf32, #tpu.memory_space<vmem>>)
      %dma_start3A_131 = arith.constant 0 : i32
      %dma_start3A_132 = tpu.memref_slice %arg9[%add3A_102, %dma_start3A_131] : memref<16x125xi32, #tpu.memory_space<vmem>> -> memref<1x125xi32, #tpu.memory_space<vmem>>
      %dma_start3A_133 = tpu.memref_squeeze %dma_start3A_132 : memref<1x125xi32, #tpu.memory_space<vmem>> -> memref<125xi32, #tpu.memory_space<vmem>>
      %dma_start3A_134 = arith.constant 0 : i32
      %dma_start3A_135 = arith.constant 0 : i32
      %dma_start3A_136 = tpu.memref_slice %arg7[%dma_start3A_134, %dma_start3A_135] : memref<10000x128xf32, #tpu.memory_space<vmem_shared>> -> memref<10000x128xf32, #tpu.memory_space<vmem_shared>>
      tpu.enqueue_indirect_dma source(%arg11 : memref<125x128xf32, #tpu.memory_space<vmem>>) target(%dma_start3A_136 : memref<10000x128xf32, #tpu.memory_space<vmem_shared>>) offsets(%dma_start3A_133 : memref<125xi32, #tpu.memory_space<vmem>>) semaphore(%arg15 : memref<!tpu.dma_semaphore, #tpu.memory_space<semaphore_mem>>) {add = true}
      %dma_wait3A_137 = arith.constant 0 : i32
      %dma_wait3A_138 = arith.constant 0 : i32
      %dma_wait3A_139 = tpu.memref_slice %arg9[%dma_wait3A_137, %dma_wait3A_138] : memref<16x125xi32, #tpu.memory_space<vmem>> -> memref<1x125xi32, #tpu.memory_space<vmem>>
      %dma_wait3A_140 = tpu.memref_squeeze %dma_wait3A_139 : memref<1x125xi32, #tpu.memory_space<vmem>> -> memref<125xi32, #tpu.memory_space<vmem>>
      %dma_wait3A_141 = arith.constant 0 : i32
      %dma_wait3A_142 = arith.constant 0 : i32
      %dma_wait3A_143 = tpu.memref_slice %arg7[%dma_wait3A_141, %dma_wait3A_142] : memref<10000x128xf32, #tpu.memory_space<vmem_shared>> -> memref<10000x128xf32, #tpu.memory_space<vmem_shared>>
      tpu.wait_indirect_dma semaphore(%arg14 : memref<!tpu.dma_semaphore, #tpu.memory_space<semaphore_mem>>) src(%arg10 : memref<125x128xf32, #tpu.memory_space<vmem>>) dst(%dma_wait3A_143 : memref<10000x128xf32, #tpu.memory_space<vmem_shared>>)
      %rem3A_144 = arith.constant 4 : i32
      %rem3A_145 = arith.remsi %scan3A_95, %rem3A_144 : i32
      %eq3A = arith.constant 3 : i32
      %eq3A_146 = arith.cmpi eq, %rem3A_145, %eq3A : i32
      %jit3A = arith.constant 4 : i32
      %div3A = arith.divsi %scan3A_95, %jit3A : i32
      %sign3A = arith.constant 0 : i32
      %sign3A_147 = arith.cmpi sgt, %scan3A_95, %sign3A : i32
      %sign3A_148 = arith.extui %sign3A_147 : i1 to i32
      %sign3A_149 = arith.constant 0 : i32
      %sign3A_150 = arith.cmpi slt, %scan3A_95, %sign3A_149 : i32
      %sign3A_151 = arith.extui %sign3A_150 : i1 to i32
      %sign3A_152 = arith.subi %sign3A_148, %sign3A_151 : i32
      %sign3A_153 = arith.constant 0 : i32
      %sign3A_154 = arith.cmpi sgt, %jit3A, %sign3A_153 : i32
      %sign3A_155 = arith.extui %sign3A_154 : i1 to i32
      %sign3A_156 = arith.constant 0 : i32
      %sign3A_157 = arith.cmpi slt, %jit3A, %sign3A_156 : i32
      %sign3A_158 = arith.extui %sign3A_157 : i1 to i32
      %sign3A_159 = arith.subi %sign3A_155, %sign3A_158 : i32
      %ne3A = arith.cmpi ne, %sign3A_152, %sign3A_159 : i32
      %rem3A_160 = arith.remsi %scan3A_95, %jit3A : i32
      %ne3A_161 = arith.constant 0 : i32
      %ne3A_162 = arith.cmpi ne, %rem3A_160, %ne3A_161 : i32
      %and3A = arith.andi %ne3A, %ne3A_162 : i1
      %sub3A = arith.constant 1 : i32
      %sub3A_163 = arith.subi %div3A, %sub3A : i32
      %select_n3A = arith.select %and3A, %sub3A_163, %div3A : i32
      %lt3A = arith.constant 36 : i32
      %lt3A_164 = arith.cmpi slt, %scan3A_95, %lt3A : i32
      %and3A_165 = arith.andi %eq3A_146, %lt3A_164 : i1
      %convert_element_type3A_166 = arith.extui %and3A_165 : i1 to i32
      %cond3A_167 = arith.constant 0 : i32
      %cond3A_168 = arith.cmpi ne, %convert_element_type3A_166, %cond3A_167 : i32
      scf.if %cond3A_168 {
        %dma_wait3A_180 = arith.constant 0 : i32
        %dma_wait3A_181 = arith.constant 0 : i32
        %dma_wait3A_182 = tpu.memref_slice %arg8[%dma_wait3A_180, %dma_wait3A_181] : memref<16x125xi32, #tpu.memory_space<vmem>> -> memref<8x125xi32, #tpu.memory_space<vmem>>
        %dma_wait3A_183 = arith.constant 0 : i32
        %dma_wait3A_184 = arith.constant 0 : i32
        %dma_wait3A_185 = tpu.memref_slice %arg4[%dma_wait3A_183, %dma_wait3A_184] : memref<1280x125xi32, #tpu.memory_space<hbm>> -> memref<8x125xi32, #tpu.memory_space<hbm>>
        %dma_wait3A_186 = arith.constant 0 : i32
        %dma_wait3A_187 = arith.constant 0 : i32
        %dma_wait3A_188 = tpu.memref_slice %arg8[%dma_wait3A_186, %dma_wait3A_187] : memref<16x125xi32, #tpu.memory_space<vmem>> -> memref<8x125xi32, #tpu.memory_space<vmem>>
        %dma_wait3A_189 = arith.constant 0 : i32
        %dma_wait3A_190 = arith.constant 0 : i32
        %dma_wait3A_191 = tpu.memref_slice %arg4[%dma_wait3A_189, %dma_wait3A_190] : memref<1280x125xi32, #tpu.memory_space<hbm>> -> memref<8x125xi32, #tpu.memory_space<hbm>>
        tpu.wait_dma2 semaphore(%arg16 : memref<!tpu.dma_semaphore, #tpu.memory_space<semaphore_mem>>) src(%dma_wait3A_191 : memref<8x125xi32, #tpu.memory_space<hbm>>) dst(%dma_wait3A_188 : memref<8x125xi32, #tpu.memory_space<vmem>>)
        %dma_wait3A_192 = arith.constant 0 : i32
        %dma_wait3A_193 = arith.constant 0 : i32
        %dma_wait3A_194 = tpu.memref_slice %arg9[%dma_wait3A_192, %dma_wait3A_193] : memref<16x125xi32, #tpu.memory_space<vmem>> -> memref<8x125xi32, #tpu.memory_space<vmem>>
        %dma_wait3A_195 = arith.constant 0 : i32
        %dma_wait3A_196 = arith.constant 0 : i32
        %dma_wait3A_197 = tpu.memref_slice %arg4[%dma_wait3A_195, %dma_wait3A_196] : memref<1280x125xi32, #tpu.memory_space<hbm>> -> memref<8x125xi32, #tpu.memory_space<hbm>>
        %dma_wait3A_198 = arith.constant 0 : i32
        %dma_wait3A_199 = arith.constant 0 : i32
        %dma_wait3A_200 = tpu.memref_slice %arg9[%dma_wait3A_198, %dma_wait3A_199] : memref<16x125xi32, #tpu.memory_space<vmem>> -> memref<8x125xi32, #tpu.memory_space<vmem>>
        %dma_wait3A_201 = arith.constant 0 : i32
        %dma_wait3A_202 = arith.constant 0 : i32
        %dma_wait3A_203 = tpu.memref_slice %arg4[%dma_wait3A_201, %dma_wait3A_202] : memref<1280x125xi32, #tpu.memory_space<hbm>> -> memref<8x125xi32, #tpu.memory_space<hbm>>
        tpu.wait_dma2 semaphore(%arg16 : memref<!tpu.dma_semaphore, #tpu.memory_space<semaphore_mem>>) src(%dma_wait3A_203 : memref<8x125xi32, #tpu.memory_space<hbm>>) dst(%dma_wait3A_200 : memref<8x125xi32, #tpu.memory_space<vmem>>)
      } else {
      }
      %lt3A_169 = arith.constant 32 : i32
      %lt3A_170 = arith.cmpi slt, %scan3A_95, %lt3A_169 : i32
      %and3A_171 = arith.andi %eq3A_146, %lt3A_170 : i1
      %convert_element_type3A_172 = arith.extui %and3A_171 : i1 to i32
      %cond3A_173 = arith.constant 0 : i32
      %cond3A_174 = arith.cmpi ne, %convert_element_type3A_172, %cond3A_173 : i32
      scf.if %cond3A_174 {
        %rem3A_180 = arith.constant 2 : i32
        %rem3A_181 = arith.remsi %select_n3A, %rem3A_180 : i32
        %mul3A_182 = arith.constant 8 : i32
        %mul3A_183 = arith.muli %rem3A_181, %mul3A_182 : i32
        %add3A_184 = arith.constant 2 : i32
        %add3A_185 = arith.addi %select_n3A, %add3A_184 : i32
        %mul3A_186 = arith.constant 8 : i32
        %mul3A_187 = arith.muli %add3A_185, %mul3A_186 : i32
        %add3A_188 = arith.addi %mul3A_0, %mul3A_187 : i32
        %dma_start3A_189 = arith.constant 0 : i32
        %dma_start3A_190 = tpu.memref_slice %arg8[%mul3A_183, %dma_start3A_189] : memref<16x125xi32, #tpu.memory_space<vmem>> -> memref<8x125xi32, #tpu.memory_space<vmem>>
        %dma_start3A_191 = arith.constant 0 : i32
        %dma_start3A_192 = tpu.memref_slice %arg3[%arg0, %add3A_188, %dma_start3A_191] : memref<2x1280x125xi32, #tpu.memory_space<hbm>> -> memref<1x8x125xi32, #tpu.memory_space<hbm>>
        %dma_start3A_193 = tpu.memref_squeeze %dma_start3A_192 : memref<1x8x125xi32, #tpu.memory_space<hbm>> -> memref<8x125xi32, #tpu.memory_space<hbm>>
        %dma_start3A_194 = arith.constant 0 : i32
        %dma_start3A_195 = tpu.memref_slice %arg8[%mul3A_183, %dma_start3A_194] : memref<16x125xi32, #tpu.memory_space<vmem>> -> memref<8x125xi32, #tpu.memory_space<vmem>>
        %dma_start3A_196 = arith.constant 0 : i32
        %dma_start3A_197 = tpu.memref_slice %arg3[%arg0, %add3A_188, %dma_start3A_196] : memref<2x1280x125xi32, #tpu.memory_space<hbm>> -> memref<1x8x125xi32, #tpu.memory_space<hbm>>
        %dma_start3A_198 = tpu.memref_squeeze %dma_start3A_197 : memref<1x8x125xi32, #tpu.memory_space<hbm>> -> memref<8x125xi32, #tpu.memory_space<hbm>>
        tpu.enqueue_dma source(%dma_start3A_198 : memref<8x125xi32, #tpu.memory_space<hbm>>) target(%dma_start3A_195 : memref<8x125xi32, #tpu.memory_space<vmem>>) target_semaphore(%arg16 : memref<!tpu.dma_semaphore, #tpu.memory_space<semaphore_mem>>)
        %dma_start3A_199 = arith.constant 0 : i32
        %dma_start3A_200 = tpu.memref_slice %arg9[%mul3A_183, %dma_start3A_199] : memref<16x125xi32, #tpu.memory_space<vmem>> -> memref<8x125xi32, #tpu.memory_space<vmem>>
        %dma_start3A_201 = arith.constant 0 : i32
        %dma_start3A_202 = tpu.memref_slice %arg4[%add3A_188, %dma_start3A_201] : memref<1280x125xi32, #tpu.memory_space<hbm>> -> memref<8x125xi32, #tpu.memory_space<hbm>>
        %dma_start3A_203 = arith.constant 0 : i32
        %dma_start3A_204 = tpu.memref_slice %arg9[%mul3A_183, %dma_start3A_203] : memref<16x125xi32, #tpu.memory_space<vmem>> -> memref<8x125xi32, #tpu.memory_space<vmem>>
        %dma_start3A_205 = arith.constant 0 : i32
        %dma_start3A_206 = tpu.memref_slice %arg4[%add3A_188, %dma_start3A_205] : memref<1280x125xi32, #tpu.memory_space<hbm>> -> memref<8x125xi32, #tpu.memory_space<hbm>>
        tpu.enqueue_dma source(%dma_start3A_206 : memref<8x125xi32, #tpu.memory_space<hbm>>) target(%dma_start3A_204 : memref<8x125xi32, #tpu.memory_space<vmem>>) target_semaphore(%arg16 : memref<!tpu.dma_semaphore, #tpu.memory_space<semaphore_mem>>)
      } else {
      }
      %lt3A_175 = arith.constant 39 : i32
      %lt3A_176 = arith.cmpi slt, %scan3A_95, %lt3A_175 : i32
      %convert_element_type3A_177 = arith.extui %lt3A_176 : i1 to i32
      %cond3A_178 = arith.constant 0 : i32
      %cond3A_179 = arith.cmpi ne, %convert_element_type3A_177, %cond3A_178 : i32
      scf.if %cond3A_179 {
        %add3A_180 = arith.constant 2 : i32
        %add3A_181 = arith.addi %mul3A_97, %add3A_180 : i32
        %rem3A_182 = arith.constant 16 : i32
        %rem3A_183 = arith.remsi %add3A_181, %rem3A_182 : i32
        %dma_start3A_184 = arith.constant 0 : i32
        %dma_start3A_185 = tpu.memref_slice %arg8[%rem3A_183, %dma_start3A_184] : memref<16x125xi32, #tpu.memory_space<vmem>> -> memref<1x125xi32, #tpu.memory_space<vmem>>
        %dma_start3A_186 = tpu.memref_squeeze %dma_start3A_185 : memref<1x125xi32, #tpu.memory_space<vmem>> -> memref<125xi32, #tpu.memory_space<vmem>>
        %dma_start3A_187 = arith.constant 0 : i32
        %dma_start3A_188 = arith.constant 0 : i32
        %dma_start3A_189 = tpu.memref_slice %arg2[%dma_start3A_187, %dma_start3A_188] : memref<20000x128xf32, #tpu.memory_space<hbm>> -> memref<20000x128xf32, #tpu.memory_space<hbm>>
        tpu.enqueue_indirect_dma source(%dma_start3A_189 : memref<20000x128xf32, #tpu.memory_space<hbm>>) target(%arg10 : memref<125x128xf32, #tpu.memory_space<vmem>>) offsets(%dma_start3A_186 : memref<125xi32, #tpu.memory_space<vmem>>) semaphore(%arg12 : memref<!tpu.dma_semaphore, #tpu.memory_space<semaphore_mem>>)
      } else {
      }
    }
    %scan3A_81 = arith.constant 40 : i32
    %dma_wait3A_82 = arith.constant 0 : i32
    %dma_wait3A_83 = arith.constant 0 : i32
    %dma_wait3A_84 = tpu.memref_slice %arg9[%dma_wait3A_82, %dma_wait3A_83] : memref<16x125xi32, #tpu.memory_space<vmem>> -> memref<1x125xi32, #tpu.memory_space<vmem>>
    %dma_wait3A_85 = tpu.memref_squeeze %dma_wait3A_84 : memref<1x125xi32, #tpu.memory_space<vmem>> -> memref<125xi32, #tpu.memory_space<vmem>>
    %dma_wait3A_86 = arith.constant 0 : i32
    %dma_wait3A_87 = arith.constant 0 : i32
    %dma_wait3A_88 = tpu.memref_slice %arg7[%dma_wait3A_86, %dma_wait3A_87] : memref<10000x128xf32, #tpu.memory_space<vmem_shared>> -> memref<10000x128xf32, #tpu.memory_space<vmem_shared>>
    tpu.wait_indirect_dma semaphore(%arg15 : memref<!tpu.dma_semaphore, #tpu.memory_space<semaphore_mem>>) src(%arg11 : memref<125x128xf32, #tpu.memory_space<vmem>>) dst(%dma_wait3A_88 : memref<10000x128xf32, #tpu.memory_space<vmem_shared>>)
    %barrier3A_89 = arith.constant 0 : index
    tpu.barrier barrier_id(%barrier3A_89)
    %mul3A_90 = arith.constant 16 : i32
    %mul3A_91 = arith.muli %arg0, %mul3A_90 : i32
    %add3A_92 = arith.addi %mul3A_91, %arg1 : i32
    %mul3A_93 = arith.constant 625 : i32
    %mul3A_94 = arith.muli %arg1, %mul3A_93 : i32
    "tpu.region"() ({
      %run_scoped3A = tpu.sem_alloc : memref<!tpu.dma_semaphore, #tpu.memory_space<semaphore_mem>>
      %dma_start3A_95 = arith.constant 0 : i32
      %dma_start3A_96 = arith.constant 0 : i32
      %dma_start3A_97 = tpu.memref_slice %arg6[%add3A_92, %dma_start3A_95, %dma_start3A_96] : memref<32x625x128xf32, #tpu.memory_space<hbm>> -> memref<1x625x128xf32, #tpu.memory_space<hbm>>
      %dma_start3A_98 = tpu.memref_squeeze %dma_start3A_97 : memref<1x625x128xf32, #tpu.memory_space<hbm>> -> memref<625x128xf32, #tpu.memory_space<hbm>>
      %dma_start3A_99 = arith.constant 0 : i32
      %dma_start3A_100 = tpu.memref_slice %arg7[%mul3A_94, %dma_start3A_99] : memref<10000x128xf32, #tpu.memory_space<vmem_shared>> -> memref<625x128xf32, #tpu.memory_space<vmem_shared>>
      tpu.enqueue_dma source(%dma_start3A_100 : memref<625x128xf32, #tpu.memory_space<vmem_shared>>) target(%dma_start3A_98 : memref<625x128xf32, #tpu.memory_space<hbm>>) target_semaphore(%run_scoped3A : memref<!tpu.dma_semaphore, #tpu.memory_space<semaphore_mem>>)
      %dma_wait3A_101 = arith.constant 0 : i32
      %dma_wait3A_102 = arith.constant 0 : i32
      %dma_wait3A_103 = tpu.memref_slice %arg6[%add3A_92, %dma_wait3A_101, %dma_wait3A_102] : memref<32x625x128xf32, #tpu.memory_space<hbm>> -> memref<1x625x128xf32, #tpu.memory_space<hbm>>
      %dma_wait3A_104 = tpu.memref_squeeze %dma_wait3A_103 : memref<1x625x128xf32, #tpu.memory_space<hbm>> -> memref<625x128xf32, #tpu.memory_space<hbm>>
      %dma_wait3A_105 = arith.constant 0 : i32
      %dma_wait3A_106 = tpu.memref_slice %arg7[%mul3A_94, %dma_wait3A_105] : memref<10000x128xf32, #tpu.memory_space<vmem_shared>> -> memref<625x128xf32, #tpu.memory_space<vmem_shared>>
      tpu.wait_dma2 semaphore(%run_scoped3A : memref<!tpu.dma_semaphore, #tpu.memory_space<semaphore_mem>>) src(%dma_wait3A_106 : memref<625x128xf32, #tpu.memory_space<vmem_shared>>) dst(%dma_wait3A_104 : memref<625x128xf32, #tpu.memory_space<hbm>>)
      tpu.yield
    }) : () -> ()
    return
  }
}

#map = affine_map<(d0, d1) -> (0, 0)>
#map1 = affine_map<(d0, d1) -> (0, 0, 0)>
module attributes {stable_mosaic.version = 14 : i64} {
  func.func @_deg_body(%arg0: i32, %arg1: i32, %arg2: memref<1280x125xi32, #tpu.memory_space<hbm>>, %arg3: memref<625x128xf32, #tpu.memory_space<hbm>>, %arg4: memref<125x128xf32, #tpu.memory_space<hbm>>, %arg5: memref<32x625x128xf32, #tpu.memory_space<hbm>>, %arg6: memref<10000x128xf32, #tpu.memory_space<vmem_shared>>, %arg7: memref<40x125xi32, #tpu.memory_space<vmem>>, %arg8: memref<125x128xf32, #tpu.memory_space<vmem>>, %arg9: memref<!tpu.dma_semaphore, #tpu.memory_space<semaphore_mem>>, %arg10: memref<!tpu.dma_semaphore, #tpu.memory_space<semaphore_mem>>) attributes {dimension_semantics = [#tpu.dimension_semantics<core_parallel>, #tpu.dimension_semantics<subcore_parallel>], iteration_bounds = array<i64: 2, 16>, scalar_prefetch = 0 : i64, scratch_operands = 5 : i64, tpu.core_type = #tpu.core_type<sc_vector_subcore>, window_params = [{transform_indices = #map}, {transform_indices = #map}, {transform_indices = #map}, {transform_indices = #map1}]} {
    %mul3A = arith.constant 640 : i32
    %mul3A_0 = arith.muli %arg0, %mul3A : i32
    %mul3A_1 = arith.constant 40 : i32
    %mul3A_2 = arith.muli %arg1, %mul3A_1 : i32
    %add3A = arith.addi %mul3A_0, %mul3A_2 : i32
    %dma_start3A = arith.constant 0 : i32
    %dma_start3A_3 = tpu.memref_slice %arg2[%add3A, %dma_start3A] : memref<1280x125xi32, #tpu.memory_space<hbm>> -> memref<40x125xi32, #tpu.memory_space<hbm>>
    %dma_start3A_4 = arith.constant 0 : i32
    %dma_start3A_5 = tpu.memref_slice %arg2[%add3A, %dma_start3A_4] : memref<1280x125xi32, #tpu.memory_space<hbm>> -> memref<40x125xi32, #tpu.memory_space<hbm>>
    tpu.enqueue_dma source(%dma_start3A_5 : memref<40x125xi32, #tpu.memory_space<hbm>>) target(%arg7 : memref<40x125xi32, #tpu.memory_space<vmem>>) target_semaphore(%arg9 : memref<!tpu.dma_semaphore, #tpu.memory_space<semaphore_mem>>)
    tpu.enqueue_dma source(%arg4 : memref<125x128xf32, #tpu.memory_space<hbm>>) target(%arg8 : memref<125x128xf32, #tpu.memory_space<vmem>>) target_semaphore(%arg9 : memref<!tpu.dma_semaphore, #tpu.memory_space<semaphore_mem>>)
    %mul3A_6 = arith.constant 625 : i32
    %mul3A_7 = arith.muli %arg1, %mul3A_6 : i32
    "tpu.region"() ({
      %run_scoped3A = tpu.sem_alloc : memref<!tpu.dma_semaphore, #tpu.memory_space<semaphore_mem>>
      %dma_start3A_50 = arith.constant 0 : i32
      %dma_start3A_51 = tpu.memref_slice %arg6[%mul3A_7, %dma_start3A_50] : memref<10000x128xf32, #tpu.memory_space<vmem_shared>> -> memref<625x128xf32, #tpu.memory_space<vmem_shared>>
      tpu.enqueue_dma source(%arg3 : memref<625x128xf32, #tpu.memory_space<hbm>>) target(%dma_start3A_51 : memref<625x128xf32, #tpu.memory_space<vmem_shared>>) target_semaphore(%run_scoped3A : memref<!tpu.dma_semaphore, #tpu.memory_space<semaphore_mem>>)
      %dma_wait3A_52 = arith.constant 0 : i32
      %dma_wait3A_53 = tpu.memref_slice %arg6[%mul3A_7, %dma_wait3A_52] : memref<10000x128xf32, #tpu.memory_space<vmem_shared>> -> memref<625x128xf32, #tpu.memory_space<vmem_shared>>
      tpu.wait_dma2 semaphore(%run_scoped3A : memref<!tpu.dma_semaphore, #tpu.memory_space<semaphore_mem>>) src(%arg3 : memref<625x128xf32, #tpu.memory_space<hbm>>) dst(%dma_wait3A_53 : memref<625x128xf32, #tpu.memory_space<vmem_shared>>)
      tpu.yield
    }) : () -> ()
    %dma_wait3A = arith.constant 0 : i32
    %dma_wait3A_8 = tpu.memref_slice %arg2[%add3A, %dma_wait3A] : memref<1280x125xi32, #tpu.memory_space<hbm>> -> memref<40x125xi32, #tpu.memory_space<hbm>>
    %dma_wait3A_9 = arith.constant 0 : i32
    %dma_wait3A_10 = tpu.memref_slice %arg2[%add3A, %dma_wait3A_9] : memref<1280x125xi32, #tpu.memory_space<hbm>> -> memref<40x125xi32, #tpu.memory_space<hbm>>
    tpu.wait_dma2 semaphore(%arg9 : memref<!tpu.dma_semaphore, #tpu.memory_space<semaphore_mem>>) src(%dma_wait3A_10 : memref<40x125xi32, #tpu.memory_space<hbm>>) dst(%arg7 : memref<40x125xi32, #tpu.memory_space<vmem>>)
    tpu.wait_dma2 semaphore(%arg9 : memref<!tpu.dma_semaphore, #tpu.memory_space<semaphore_mem>>) src(%arg4 : memref<125x128xf32, #tpu.memory_space<hbm>>) dst(%arg8 : memref<125x128xf32, #tpu.memory_space<vmem>>)
    %barrier3A = arith.constant 0 : index
    tpu.barrier barrier_id(%barrier3A)
    %scan3A = arith.constant 0 : i32
    %scan3A_11 = arith.constant 0 : i32
    %scan3A_12 = arith.constant 40 : i32
    %scan3A_13 = arith.addi %scan3A_11, %scan3A_12 : i32
    %scan3A_14 = arith.constant 1 : i32
    scf.for %scan3A_50 = %scan3A_11 to %scan3A_13 step %scan3A_14  : i32 {
      %dma_start3A_51 = arith.constant 0 : i32
      %dma_start3A_52 = tpu.memref_slice %arg7[%scan3A_50, %dma_start3A_51] : memref<40x125xi32, #tpu.memory_space<vmem>> -> memref<1x125xi32, #tpu.memory_space<vmem>>
      %dma_start3A_53 = tpu.memref_squeeze %dma_start3A_52 : memref<1x125xi32, #tpu.memory_space<vmem>> -> memref<125xi32, #tpu.memory_space<vmem>>
      %dma_start3A_54 = arith.constant 0 : i32
      %dma_start3A_55 = arith.constant 0 : i32
      %dma_start3A_56 = tpu.memref_slice %arg6[%dma_start3A_54, %dma_start3A_55] : memref<10000x128xf32, #tpu.memory_space<vmem_shared>> -> memref<10000x128xf32, #tpu.memory_space<vmem_shared>>
      tpu.enqueue_indirect_dma source(%arg8 : memref<125x128xf32, #tpu.memory_space<vmem>>) target(%dma_start3A_56 : memref<10000x128xf32, #tpu.memory_space<vmem_shared>>) offsets(%dma_start3A_53 : memref<125xi32, #tpu.memory_space<vmem>>) semaphore(%arg10 : memref<!tpu.dma_semaphore, #tpu.memory_space<semaphore_mem>>) {add = true}
      %ge3A = arith.constant 4 : i32
      %ge3A_57 = arith.cmpi sge, %scan3A_50, %ge3A : i32
      %convert_element_type3A = arith.extui %ge3A_57 : i1 to i32
      %cond3A = arith.constant 0 : i32
      %cond3A_58 = arith.cmpi ne, %convert_element_type3A, %cond3A : i32
      scf.if %cond3A_58 {
        %dma_wait3A_59 = arith.constant 0 : i32
        %dma_wait3A_60 = arith.constant 0 : i32
        %dma_wait3A_61 = tpu.memref_slice %arg7[%dma_wait3A_59, %dma_wait3A_60] : memref<40x125xi32, #tpu.memory_space<vmem>> -> memref<1x125xi32, #tpu.memory_space<vmem>>
        %dma_wait3A_62 = tpu.memref_squeeze %dma_wait3A_61 : memref<1x125xi32, #tpu.memory_space<vmem>> -> memref<125xi32, #tpu.memory_space<vmem>>
        %dma_wait3A_63 = arith.constant 0 : i32
        %dma_wait3A_64 = arith.constant 0 : i32
        %dma_wait3A_65 = tpu.memref_slice %arg6[%dma_wait3A_63, %dma_wait3A_64] : memref<10000x128xf32, #tpu.memory_space<vmem_shared>> -> memref<10000x128xf32, #tpu.memory_space<vmem_shared>>
        tpu.wait_indirect_dma semaphore(%arg10 : memref<!tpu.dma_semaphore, #tpu.memory_space<semaphore_mem>>) src(%arg8 : memref<125x128xf32, #tpu.memory_space<vmem>>) dst(%dma_wait3A_65 : memref<10000x128xf32, #tpu.memory_space<vmem_shared>>)
      } else {
      }
    }
    %scan3A_15 = arith.constant 40 : i32
    %dma_wait3A_16 = arith.constant 0 : i32
    %dma_wait3A_17 = arith.constant 0 : i32
    %dma_wait3A_18 = tpu.memref_slice %arg7[%dma_wait3A_16, %dma_wait3A_17] : memref<40x125xi32, #tpu.memory_space<vmem>> -> memref<1x125xi32, #tpu.memory_space<vmem>>
    %dma_wait3A_19 = tpu.memref_squeeze %dma_wait3A_18 : memref<1x125xi32, #tpu.memory_space<vmem>> -> memref<125xi32, #tpu.memory_space<vmem>>
    %dma_wait3A_20 = arith.constant 0 : i32
    %dma_wait3A_21 = arith.constant 0 : i32
    %dma_wait3A_22 = tpu.memref_slice %arg6[%dma_wait3A_20, %dma_wait3A_21] : memref<10000x128xf32, #tpu.memory_space<vmem_shared>> -> memref<10000x128xf32, #tpu.memory_space<vmem_shared>>
    tpu.wait_indirect_dma semaphore(%arg10 : memref<!tpu.dma_semaphore, #tpu.memory_space<semaphore_mem>>) src(%arg8 : memref<125x128xf32, #tpu.memory_space<vmem>>) dst(%dma_wait3A_22 : memref<10000x128xf32, #tpu.memory_space<vmem_shared>>)
    %dma_wait3A_23 = arith.constant 0 : i32
    %dma_wait3A_24 = arith.constant 0 : i32
    %dma_wait3A_25 = tpu.memref_slice %arg7[%dma_wait3A_23, %dma_wait3A_24] : memref<40x125xi32, #tpu.memory_space<vmem>> -> memref<1x125xi32, #tpu.memory_space<vmem>>
    %dma_wait3A_26 = tpu.memref_squeeze %dma_wait3A_25 : memref<1x125xi32, #tpu.memory_space<vmem>> -> memref<125xi32, #tpu.memory_space<vmem>>
    %dma_wait3A_27 = arith.constant 0 : i32
    %dma_wait3A_28 = arith.constant 0 : i32
    %dma_wait3A_29 = tpu.memref_slice %arg6[%dma_wait3A_27, %dma_wait3A_28] : memref<10000x128xf32, #tpu.memory_space<vmem_shared>> -> memref<10000x128xf32, #tpu.memory_space<vmem_shared>>
    tpu.wait_indirect_dma semaphore(%arg10 : memref<!tpu.dma_semaphore, #tpu.memory_space<semaphore_mem>>) src(%arg8 : memref<125x128xf32, #tpu.memory_space<vmem>>) dst(%dma_wait3A_29 : memref<10000x128xf32, #tpu.memory_space<vmem_shared>>)
    %dma_wait3A_30 = arith.constant 0 : i32
    %dma_wait3A_31 = arith.constant 0 : i32
    %dma_wait3A_32 = tpu.memref_slice %arg7[%dma_wait3A_30, %dma_wait3A_31] : memref<40x125xi32, #tpu.memory_space<vmem>> -> memref<1x125xi32, #tpu.memory_space<vmem>>
    %dma_wait3A_33 = tpu.memref_squeeze %dma_wait3A_32 : memref<1x125xi32, #tpu.memory_space<vmem>> -> memref<125xi32, #tpu.memory_space<vmem>>
    %dma_wait3A_34 = arith.constant 0 : i32
    %dma_wait3A_35 = arith.constant 0 : i32
    %dma_wait3A_36 = tpu.memref_slice %arg6[%dma_wait3A_34, %dma_wait3A_35] : memref<10000x128xf32, #tpu.memory_space<vmem_shared>> -> memref<10000x128xf32, #tpu.memory_space<vmem_shared>>
    tpu.wait_indirect_dma semaphore(%arg10 : memref<!tpu.dma_semaphore, #tpu.memory_space<semaphore_mem>>) src(%arg8 : memref<125x128xf32, #tpu.memory_space<vmem>>) dst(%dma_wait3A_36 : memref<10000x128xf32, #tpu.memory_space<vmem_shared>>)
    %dma_wait3A_37 = arith.constant 0 : i32
    %dma_wait3A_38 = arith.constant 0 : i32
    %dma_wait3A_39 = tpu.memref_slice %arg7[%dma_wait3A_37, %dma_wait3A_38] : memref<40x125xi32, #tpu.memory_space<vmem>> -> memref<1x125xi32, #tpu.memory_space<vmem>>
    %dma_wait3A_40 = tpu.memref_squeeze %dma_wait3A_39 : memref<1x125xi32, #tpu.memory_space<vmem>> -> memref<125xi32, #tpu.memory_space<vmem>>
    %dma_wait3A_41 = arith.constant 0 : i32
    %dma_wait3A_42 = arith.constant 0 : i32
    %dma_wait3A_43 = tpu.memref_slice %arg6[%dma_wait3A_41, %dma_wait3A_42] : memref<10000x128xf32, #tpu.memory_space<vmem_shared>> -> memref<10000x128xf32, #tpu.memory_space<vmem_shared>>
    tpu.wait_indirect_dma semaphore(%arg10 : memref<!tpu.dma_semaphore, #tpu.memory_space<semaphore_mem>>) src(%arg8 : memref<125x128xf32, #tpu.memory_space<vmem>>) dst(%dma_wait3A_43 : memref<10000x128xf32, #tpu.memory_space<vmem_shared>>)
    %barrier3A_44 = arith.constant 0 : index
    tpu.barrier barrier_id(%barrier3A_44)
    %mul3A_45 = arith.constant 16 : i32
    %mul3A_46 = arith.muli %arg0, %mul3A_45 : i32
    %add3A_47 = arith.addi %mul3A_46, %arg1 : i32
    %mul3A_48 = arith.constant 625 : i32
    %mul3A_49 = arith.muli %arg1, %mul3A_48 : i32
    "tpu.region"() ({
      %run_scoped3A = tpu.sem_alloc : memref<!tpu.dma_semaphore, #tpu.memory_space<semaphore_mem>>
      %dma_start3A_50 = arith.constant 0 : i32
      %dma_start3A_51 = arith.constant 0 : i32
      %dma_start3A_52 = tpu.memref_slice %arg5[%add3A_47, %dma_start3A_50, %dma_start3A_51] : memref<32x625x128xf32, #tpu.memory_space<hbm>> -> memref<1x625x128xf32, #tpu.memory_space<hbm>>
      %dma_start3A_53 = tpu.memref_squeeze %dma_start3A_52 : memref<1x625x128xf32, #tpu.memory_space<hbm>> -> memref<625x128xf32, #tpu.memory_space<hbm>>
      %dma_start3A_54 = arith.constant 0 : i32
      %dma_start3A_55 = tpu.memref_slice %arg6[%mul3A_49, %dma_start3A_54] : memref<10000x128xf32, #tpu.memory_space<vmem_shared>> -> memref<625x128xf32, #tpu.memory_space<vmem_shared>>
      tpu.enqueue_dma source(%dma_start3A_55 : memref<625x128xf32, #tpu.memory_space<vmem_shared>>) target(%dma_start3A_53 : memref<625x128xf32, #tpu.memory_space<hbm>>) target_semaphore(%run_scoped3A : memref<!tpu.dma_semaphore, #tpu.memory_space<semaphore_mem>>)
      %dma_wait3A_56 = arith.constant 0 : i32
      %dma_wait3A_57 = arith.constant 0 : i32
      %dma_wait3A_58 = tpu.memref_slice %arg5[%add3A_47, %dma_wait3A_56, %dma_wait3A_57] : memref<32x625x128xf32, #tpu.memory_space<hbm>> -> memref<1x625x128xf32, #tpu.memory_space<hbm>>
      %dma_wait3A_59 = tpu.memref_squeeze %dma_wait3A_58 : memref<1x625x128xf32, #tpu.memory_space<hbm>> -> memref<625x128xf32, #tpu.memory_space<hbm>>
      %dma_wait3A_60 = arith.constant 0 : i32
      %dma_wait3A_61 = tpu.memref_slice %arg6[%mul3A_49, %dma_wait3A_60] : memref<10000x128xf32, #tpu.memory_space<vmem_shared>> -> memref<625x128xf32, #tpu.memory_space<vmem_shared>>
      tpu.wait_dma2 semaphore(%run_scoped3A : memref<!tpu.dma_semaphore, #tpu.memory_space<semaphore_mem>>) src(%dma_wait3A_61 : memref<625x128xf32, #tpu.memory_space<vmem_shared>>) dst(%dma_wait3A_59 : memref<625x128xf32, #tpu.memory_space<hbm>>)
      tpu.yield
    }) : () -> ()
    return
  }
}

#map = affine_map<(d0, d1) -> (0, 0)>
#map1 = affine_map<(d0, d1) -> (0, 0, 0)>
module attributes {stable_mosaic.version = 14 : i64} {
  func.func @_scat_body(%arg0: i32, %arg1: i32, %arg2: memref<20000x128xf32, #tpu.memory_space<hbm>>, %arg3: memref<2x1280x125xi32, #tpu.memory_space<hbm>>, %arg4: memref<1280x125xi32, #tpu.memory_space<hbm>>, %arg5: memref<625x128xf32, #tpu.memory_space<hbm>>, %arg6: memref<32x625x128xf32, #tpu.memory_space<hbm>>, %arg7: memref<10000x128xf32, #tpu.memory_space<vmem_shared>>, %arg8: memref<16x125xi32, #tpu.memory_space<vmem>>, %arg9: memref<16x125xi32, #tpu.memory_space<vmem>>, %arg10: memref<125x128xf32, #tpu.memory_space<vmem>>, %arg11: memref<125x128xf32, #tpu.memory_space<vmem>>, %arg12: memref<!tpu.dma_semaphore, #tpu.memory_space<semaphore_mem>>, %arg13: memref<!tpu.dma_semaphore, #tpu.memory_space<semaphore_mem>>, %arg14: memref<!tpu.dma_semaphore, #tpu.memory_space<semaphore_mem>>, %arg15: memref<!tpu.dma_semaphore, #tpu.memory_space<semaphore_mem>>, %arg16: memref<!tpu.dma_semaphore, #tpu.memory_space<semaphore_mem>>) attributes {dimension_semantics = [#tpu.dimension_semantics<core_parallel>, #tpu.dimension_semantics<subcore_parallel>], iteration_bounds = array<i64: 2, 16>, scalar_prefetch = 0 : i64, scratch_operands = 10 : i64, tpu.core_type = #tpu.core_type<sc_vector_subcore>, window_params = [{transform_indices = #map}, {transform_indices = #map1}, {transform_indices = #map}, {transform_indices = #map}, {transform_indices = #map1}]} {
    %mul3A = arith.constant 80 : i32
    %mul3A_0 = arith.muli %arg1, %mul3A : i32
    %dma_start3A = arith.constant 0 : i32
    %dma_start3A_1 = arith.constant 0 : i32
    %dma_start3A_2 = tpu.memref_slice %arg8[%dma_start3A, %dma_start3A_1] : memref<16x125xi32, #tpu.memory_space<vmem>> -> memref<8x125xi32, #tpu.memory_space<vmem>>
    %dma_start3A_3 = arith.constant 0 : i32
    %dma_start3A_4 = tpu.memref_slice %arg3[%arg0, %mul3A_0, %dma_start3A_3] : memref<2x1280x125xi32, #tpu.memory_space<hbm>> -> memref<1x8x125xi32, #tpu.memory_space<hbm>>
    %dma_start3A_5 = tpu.memref_squeeze %dma_start3A_4 : memref<1x8x125xi32, #tpu.memory_space<hbm>> -> memref<8x125xi32, #tpu.memory_space<hbm>>
    %dma_start3A_6 = arith.constant 0 : i32
    %dma_start3A_7 = arith.constant 0 : i32
    %dma_start3A_8 = tpu.memref_slice %arg8[%dma_start3A_6, %dma_start3A_7] : memref<16x125xi32, #tpu.memory_space<vmem>> -> memref<8x125xi32, #tpu.memory_space<vmem>>
    %dma_start3A_9 = arith.constant 0 : i32
    %dma_start3A_10 = tpu.memref_slice %arg3[%arg0, %mul3A_0, %dma_start3A_9] : memref<2x1280x125xi32, #tpu.memory_space<hbm>> -> memref<1x8x125xi32, #tpu.memory_space<hbm>>
    %dma_start3A_11 = tpu.memref_squeeze %dma_start3A_10 : memref<1x8x125xi32, #tpu.memory_space<hbm>> -> memref<8x125xi32, #tpu.memory_space<hbm>>
    tpu.enqueue_dma source(%dma_start3A_11 : memref<8x125xi32, #tpu.memory_space<hbm>>) target(%dma_start3A_8 : memref<8x125xi32, #tpu.memory_space<vmem>>) target_semaphore(%arg16 : memref<!tpu.dma_semaphore, #tpu.memory_space<semaphore_mem>>)
    %dma_start3A_12 = arith.constant 0 : i32
    %dma_start3A_13 = arith.constant 0 : i32
    %dma_start3A_14 = tpu.memref_slice %arg9[%dma_start3A_12, %dma_start3A_13] : memref<16x125xi32, #tpu.memory_space<vmem>> -> memref<8x125xi32, #tpu.memory_space<vmem>>
    %dma_start3A_15 = arith.constant 0 : i32
    %dma_start3A_16 = tpu.memref_slice %arg4[%mul3A_0, %dma_start3A_15] : memref<1280x125xi32, #tpu.memory_space<hbm>> -> memref<8x125xi32, #tpu.memory_space<hbm>>
    %dma_start3A_17 = arith.constant 0 : i32
    %dma_start3A_18 = arith.constant 0 : i32
    %dma_start3A_19 = tpu.memref_slice %arg9[%dma_start3A_17, %dma_start3A_18] : memref<16x125xi32, #tpu.memory_space<vmem>> -> memref<8x125xi32, #tpu.memory_space<vmem>>
    %dma_start3A_20 = arith.constant 0 : i32
    %dma_start3A_21 = tpu.memref_slice %arg4[%mul3A_0, %dma_start3A_20] : memref<1280x125xi32, #tpu.memory_space<hbm>> -> memref<8x125xi32, #tpu.memory_space<hbm>>
    tpu.enqueue_dma source(%dma_start3A_21 : memref<8x125xi32, #tpu.memory_space<hbm>>) target(%dma_start3A_19 : memref<8x125xi32, #tpu.memory_space<vmem>>) target_semaphore(%arg16 : memref<!tpu.dma_semaphore, #tpu.memory_space<semaphore_mem>>)
    %mul3A_22 = arith.constant 625 : i32
    %mul3A_23 = arith.muli %arg1, %mul3A_22 : i32
    "tpu.region"() ({
      %run_scoped3A = tpu.sem_alloc : memref<!tpu.dma_semaphore, #tpu.memory_space<semaphore_mem>>
      %dma_start3A_95 = arith.constant 0 : i32
      %dma_start3A_96 = tpu.memref_slice %arg7[%mul3A_23, %dma_start3A_95] : memref<10000x128xf32, #tpu.memory_space<vmem_shared>> -> memref<625x128xf32, #tpu.memory_space<vmem_shared>>
      tpu.enqueue_dma source(%arg5 : memref<625x128xf32, #tpu.memory_space<hbm>>) target(%dma_start3A_96 : memref<625x128xf32, #tpu.memory_space<vmem_shared>>) target_semaphore(%run_scoped3A : memref<!tpu.dma_semaphore, #tpu.memory_space<semaphore_mem>>)
      %dma_wait3A_97 = arith.constant 0 : i32
      %dma_wait3A_98 = tpu.memref_slice %arg7[%mul3A_23, %dma_wait3A_97] : memref<10000x128xf32, #tpu.memory_space<vmem_shared>> -> memref<625x128xf32, #tpu.memory_space<vmem_shared>>
      tpu.wait_dma2 semaphore(%run_scoped3A : memref<!tpu.dma_semaphore, #tpu.memory_space<semaphore_mem>>) src(%arg5 : memref<625x128xf32, #tpu.memory_space<hbm>>) dst(%dma_wait3A_98 : memref<625x128xf32, #tpu.memory_space<vmem_shared>>)
      tpu.yield
    }) : () -> ()
    %dma_wait3A = arith.constant 0 : i32
    %dma_wait3A_24 = arith.constant 0 : i32
    %dma_wait3A_25 = tpu.memref_slice %arg8[%dma_wait3A, %dma_wait3A_24] : memref<16x125xi32, #tpu.memory_space<vmem>> -> memref<8x125xi32, #tpu.memory_space<vmem>>
    %dma_wait3A_26 = arith.constant 0 : i32
    %dma_wait3A_27 = tpu.memref_slice %arg3[%arg0, %mul3A_0, %dma_wait3A_26] : memref<2x1280x125xi32, #tpu.memory_space<hbm>> -> memref<1x8x125xi32, #tpu.memory_space<hbm>>
    %dma_wait3A_28 = tpu.memref_squeeze %dma_wait3A_27 : memref<1x8x125xi32, #tpu.memory_space<hbm>> -> memref<8x125xi32, #tpu.memory_space<hbm>>
    %dma_wait3A_29 = arith.constant 0 : i32
    %dma_wait3A_30 = arith.constant 0 : i32
    %dma_wait3A_31 = tpu.memref_slice %arg8[%dma_wait3A_29, %dma_wait3A_30] : memref<16x125xi32, #tpu.memory_space<vmem>> -> memref<8x125xi32, #tpu.memory_space<vmem>>
    %dma_wait3A_32 = arith.constant 0 : i32
    %dma_wait3A_33 = tpu.memref_slice %arg3[%arg0, %mul3A_0, %dma_wait3A_32] : memref<2x1280x125xi32, #tpu.memory_space<hbm>> -> memref<1x8x125xi32, #tpu.memory_space<hbm>>
    %dma_wait3A_34 = tpu.memref_squeeze %dma_wait3A_33 : memref<1x8x125xi32, #tpu.memory_space<hbm>> -> memref<8x125xi32, #tpu.memory_space<hbm>>
    tpu.wait_dma2 semaphore(%arg16 : memref<!tpu.dma_semaphore, #tpu.memory_space<semaphore_mem>>) src(%dma_wait3A_34 : memref<8x125xi32, #tpu.memory_space<hbm>>) dst(%dma_wait3A_31 : memref<8x125xi32, #tpu.memory_space<vmem>>)
    %dma_wait3A_35 = arith.constant 0 : i32
    %dma_wait3A_36 = arith.constant 0 : i32
    %dma_wait3A_37 = tpu.memref_slice %arg9[%dma_wait3A_35, %dma_wait3A_36] : memref<16x125xi32, #tpu.memory_space<vmem>> -> memref<8x125xi32, #tpu.memory_space<vmem>>
    %dma_wait3A_38 = arith.constant 0 : i32
    %dma_wait3A_39 = tpu.memref_slice %arg4[%mul3A_0, %dma_wait3A_38] : memref<1280x125xi32, #tpu.memory_space<hbm>> -> memref<8x125xi32, #tpu.memory_space<hbm>>
    %dma_wait3A_40 = arith.constant 0 : i32
    %dma_wait3A_41 = arith.constant 0 : i32
    %dma_wait3A_42 = tpu.memref_slice %arg9[%dma_wait3A_40, %dma_wait3A_41] : memref<16x125xi32, #tpu.memory_space<vmem>> -> memref<8x125xi32, #tpu.memory_space<vmem>>
    %dma_wait3A_43 = arith.constant 0 : i32
    %dma_wait3A_44 = tpu.memref_slice %arg4[%mul3A_0, %dma_wait3A_43] : memref<1280x125xi32, #tpu.memory_space<hbm>> -> memref<8x125xi32, #tpu.memory_space<hbm>>
    tpu.wait_dma2 semaphore(%arg16 : memref<!tpu.dma_semaphore, #tpu.memory_space<semaphore_mem>>) src(%dma_wait3A_44 : memref<8x125xi32, #tpu.memory_space<hbm>>) dst(%dma_wait3A_42 : memref<8x125xi32, #tpu.memory_space<vmem>>)
    %add3A = arith.constant 8 : i32
    %add3A_45 = arith.addi %mul3A_0, %add3A : i32
    %dma_start3A_46 = arith.constant 8 : i32
    %dma_start3A_47 = arith.constant 0 : i32
    %dma_start3A_48 = tpu.memref_slice %arg8[%dma_start3A_46, %dma_start3A_47] : memref<16x125xi32, #tpu.memory_space<vmem>> -> memref<8x125xi32, #tpu.memory_space<vmem>>
    %dma_start3A_49 = arith.constant 0 : i32
    %dma_start3A_50 = tpu.memref_slice %arg3[%arg0, %add3A_45, %dma_start3A_49] : memref<2x1280x125xi32, #tpu.memory_space<hbm>> -> memref<1x8x125xi32, #tpu.memory_space<hbm>>
    %dma_start3A_51 = tpu.memref_squeeze %dma_start3A_50 : memref<1x8x125xi32, #tpu.memory_space<hbm>> -> memref<8x125xi32, #tpu.memory_space<hbm>>
    %dma_start3A_52 = arith.constant 8 : i32
    %dma_start3A_53 = arith.constant 0 : i32
    %dma_start3A_54 = tpu.memref_slice %arg8[%dma_start3A_52, %dma_start3A_53] : memref<16x125xi32, #tpu.memory_space<vmem>> -> memref<8x125xi32, #tpu.memory_space<vmem>>
    %dma_start3A_55 = arith.constant 0 : i32
    %dma_start3A_56 = tpu.memref_slice %arg3[%arg0, %add3A_45, %dma_start3A_55] : memref<2x1280x125xi32, #tpu.memory_space<hbm>> -> memref<1x8x125xi32, #tpu.memory_space<hbm>>
    %dma_start3A_57 = tpu.memref_squeeze %dma_start3A_56 : memref<1x8x125xi32, #tpu.memory_space<hbm>> -> memref<8x125xi32, #tpu.memory_space<hbm>>
    tpu.enqueue_dma source(%dma_start3A_57 : memref<8x125xi32, #tpu.memory_space<hbm>>) target(%dma_start3A_54 : memref<8x125xi32, #tpu.memory_space<vmem>>) target_semaphore(%arg16 : memref<!tpu.dma_semaphore, #tpu.memory_space<semaphore_mem>>)
    %add3A_58 = arith.constant 8 : i32
    %add3A_59 = arith.addi %mul3A_0, %add3A_58 : i32
    %dma_start3A_60 = arith.constant 8 : i32
    %dma_start3A_61 = arith.constant 0 : i32
    %dma_start3A_62 = tpu.memref_slice %arg9[%dma_start3A_60, %dma_start3A_61] : memref<16x125xi32, #tpu.memory_space<vmem>> -> memref<8x125xi32, #tpu.memory_space<vmem>>
    %dma_start3A_63 = arith.constant 0 : i32
    %dma_start3A_64 = tpu.memref_slice %arg4[%add3A_59, %dma_start3A_63] : memref<1280x125xi32, #tpu.memory_space<hbm>> -> memref<8x125xi32, #tpu.memory_space<hbm>>
    %dma_start3A_65 = arith.constant 8 : i32
    %dma_start3A_66 = arith.constant 0 : i32
    %dma_start3A_67 = tpu.memref_slice %arg9[%dma_start3A_65, %dma_start3A_66] : memref<16x125xi32, #tpu.memory_space<vmem>> -> memref<8x125xi32, #tpu.memory_space<vmem>>
    %dma_start3A_68 = arith.constant 0 : i32
    %dma_start3A_69 = tpu.memref_slice %arg4[%add3A_59, %dma_start3A_68] : memref<1280x125xi32, #tpu.memory_space<hbm>> -> memref<8x125xi32, #tpu.memory_space<hbm>>
    tpu.enqueue_dma source(%dma_start3A_69 : memref<8x125xi32, #tpu.memory_space<hbm>>) target(%dma_start3A_67 : memref<8x125xi32, #tpu.memory_space<vmem>>) target_semaphore(%arg16 : memref<!tpu.dma_semaphore, #tpu.memory_space<semaphore_mem>>)
    %dma_start3A_70 = arith.constant 0 : i32
    %dma_start3A_71 = arith.constant 0 : i32
    %dma_start3A_72 = tpu.memref_slice %arg8[%dma_start3A_70, %dma_start3A_71] : memref<16x125xi32, #tpu.memory_space<vmem>> -> memref<1x125xi32, #tpu.memory_space<vmem>>
    %dma_start3A_73 = tpu.memref_squeeze %dma_start3A_72 : memref<1x125xi32, #tpu.memory_space<vmem>> -> memref<125xi32, #tpu.memory_space<vmem>>
    %dma_start3A_74 = arith.constant 0 : i32
    %dma_start3A_75 = arith.constant 0 : i32
    %dma_start3A_76 = tpu.memref_slice %arg2[%dma_start3A_74, %dma_start3A_75] : memref<20000x128xf32, #tpu.memory_space<hbm>> -> memref<20000x128xf32, #tpu.memory_space<hbm>>
    tpu.enqueue_indirect_dma source(%dma_start3A_76 : memref<20000x128xf32, #tpu.memory_space<hbm>>) target(%arg10 : memref<125x128xf32, #tpu.memory_space<vmem>>) offsets(%dma_start3A_73 : memref<125xi32, #tpu.memory_space<vmem>>) semaphore(%arg12 : memref<!tpu.dma_semaphore, #tpu.memory_space<semaphore_mem>>)
    %barrier3A = arith.constant 0 : index
    tpu.barrier barrier_id(%barrier3A)
    %scan3A = arith.constant 0 : i32
    %scan3A_77 = arith.constant 0 : i32
    %scan3A_78 = arith.constant 40 : i32
    %scan3A_79 = arith.addi %scan3A_77, %scan3A_78 : i32
    %scan3A_80 = arith.constant 1 : i32
    scf.for %scan3A_95 = %scan3A_77 to %scan3A_79 step %scan3A_80  : i32 {
      %mul3A_96 = arith.constant 2 : i32
      %mul3A_97 = arith.muli %mul3A_96, %scan3A_95 : i32
      %add3A_98 = arith.constant 1 : i32
      %add3A_99 = arith.addi %mul3A_97, %add3A_98 : i32
      %rem3A = arith.constant 16 : i32
      %rem3A_100 = arith.remsi %mul3A_97, %rem3A : i32
      %add3A_101 = arith.constant 1 : i32
      %add3A_102 = arith.addi %rem3A_100, %add3A_101 : i32
      %dma_wait3A_103 = arith.constant 0 : i32
      %dma_wait3A_104 = arith.constant 0 : i32
      %dma_wait3A_105 = tpu.memref_slice %arg8[%dma_wait3A_103, %dma_wait3A_104] : memref<16x125xi32, #tpu.memory_space<vmem>> -> memref<1x125xi32, #tpu.memory_space<vmem>>
      %dma_wait3A_106 = tpu.memref_squeeze %dma_wait3A_105 : memref<1x125xi32, #tpu.memory_space<vmem>> -> memref<125xi32, #tpu.memory_space<vmem>>
      %dma_wait3A_107 = arith.constant 0 : i32
      %dma_wait3A_108 = arith.constant 0 : i32
      %dma_wait3A_109 = tpu.memref_slice %arg2[%dma_wait3A_107, %dma_wait3A_108] : memref<20000x128xf32, #tpu.memory_space<hbm>> -> memref<20000x128xf32, #tpu.memory_space<hbm>>
      tpu.wait_indirect_dma semaphore(%arg12 : memref<!tpu.dma_semaphore, #tpu.memory_space<semaphore_mem>>) src(%dma_wait3A_109 : memref<20000x128xf32, #tpu.memory_space<hbm>>) dst(%arg10 : memref<125x128xf32, #tpu.memory_space<vmem>>)
      %dma_start3A_110 = arith.constant 0 : i32
      %dma_start3A_111 = tpu.memref_slice %arg9[%rem3A_100, %dma_start3A_110] : memref<16x125xi32, #tpu.memory_space<vmem>> -> memref<1x125xi32, #tpu.memory_space<vmem>>
      %dma_start3A_112 = tpu.memref_squeeze %dma_start3A_111 : memref<1x125xi32, #tpu.memory_space<vmem>> -> memref<125xi32, #tpu.memory_space<vmem>>
      %dma_start3A_113 = arith.constant 0 : i32
      %dma_start3A_114 = arith.constant 0 : i32
      %dma_start3A_115 = tpu.memref_slice %arg7[%dma_start3A_113, %dma_start3A_114] : memref<10000x128xf32, #tpu.memory_space<vmem_shared>> -> memref<10000x128xf32, #tpu.memory_space<vmem_shared>>
      tpu.enqueue_indirect_dma source(%arg10 : memref<125x128xf32, #tpu.memory_space<vmem>>) target(%dma_start3A_115 : memref<10000x128xf32, #tpu.memory_space<vmem_shared>>) offsets(%dma_start3A_112 : memref<125xi32, #tpu.memory_space<vmem>>) semaphore(%arg14 : memref<!tpu.dma_semaphore, #tpu.memory_space<semaphore_mem>>) {add = true}
      %gt3A = arith.constant 0 : i32
      %gt3A_116 = arith.cmpi sgt, %scan3A_95, %gt3A : i32
      %convert_element_type3A = arith.extui %gt3A_116 : i1 to i32
      %cond3A = arith.constant 0 : i32
      %cond3A_117 = arith.cmpi ne, %convert_element_type3A, %cond3A : i32
      scf.if %cond3A_117 {
        %dma_wait3A_180 = arith.constant 0 : i32
        %dma_wait3A_181 = arith.constant 0 : i32
        %dma_wait3A_182 = tpu.memref_slice %arg9[%dma_wait3A_180, %dma_wait3A_181] : memref<16x125xi32, #tpu.memory_space<vmem>> -> memref<1x125xi32, #tpu.memory_space<vmem>>
        %dma_wait3A_183 = tpu.memref_squeeze %dma_wait3A_182 : memref<1x125xi32, #tpu.memory_space<vmem>> -> memref<125xi32, #tpu.memory_space<vmem>>
        %dma_wait3A_184 = arith.constant 0 : i32
        %dma_wait3A_185 = arith.constant 0 : i32
        %dma_wait3A_186 = tpu.memref_slice %arg7[%dma_wait3A_184, %dma_wait3A_185] : memref<10000x128xf32, #tpu.memory_space<vmem_shared>> -> memref<10000x128xf32, #tpu.memory_space<vmem_shared>>
        tpu.wait_indirect_dma semaphore(%arg15 : memref<!tpu.dma_semaphore, #tpu.memory_space<semaphore_mem>>) src(%arg11 : memref<125x128xf32, #tpu.memory_space<vmem>>) dst(%dma_wait3A_186 : memref<10000x128xf32, #tpu.memory_space<vmem_shared>>)
      } else {
      }
      %dma_start3A_118 = arith.constant 0 : i32
      %dma_start3A_119 = tpu.memref_slice %arg8[%add3A_102, %dma_start3A_118] : memref<16x125xi32, #tpu.memory_space<vmem>> -> memref<1x125xi32, #tpu.memory_space<vmem>>
      %dma_start3A_120 = tpu.memref_squeeze %dma_start3A_119 : memref<1x125xi32, #tpu.memory_space<vmem>> -> memref<125xi32, #tpu.memory_space<vmem>>
      %dma_start3A_121 = arith.constant 0 : i32
      %dma_start3A_122 = arith.constant 0 : i32
      %dma_start3A_123 = tpu.memref_slice %arg2[%dma_start3A_121, %dma_start3A_122] : memref<20000x128xf32, #tpu.memory_space<hbm>> -> memref<20000x128xf32, #tpu.memory_space<hbm>>
      tpu.enqueue_indirect_dma source(%dma_start3A_123 : memref<20000x128xf32, #tpu.memory_space<hbm>>) target(%arg11 : memref<125x128xf32, #tpu.memory_space<vmem>>) offsets(%dma_start3A_120 : memref<125xi32, #tpu.memory_space<vmem>>) semaphore(%arg13 : memref<!tpu.dma_semaphore, #tpu.memory_space<semaphore_mem>>)
      %dma_wait3A_124 = arith.constant 0 : i32
      %dma_wait3A_125 = arith.constant 0 : i32
      %dma_wait3A_126 = tpu.memref_slice %arg8[%dma_wait3A_124, %dma_wait3A_125] : memref<16x125xi32, #tpu.memory_space<vmem>> -> memref<1x125xi32, #tpu.memory_space<vmem>>
      %dma_wait3A_127 = tpu.memref_squeeze %dma_wait3A_126 : memref<1x125xi32, #tpu.memory_space<vmem>> -> memref<125xi32, #tpu.memory_space<vmem>>
      %dma_wait3A_128 = arith.constant 0 : i32
      %dma_wait3A_129 = arith.constant 0 : i32
      %dma_wait3A_130 = tpu.memref_slice %arg2[%dma_wait3A_128, %dma_wait3A_129] : memref<20000x128xf32, #tpu.memory_space<hbm>> -> memref<20000x128xf32, #tpu.memory_space<hbm>>
      tpu.wait_indirect_dma semaphore(%arg13 : memref<!tpu.dma_semaphore, #tpu.memory_space<semaphore_mem>>) src(%dma_wait3A_130 : memref<20000x128xf32, #tpu.memory_space<hbm>>) dst(%arg11 : memref<125x128xf32, #tpu.memory_space<vmem>>)
      %dma_start3A_131 = arith.constant 0 : i32
      %dma_start3A_132 = tpu.memref_slice %arg9[%add3A_102, %dma_start3A_131] : memref<16x125xi32, #tpu.memory_space<vmem>> -> memref<1x125xi32, #tpu.memory_space<vmem>>
      %dma_start3A_133 = tpu.memref_squeeze %dma_start3A_132 : memref<1x125xi32, #tpu.memory_space<vmem>> -> memref<125xi32, #tpu.memory_space<vmem>>
      %dma_start3A_134 = arith.constant 0 : i32
      %dma_start3A_135 = arith.constant 0 : i32
      %dma_start3A_136 = tpu.memref_slice %arg7[%dma_start3A_134, %dma_start3A_135] : memref<10000x128xf32, #tpu.memory_space<vmem_shared>> -> memref<10000x128xf32, #tpu.memory_space<vmem_shared>>
      tpu.enqueue_indirect_dma source(%arg11 : memref<125x128xf32, #tpu.memory_space<vmem>>) target(%dma_start3A_136 : memref<10000x128xf32, #tpu.memory_space<vmem_shared>>) offsets(%dma_start3A_133 : memref<125xi32, #tpu.memory_space<vmem>>) semaphore(%arg15 : memref<!tpu.dma_semaphore, #tpu.memory_space<semaphore_mem>>) {add = true}
      %dma_wait3A_137 = arith.constant 0 : i32
      %dma_wait3A_138 = arith.constant 0 : i32
      %dma_wait3A_139 = tpu.memref_slice %arg9[%dma_wait3A_137, %dma_wait3A_138] : memref<16x125xi32, #tpu.memory_space<vmem>> -> memref<1x125xi32, #tpu.memory_space<vmem>>
      %dma_wait3A_140 = tpu.memref_squeeze %dma_wait3A_139 : memref<1x125xi32, #tpu.memory_space<vmem>> -> memref<125xi32, #tpu.memory_space<vmem>>
      %dma_wait3A_141 = arith.constant 0 : i32
      %dma_wait3A_142 = arith.constant 0 : i32
      %dma_wait3A_143 = tpu.memref_slice %arg7[%dma_wait3A_141, %dma_wait3A_142] : memref<10000x128xf32, #tpu.memory_space<vmem_shared>> -> memref<10000x128xf32, #tpu.memory_space<vmem_shared>>
      tpu.wait_indirect_dma semaphore(%arg14 : memref<!tpu.dma_semaphore, #tpu.memory_space<semaphore_mem>>) src(%arg10 : memref<125x128xf32, #tpu.memory_space<vmem>>) dst(%dma_wait3A_143 : memref<10000x128xf32, #tpu.memory_space<vmem_shared>>)
      %rem3A_144 = arith.constant 4 : i32
      %rem3A_145 = arith.remsi %scan3A_95, %rem3A_144 : i32
      %eq3A = arith.constant 3 : i32
      %eq3A_146 = arith.cmpi eq, %rem3A_145, %eq3A : i32
      %jit3A = arith.constant 4 : i32
      %div3A = arith.divsi %scan3A_95, %jit3A : i32
      %sign3A = arith.constant 0 : i32
      %sign3A_147 = arith.cmpi sgt, %scan3A_95, %sign3A : i32
      %sign3A_148 = arith.extui %sign3A_147 : i1 to i32
      %sign3A_149 = arith.constant 0 : i32
      %sign3A_150 = arith.cmpi slt, %scan3A_95, %sign3A_149 : i32
      %sign3A_151 = arith.extui %sign3A_150 : i1 to i32
      %sign3A_152 = arith.subi %sign3A_148, %sign3A_151 : i32
      %sign3A_153 = arith.constant 0 : i32
      %sign3A_154 = arith.cmpi sgt, %jit3A, %sign3A_153 : i32
      %sign3A_155 = arith.extui %sign3A_154 : i1 to i32
      %sign3A_156 = arith.constant 0 : i32
      %sign3A_157 = arith.cmpi slt, %jit3A, %sign3A_156 : i32
      %sign3A_158 = arith.extui %sign3A_157 : i1 to i32
      %sign3A_159 = arith.subi %sign3A_155, %sign3A_158 : i32
      %ne3A = arith.cmpi ne, %sign3A_152, %sign3A_159 : i32
      %rem3A_160 = arith.remsi %scan3A_95, %jit3A : i32
      %ne3A_161 = arith.constant 0 : i32
      %ne3A_162 = arith.cmpi ne, %rem3A_160, %ne3A_161 : i32
      %and3A = arith.andi %ne3A, %ne3A_162 : i1
      %sub3A = arith.constant 1 : i32
      %sub3A_163 = arith.subi %div3A, %sub3A : i32
      %select_n3A = arith.select %and3A, %sub3A_163, %div3A : i32
      %lt3A = arith.constant 36 : i32
      %lt3A_164 = arith.cmpi slt, %scan3A_95, %lt3A : i32
      %and3A_165 = arith.andi %eq3A_146, %lt3A_164 : i1
      %convert_element_type3A_166 = arith.extui %and3A_165 : i1 to i32
      %cond3A_167 = arith.constant 0 : i32
      %cond3A_168 = arith.cmpi ne, %convert_element_type3A_166, %cond3A_167 : i32
      scf.if %cond3A_168 {
        %dma_wait3A_180 = arith.constant 0 : i32
        %dma_wait3A_181 = arith.constant 0 : i32
        %dma_wait3A_182 = tpu.memref_slice %arg8[%dma_wait3A_180, %dma_wait3A_181] : memref<16x125xi32, #tpu.memory_space<vmem>> -> memref<8x125xi32, #tpu.memory_space<vmem>>
        %dma_wait3A_183 = arith.constant 0 : i32
        %dma_wait3A_184 = arith.constant 0 : i32
        %dma_wait3A_185 = tpu.memref_slice %arg4[%dma_wait3A_183, %dma_wait3A_184] : memref<1280x125xi32, #tpu.memory_space<hbm>> -> memref<8x125xi32, #tpu.memory_space<hbm>>
        %dma_wait3A_186 = arith.constant 0 : i32
        %dma_wait3A_187 = arith.constant 0 : i32
        %dma_wait3A_188 = tpu.memref_slice %arg8[%dma_wait3A_186, %dma_wait3A_187] : memref<16x125xi32, #tpu.memory_space<vmem>> -> memref<8x125xi32, #tpu.memory_space<vmem>>
        %dma_wait3A_189 = arith.constant 0 : i32
        %dma_wait3A_190 = arith.constant 0 : i32
        %dma_wait3A_191 = tpu.memref_slice %arg4[%dma_wait3A_189, %dma_wait3A_190] : memref<1280x125xi32, #tpu.memory_space<hbm>> -> memref<8x125xi32, #tpu.memory_space<hbm>>
        tpu.wait_dma2 semaphore(%arg16 : memref<!tpu.dma_semaphore, #tpu.memory_space<semaphore_mem>>) src(%dma_wait3A_191 : memref<8x125xi32, #tpu.memory_space<hbm>>) dst(%dma_wait3A_188 : memref<8x125xi32, #tpu.memory_space<vmem>>)
        %dma_wait3A_192 = arith.constant 0 : i32
        %dma_wait3A_193 = arith.constant 0 : i32
        %dma_wait3A_194 = tpu.memref_slice %arg9[%dma_wait3A_192, %dma_wait3A_193] : memref<16x125xi32, #tpu.memory_space<vmem>> -> memref<8x125xi32, #tpu.memory_space<vmem>>
        %dma_wait3A_195 = arith.constant 0 : i32
        %dma_wait3A_196 = arith.constant 0 : i32
        %dma_wait3A_197 = tpu.memref_slice %arg4[%dma_wait3A_195, %dma_wait3A_196] : memref<1280x125xi32, #tpu.memory_space<hbm>> -> memref<8x125xi32, #tpu.memory_space<hbm>>
        %dma_wait3A_198 = arith.constant 0 : i32
        %dma_wait3A_199 = arith.constant 0 : i32
        %dma_wait3A_200 = tpu.memref_slice %arg9[%dma_wait3A_198, %dma_wait3A_199] : memref<16x125xi32, #tpu.memory_space<vmem>> -> memref<8x125xi32, #tpu.memory_space<vmem>>
        %dma_wait3A_201 = arith.constant 0 : i32
        %dma_wait3A_202 = arith.constant 0 : i32
        %dma_wait3A_203 = tpu.memref_slice %arg4[%dma_wait3A_201, %dma_wait3A_202] : memref<1280x125xi32, #tpu.memory_space<hbm>> -> memref<8x125xi32, #tpu.memory_space<hbm>>
        tpu.wait_dma2 semaphore(%arg16 : memref<!tpu.dma_semaphore, #tpu.memory_space<semaphore_mem>>) src(%dma_wait3A_203 : memref<8x125xi32, #tpu.memory_space<hbm>>) dst(%dma_wait3A_200 : memref<8x125xi32, #tpu.memory_space<vmem>>)
      } else {
      }
      %lt3A_169 = arith.constant 32 : i32
      %lt3A_170 = arith.cmpi slt, %scan3A_95, %lt3A_169 : i32
      %and3A_171 = arith.andi %eq3A_146, %lt3A_170 : i1
      %convert_element_type3A_172 = arith.extui %and3A_171 : i1 to i32
      %cond3A_173 = arith.constant 0 : i32
      %cond3A_174 = arith.cmpi ne, %convert_element_type3A_172, %cond3A_173 : i32
      scf.if %cond3A_174 {
        %rem3A_180 = arith.constant 2 : i32
        %rem3A_181 = arith.remsi %select_n3A, %rem3A_180 : i32
        %mul3A_182 = arith.constant 8 : i32
        %mul3A_183 = arith.muli %rem3A_181, %mul3A_182 : i32
        %add3A_184 = arith.constant 2 : i32
        %add3A_185 = arith.addi %select_n3A, %add3A_184 : i32
        %mul3A_186 = arith.constant 8 : i32
        %mul3A_187 = arith.muli %add3A_185, %mul3A_186 : i32
        %add3A_188 = arith.addi %mul3A_0, %mul3A_187 : i32
        %dma_start3A_189 = arith.constant 0 : i32
        %dma_start3A_190 = tpu.memref_slice %arg8[%mul3A_183, %dma_start3A_189] : memref<16x125xi32, #tpu.memory_space<vmem>> -> memref<8x125xi32, #tpu.memory_space<vmem>>
        %dma_start3A_191 = arith.constant 0 : i32
        %dma_start3A_192 = tpu.memref_slice %arg3[%arg0, %add3A_188, %dma_start3A_191] : memref<2x1280x125xi32, #tpu.memory_space<hbm>> -> memref<1x8x125xi32, #tpu.memory_space<hbm>>
        %dma_start3A_193 = tpu.memref_squeeze %dma_start3A_192 : memref<1x8x125xi32, #tpu.memory_space<hbm>> -> memref<8x125xi32, #tpu.memory_space<hbm>>
        %dma_start3A_194 = arith.constant 0 : i32
        %dma_start3A_195 = tpu.memref_slice %arg8[%mul3A_183, %dma_start3A_194] : memref<16x125xi32, #tpu.memory_space<vmem>> -> memref<8x125xi32, #tpu.memory_space<vmem>>
        %dma_start3A_196 = arith.constant 0 : i32
        %dma_start3A_197 = tpu.memref_slice %arg3[%arg0, %add3A_188, %dma_start3A_196] : memref<2x1280x125xi32, #tpu.memory_space<hbm>> -> memref<1x8x125xi32, #tpu.memory_space<hbm>>
        %dma_start3A_198 = tpu.memref_squeeze %dma_start3A_197 : memref<1x8x125xi32, #tpu.memory_space<hbm>> -> memref<8x125xi32, #tpu.memory_space<hbm>>
        tpu.enqueue_dma source(%dma_start3A_198 : memref<8x125xi32, #tpu.memory_space<hbm>>) target(%dma_start3A_195 : memref<8x125xi32, #tpu.memory_space<vmem>>) target_semaphore(%arg16 : memref<!tpu.dma_semaphore, #tpu.memory_space<semaphore_mem>>)
        %dma_start3A_199 = arith.constant 0 : i32
        %dma_start3A_200 = tpu.memref_slice %arg9[%mul3A_183, %dma_start3A_199] : memref<16x125xi32, #tpu.memory_space<vmem>> -> memref<8x125xi32, #tpu.memory_space<vmem>>
        %dma_start3A_201 = arith.constant 0 : i32
        %dma_start3A_202 = tpu.memref_slice %arg4[%add3A_188, %dma_start3A_201] : memref<1280x125xi32, #tpu.memory_space<hbm>> -> memref<8x125xi32, #tpu.memory_space<hbm>>
        %dma_start3A_203 = arith.constant 0 : i32
        %dma_start3A_204 = tpu.memref_slice %arg9[%mul3A_183, %dma_start3A_203] : memref<16x125xi32, #tpu.memory_space<vmem>> -> memref<8x125xi32, #tpu.memory_space<vmem>>
        %dma_start3A_205 = arith.constant 0 : i32
        %dma_start3A_206 = tpu.memref_slice %arg4[%add3A_188, %dma_start3A_205] : memref<1280x125xi32, #tpu.memory_space<hbm>> -> memref<8x125xi32, #tpu.memory_space<hbm>>
        tpu.enqueue_dma source(%dma_start3A_206 : memref<8x125xi32, #tpu.memory_space<hbm>>) target(%dma_start3A_204 : memref<8x125xi32, #tpu.memory_space<vmem>>) target_semaphore(%arg16 : memref<!tpu.dma_semaphore, #tpu.memory_space<semaphore_mem>>)
      } else {
      }
      %lt3A_175 = arith.constant 39 : i32
      %lt3A_176 = arith.cmpi slt, %scan3A_95, %lt3A_175 : i32
      %convert_element_type3A_177 = arith.extui %lt3A_176 : i1 to i32
      %cond3A_178 = arith.constant 0 : i32
      %cond3A_179 = arith.cmpi ne, %convert_element_type3A_177, %cond3A_178 : i32
      scf.if %cond3A_179 {
        %add3A_180 = arith.constant 2 : i32
        %add3A_181 = arith.addi %mul3A_97, %add3A_180 : i32
        %rem3A_182 = arith.constant 16 : i32
        %rem3A_183 = arith.remsi %add3A_181, %rem3A_182 : i32
        %dma_start3A_184 = arith.constant 0 : i32
        %dma_start3A_185 = tpu.memref_slice %arg8[%rem3A_183, %dma_start3A_184] : memref<16x125xi32, #tpu.memory_space<vmem>> -> memref<1x125xi32, #tpu.memory_space<vmem>>
        %dma_start3A_186 = tpu.memref_squeeze %dma_start3A_185 : memref<1x125xi32, #tpu.memory_space<vmem>> -> memref<125xi32, #tpu.memory_space<vmem>>
        %dma_start3A_187 = arith.constant 0 : i32
        %dma_start3A_188 = arith.constant 0 : i32
        %dma_start3A_189 = tpu.memref_slice %arg2[%dma_start3A_187, %dma_start3A_188] : memref<20000x128xf32, #tpu.memory_space<hbm>> -> memref<20000x128xf32, #tpu.memory_space<hbm>>
        tpu.enqueue_indirect_dma source(%dma_start3A_189 : memref<20000x128xf32, #tpu.memory_space<hbm>>) target(%arg10 : memref<125x128xf32, #tpu.memory_space<vmem>>) offsets(%dma_start3A_186 : memref<125xi32, #tpu.memory_space<vmem>>) semaphore(%arg12 : memref<!tpu.dma_semaphore, #tpu.memory_space<semaphore_mem>>)
      } else {
      }
    }
    %scan3A_81 = arith.constant 40 : i32
    %dma_wait3A_82 = arith.constant 0 : i32
    %dma_wait3A_83 = arith.constant 0 : i32
    %dma_wait3A_84 = tpu.memref_slice %arg9[%dma_wait3A_82, %dma_wait3A_83] : memref<16x125xi32, #tpu.memory_space<vmem>> -> memref<1x125xi32, #tpu.memory_space<vmem>>
    %dma_wait3A_85 = tpu.memref_squeeze %dma_wait3A_84 : memref<1x125xi32, #tpu.memory_space<vmem>> -> memref<125xi32, #tpu.memory_space<vmem>>
    %dma_wait3A_86 = arith.constant 0 : i32
    %dma_wait3A_87 = arith.constant 0 : i32
    %dma_wait3A_88 = tpu.memref_slice %arg7[%dma_wait3A_86, %dma_wait3A_87] : memref<10000x128xf32, #tpu.memory_space<vmem_shared>> -> memref<10000x128xf32, #tpu.memory_space<vmem_shared>>
    tpu.wait_indirect_dma semaphore(%arg15 : memref<!tpu.dma_semaphore, #tpu.memory_space<semaphore_mem>>) src(%arg11 : memref<125x128xf32, #tpu.memory_space<vmem>>) dst(%dma_wait3A_88 : memref<10000x128xf32, #tpu.memory_space<vmem_shared>>)
    %barrier3A_89 = arith.constant 0 : index
    tpu.barrier barrier_id(%barrier3A_89)
    %mul3A_90 = arith.constant 16 : i32
    %mul3A_91 = arith.muli %arg0, %mul3A_90 : i32
    %add3A_92 = arith.addi %mul3A_91, %arg1 : i32
    %mul3A_93 = arith.constant 625 : i32
    %mul3A_94 = arith.muli %arg1, %mul3A_93 : i32
    "tpu.region"() ({
      %run_scoped3A = tpu.sem_alloc : memref<!tpu.dma_semaphore, #tpu.memory_space<semaphore_mem>>
      %dma_start3A_95 = arith.constant 0 : i32
      %dma_start3A_96 = arith.constant 0 : i32
      %dma_start3A_97 = tpu.memref_slice %arg6[%add3A_92, %dma_start3A_95, %dma_start3A_96] : memref<32x625x128xf32, #tpu.memory_space<hbm>> -> memref<1x625x128xf32, #tpu.memory_space<hbm>>
      %dma_start3A_98 = tpu.memref_squeeze %dma_start3A_97 : memref<1x625x128xf32, #tpu.memory_space<hbm>> -> memref<625x128xf32, #tpu.memory_space<hbm>>
      %dma_start3A_99 = arith.constant 0 : i32
      %dma_start3A_100 = tpu.memref_slice %arg7[%mul3A_94, %dma_start3A_99] : memref<10000x128xf32, #tpu.memory_space<vmem_shared>> -> memref<625x128xf32, #tpu.memory_space<vmem_shared>>
      tpu.enqueue_dma source(%dma_start3A_100 : memref<625x128xf32, #tpu.memory_space<vmem_shared>>) target(%dma_start3A_98 : memref<625x128xf32, #tpu.memory_space<hbm>>) target_semaphore(%run_scoped3A : memref<!tpu.dma_semaphore, #tpu.memory_space<semaphore_mem>>)
      %dma_wait3A_101 = arith.constant 0 : i32
      %dma_wait3A_102 = arith.constant 0 : i32
      %dma_wait3A_103 = tpu.memref_slice %arg6[%add3A_92, %dma_wait3A_101, %dma_wait3A_102] : memref<32x625x128xf32, #tpu.memory_space<hbm>> -> memref<1x625x128xf32, #tpu.memory_space<hbm>>
      %dma_wait3A_104 = tpu.memref_squeeze %dma_wait3A_103 : memref<1x625x128xf32, #tpu.memory_space<hbm>> -> memref<625x128xf32, #tpu.memory_space<hbm>>
      %dma_wait3A_105 = arith.constant 0 : i32
      %dma_wait3A_106 = tpu.memref_slice %arg7[%mul3A_94, %dma_wait3A_105] : memref<10000x128xf32, #tpu.memory_space<vmem_shared>> -> memref<625x128xf32, #tpu.memory_space<vmem_shared>>
      tpu.wait_dma2 semaphore(%run_scoped3A : memref<!tpu.dma_semaphore, #tpu.memory_space<semaphore_mem>>) src(%dma_wait3A_106 : memref<625x128xf32, #tpu.memory_space<vmem_shared>>) dst(%dma_wait3A_104 : memref<625x128xf32, #tpu.memory_space<hbm>>)
      tpu.yield
    }) : () -> ()
    return
  }
}

#map = affine_map<(d0, d1) -> (0, 0)>
#map1 = affine_map<(d0, d1) -> (0, 0, 0)>
module attributes {stable_mosaic.version = 14 : i64} {
  func.func @_scat_body(%arg0: i32, %arg1: i32, %arg2: memref<20000x128xf32, #tpu.memory_space<hbm>>, %arg3: memref<2x1280x125xi32, #tpu.memory_space<hbm>>, %arg4: memref<1280x125xi32, #tpu.memory_space<hbm>>, %arg5: memref<625x128xf32, #tpu.memory_space<hbm>>, %arg6: memref<32x625x128xf32, #tpu.memory_space<hbm>>, %arg7: memref<10000x128xf32, #tpu.memory_space<vmem_shared>>, %arg8: memref<16x125xi32, #tpu.memory_space<vmem>>, %arg9: memref<16x125xi32, #tpu.memory_space<vmem>>, %arg10: memref<125x128xf32, #tpu.memory_space<vmem>>, %arg11: memref<125x128xf32, #tpu.memory_space<vmem>>, %arg12: memref<!tpu.dma_semaphore, #tpu.memory_space<semaphore_mem>>, %arg13: memref<!tpu.dma_semaphore, #tpu.memory_space<semaphore_mem>>, %arg14: memref<!tpu.dma_semaphore, #tpu.memory_space<semaphore_mem>>, %arg15: memref<!tpu.dma_semaphore, #tpu.memory_space<semaphore_mem>>, %arg16: memref<!tpu.dma_semaphore, #tpu.memory_space<semaphore_mem>>) attributes {dimension_semantics = [#tpu.dimension_semantics<core_parallel>, #tpu.dimension_semantics<subcore_parallel>], iteration_bounds = array<i64: 2, 16>, scalar_prefetch = 0 : i64, scratch_operands = 10 : i64, tpu.core_type = #tpu.core_type<sc_vector_subcore>, window_params = [{transform_indices = #map}, {transform_indices = #map1}, {transform_indices = #map}, {transform_indices = #map}, {transform_indices = #map1}]} {
    %mul3A = arith.constant 80 : i32
    %mul3A_0 = arith.muli %arg1, %mul3A : i32
    %dma_start3A = arith.constant 0 : i32
    %dma_start3A_1 = arith.constant 0 : i32
    %dma_start3A_2 = tpu.memref_slice %arg8[%dma_start3A, %dma_start3A_1] : memref<16x125xi32, #tpu.memory_space<vmem>> -> memref<8x125xi32, #tpu.memory_space<vmem>>
    %dma_start3A_3 = arith.constant 0 : i32
    %dma_start3A_4 = tpu.memref_slice %arg3[%arg0, %mul3A_0, %dma_start3A_3] : memref<2x1280x125xi32, #tpu.memory_space<hbm>> -> memref<1x8x125xi32, #tpu.memory_space<hbm>>
    %dma_start3A_5 = tpu.memref_squeeze %dma_start3A_4 : memref<1x8x125xi32, #tpu.memory_space<hbm>> -> memref<8x125xi32, #tpu.memory_space<hbm>>
    %dma_start3A_6 = arith.constant 0 : i32
    %dma_start3A_7 = arith.constant 0 : i32
    %dma_start3A_8 = tpu.memref_slice %arg8[%dma_start3A_6, %dma_start3A_7] : memref<16x125xi32, #tpu.memory_space<vmem>> -> memref<8x125xi32, #tpu.memory_space<vmem>>
    %dma_start3A_9 = arith.constant 0 : i32
    %dma_start3A_10 = tpu.memref_slice %arg3[%arg0, %mul3A_0, %dma_start3A_9] : memref<2x1280x125xi32, #tpu.memory_space<hbm>> -> memref<1x8x125xi32, #tpu.memory_space<hbm>>
    %dma_start3A_11 = tpu.memref_squeeze %dma_start3A_10 : memref<1x8x125xi32, #tpu.memory_space<hbm>> -> memref<8x125xi32, #tpu.memory_space<hbm>>
    tpu.enqueue_dma source(%dma_start3A_11 : memref<8x125xi32, #tpu.memory_space<hbm>>) target(%dma_start3A_8 : memref<8x125xi32, #tpu.memory_space<vmem>>) target_semaphore(%arg16 : memref<!tpu.dma_semaphore, #tpu.memory_space<semaphore_mem>>)
    %dma_start3A_12 = arith.constant 0 : i32
    %dma_start3A_13 = arith.constant 0 : i32
    %dma_start3A_14 = tpu.memref_slice %arg9[%dma_start3A_12, %dma_start3A_13] : memref<16x125xi32, #tpu.memory_space<vmem>> -> memref<8x125xi32, #tpu.memory_space<vmem>>
    %dma_start3A_15 = arith.constant 0 : i32
    %dma_start3A_16 = tpu.memref_slice %arg4[%mul3A_0, %dma_start3A_15] : memref<1280x125xi32, #tpu.memory_space<hbm>> -> memref<8x125xi32, #tpu.memory_space<hbm>>
    %dma_start3A_17 = arith.constant 0 : i32
    %dma_start3A_18 = arith.constant 0 : i32
    %dma_start3A_19 = tpu.memref_slice %arg9[%dma_start3A_17, %dma_start3A_18] : memref<16x125xi32, #tpu.memory_space<vmem>> -> memref<8x125xi32, #tpu.memory_space<vmem>>
    %dma_start3A_20 = arith.constant 0 : i32
    %dma_start3A_21 = tpu.memref_slice %arg4[%mul3A_0, %dma_start3A_20] : memref<1280x125xi32, #tpu.memory_space<hbm>> -> memref<8x125xi32, #tpu.memory_space<hbm>>
    tpu.enqueue_dma source(%dma_start3A_21 : memref<8x125xi32, #tpu.memory_space<hbm>>) target(%dma_start3A_19 : memref<8x125xi32, #tpu.memory_space<vmem>>) target_semaphore(%arg16 : memref<!tpu.dma_semaphore, #tpu.memory_space<semaphore_mem>>)
    %mul3A_22 = arith.constant 625 : i32
    %mul3A_23 = arith.muli %arg1, %mul3A_22 : i32
    "tpu.region"() ({
      %run_scoped3A = tpu.sem_alloc : memref<!tpu.dma_semaphore, #tpu.memory_space<semaphore_mem>>
      %dma_start3A_95 = arith.constant 0 : i32
      %dma_start3A_96 = tpu.memref_slice %arg7[%mul3A_23, %dma_start3A_95] : memref<10000x128xf32, #tpu.memory_space<vmem_shared>> -> memref<625x128xf32, #tpu.memory_space<vmem_shared>>
      tpu.enqueue_dma source(%arg5 : memref<625x128xf32, #tpu.memory_space<hbm>>) target(%dma_start3A_96 : memref<625x128xf32, #tpu.memory_space<vmem_shared>>) target_semaphore(%run_scoped3A : memref<!tpu.dma_semaphore, #tpu.memory_space<semaphore_mem>>)
      %dma_wait3A_97 = arith.constant 0 : i32
      %dma_wait3A_98 = tpu.memref_slice %arg7[%mul3A_23, %dma_wait3A_97] : memref<10000x128xf32, #tpu.memory_space<vmem_shared>> -> memref<625x128xf32, #tpu.memory_space<vmem_shared>>
      tpu.wait_dma2 semaphore(%run_scoped3A : memref<!tpu.dma_semaphore, #tpu.memory_space<semaphore_mem>>) src(%arg5 : memref<625x128xf32, #tpu.memory_space<hbm>>) dst(%dma_wait3A_98 : memref<625x128xf32, #tpu.memory_space<vmem_shared>>)
      tpu.yield
    }) : () -> ()
    %dma_wait3A = arith.constant 0 : i32
    %dma_wait3A_24 = arith.constant 0 : i32
    %dma_wait3A_25 = tpu.memref_slice %arg8[%dma_wait3A, %dma_wait3A_24] : memref<16x125xi32, #tpu.memory_space<vmem>> -> memref<8x125xi32, #tpu.memory_space<vmem>>
    %dma_wait3A_26 = arith.constant 0 : i32
    %dma_wait3A_27 = tpu.memref_slice %arg3[%arg0, %mul3A_0, %dma_wait3A_26] : memref<2x1280x125xi32, #tpu.memory_space<hbm>> -> memref<1x8x125xi32, #tpu.memory_space<hbm>>
    %dma_wait3A_28 = tpu.memref_squeeze %dma_wait3A_27 : memref<1x8x125xi32, #tpu.memory_space<hbm>> -> memref<8x125xi32, #tpu.memory_space<hbm>>
    %dma_wait3A_29 = arith.constant 0 : i32
    %dma_wait3A_30 = arith.constant 0 : i32
    %dma_wait3A_31 = tpu.memref_slice %arg8[%dma_wait3A_29, %dma_wait3A_30] : memref<16x125xi32, #tpu.memory_space<vmem>> -> memref<8x125xi32, #tpu.memory_space<vmem>>
    %dma_wait3A_32 = arith.constant 0 : i32
    %dma_wait3A_33 = tpu.memref_slice %arg3[%arg0, %mul3A_0, %dma_wait3A_32] : memref<2x1280x125xi32, #tpu.memory_space<hbm>> -> memref<1x8x125xi32, #tpu.memory_space<hbm>>
    %dma_wait3A_34 = tpu.memref_squeeze %dma_wait3A_33 : memref<1x8x125xi32, #tpu.memory_space<hbm>> -> memref<8x125xi32, #tpu.memory_space<hbm>>
    tpu.wait_dma2 semaphore(%arg16 : memref<!tpu.dma_semaphore, #tpu.memory_space<semaphore_mem>>) src(%dma_wait3A_34 : memref<8x125xi32, #tpu.memory_space<hbm>>) dst(%dma_wait3A_31 : memref<8x125xi32, #tpu.memory_space<vmem>>)
    %dma_wait3A_35 = arith.constant 0 : i32
    %dma_wait3A_36 = arith.constant 0 : i32
    %dma_wait3A_37 = tpu.memref_slice %arg9[%dma_wait3A_35, %dma_wait3A_36] : memref<16x125xi32, #tpu.memory_space<vmem>> -> memref<8x125xi32, #tpu.memory_space<vmem>>
    %dma_wait3A_38 = arith.constant 0 : i32
    %dma_wait3A_39 = tpu.memref_slice %arg4[%mul3A_0, %dma_wait3A_38] : memref<1280x125xi32, #tpu.memory_space<hbm>> -> memref<8x125xi32, #tpu.memory_space<hbm>>
    %dma_wait3A_40 = arith.constant 0 : i32
    %dma_wait3A_41 = arith.constant 0 : i32
    %dma_wait3A_42 = tpu.memref_slice %arg9[%dma_wait3A_40, %dma_wait3A_41] : memref<16x125xi32, #tpu.memory_space<vmem>> -> memref<8x125xi32, #tpu.memory_space<vmem>>
    %dma_wait3A_43 = arith.constant 0 : i32
    %dma_wait3A_44 = tpu.memref_slice %arg4[%mul3A_0, %dma_wait3A_43] : memref<1280x125xi32, #tpu.memory_space<hbm>> -> memref<8x125xi32, #tpu.memory_space<hbm>>
    tpu.wait_dma2 semaphore(%arg16 : memref<!tpu.dma_semaphore, #tpu.memory_space<semaphore_mem>>) src(%dma_wait3A_44 : memref<8x125xi32, #tpu.memory_space<hbm>>) dst(%dma_wait3A_42 : memref<8x125xi32, #tpu.memory_space<vmem>>)
    %add3A = arith.constant 8 : i32
    %add3A_45 = arith.addi %mul3A_0, %add3A : i32
    %dma_start3A_46 = arith.constant 8 : i32
    %dma_start3A_47 = arith.constant 0 : i32
    %dma_start3A_48 = tpu.memref_slice %arg8[%dma_start3A_46, %dma_start3A_47] : memref<16x125xi32, #tpu.memory_space<vmem>> -> memref<8x125xi32, #tpu.memory_space<vmem>>
    %dma_start3A_49 = arith.constant 0 : i32
    %dma_start3A_50 = tpu.memref_slice %arg3[%arg0, %add3A_45, %dma_start3A_49] : memref<2x1280x125xi32, #tpu.memory_space<hbm>> -> memref<1x8x125xi32, #tpu.memory_space<hbm>>
    %dma_start3A_51 = tpu.memref_squeeze %dma_start3A_50 : memref<1x8x125xi32, #tpu.memory_space<hbm>> -> memref<8x125xi32, #tpu.memory_space<hbm>>
    %dma_start3A_52 = arith.constant 8 : i32
    %dma_start3A_53 = arith.constant 0 : i32
    %dma_start3A_54 = tpu.memref_slice %arg8[%dma_start3A_52, %dma_start3A_53] : memref<16x125xi32, #tpu.memory_space<vmem>> -> memref<8x125xi32, #tpu.memory_space<vmem>>
    %dma_start3A_55 = arith.constant 0 : i32
    %dma_start3A_56 = tpu.memref_slice %arg3[%arg0, %add3A_45, %dma_start3A_55] : memref<2x1280x125xi32, #tpu.memory_space<hbm>> -> memref<1x8x125xi32, #tpu.memory_space<hbm>>
    %dma_start3A_57 = tpu.memref_squeeze %dma_start3A_56 : memref<1x8x125xi32, #tpu.memory_space<hbm>> -> memref<8x125xi32, #tpu.memory_space<hbm>>
    tpu.enqueue_dma source(%dma_start3A_57 : memref<8x125xi32, #tpu.memory_space<hbm>>) target(%dma_start3A_54 : memref<8x125xi32, #tpu.memory_space<vmem>>) target_semaphore(%arg16 : memref<!tpu.dma_semaphore, #tpu.memory_space<semaphore_mem>>)
    %add3A_58 = arith.constant 8 : i32
    %add3A_59 = arith.addi %mul3A_0, %add3A_58 : i32
    %dma_start3A_60 = arith.constant 8 : i32
    %dma_start3A_61 = arith.constant 0 : i32
    %dma_start3A_62 = tpu.memref_slice %arg9[%dma_start3A_60, %dma_start3A_61] : memref<16x125xi32, #tpu.memory_space<vmem>> -> memref<8x125xi32, #tpu.memory_space<vmem>>
    %dma_start3A_63 = arith.constant 0 : i32
    %dma_start3A_64 = tpu.memref_slice %arg4[%add3A_59, %dma_start3A_63] : memref<1280x125xi32, #tpu.memory_space<hbm>> -> memref<8x125xi32, #tpu.memory_space<hbm>>
    %dma_start3A_65 = arith.constant 8 : i32
    %dma_start3A_66 = arith.constant 0 : i32
    %dma_start3A_67 = tpu.memref_slice %arg9[%dma_start3A_65, %dma_start3A_66] : memref<16x125xi32, #tpu.memory_space<vmem>> -> memref<8x125xi32, #tpu.memory_space<vmem>>
    %dma_start3A_68 = arith.constant 0 : i32
    %dma_start3A_69 = tpu.memref_slice %arg4[%add3A_59, %dma_start3A_68] : memref<1280x125xi32, #tpu.memory_space<hbm>> -> memref<8x125xi32, #tpu.memory_space<hbm>>
    tpu.enqueue_dma source(%dma_start3A_69 : memref<8x125xi32, #tpu.memory_space<hbm>>) target(%dma_start3A_67 : memref<8x125xi32, #tpu.memory_space<vmem>>) target_semaphore(%arg16 : memref<!tpu.dma_semaphore, #tpu.memory_space<semaphore_mem>>)
    %dma_start3A_70 = arith.constant 0 : i32
    %dma_start3A_71 = arith.constant 0 : i32
    %dma_start3A_72 = tpu.memref_slice %arg8[%dma_start3A_70, %dma_start3A_71] : memref<16x125xi32, #tpu.memory_space<vmem>> -> memref<1x125xi32, #tpu.memory_space<vmem>>
    %dma_start3A_73 = tpu.memref_squeeze %dma_start3A_72 : memref<1x125xi32, #tpu.memory_space<vmem>> -> memref<125xi32, #tpu.memory_space<vmem>>
    %dma_start3A_74 = arith.constant 0 : i32
    %dma_start3A_75 = arith.constant 0 : i32
    %dma_start3A_76 = tpu.memref_slice %arg2[%dma_start3A_74, %dma_start3A_75] : memref<20000x128xf32, #tpu.memory_space<hbm>> -> memref<20000x128xf32, #tpu.memory_space<hbm>>
    tpu.enqueue_indirect_dma source(%dma_start3A_76 : memref<20000x128xf32, #tpu.memory_space<hbm>>) target(%arg10 : memref<125x128xf32, #tpu.memory_space<vmem>>) offsets(%dma_start3A_73 : memref<125xi32, #tpu.memory_space<vmem>>) semaphore(%arg12 : memref<!tpu.dma_semaphore, #tpu.memory_space<semaphore_mem>>)
    %barrier3A = arith.constant 0 : index
    tpu.barrier barrier_id(%barrier3A)
    %scan3A = arith.constant 0 : i32
    %scan3A_77 = arith.constant 0 : i32
    %scan3A_78 = arith.constant 40 : i32
    %scan3A_79 = arith.addi %scan3A_77, %scan3A_78 : i32
    %scan3A_80 = arith.constant 1 : i32
    scf.for %scan3A_95 = %scan3A_77 to %scan3A_79 step %scan3A_80  : i32 {
      %mul3A_96 = arith.constant 2 : i32
      %mul3A_97 = arith.muli %mul3A_96, %scan3A_95 : i32
      %add3A_98 = arith.constant 1 : i32
      %add3A_99 = arith.addi %mul3A_97, %add3A_98 : i32
      %rem3A = arith.constant 16 : i32
      %rem3A_100 = arith.remsi %mul3A_97, %rem3A : i32
      %add3A_101 = arith.constant 1 : i32
      %add3A_102 = arith.addi %rem3A_100, %add3A_101 : i32
      %dma_wait3A_103 = arith.constant 0 : i32
      %dma_wait3A_104 = arith.constant 0 : i32
      %dma_wait3A_105 = tpu.memref_slice %arg8[%dma_wait3A_103, %dma_wait3A_104] : memref<16x125xi32, #tpu.memory_space<vmem>> -> memref<1x125xi32, #tpu.memory_space<vmem>>
      %dma_wait3A_106 = tpu.memref_squeeze %dma_wait3A_105 : memref<1x125xi32, #tpu.memory_space<vmem>> -> memref<125xi32, #tpu.memory_space<vmem>>
      %dma_wait3A_107 = arith.constant 0 : i32
      %dma_wait3A_108 = arith.constant 0 : i32
      %dma_wait3A_109 = tpu.memref_slice %arg2[%dma_wait3A_107, %dma_wait3A_108] : memref<20000x128xf32, #tpu.memory_space<hbm>> -> memref<20000x128xf32, #tpu.memory_space<hbm>>
      tpu.wait_indirect_dma semaphore(%arg12 : memref<!tpu.dma_semaphore, #tpu.memory_space<semaphore_mem>>) src(%dma_wait3A_109 : memref<20000x128xf32, #tpu.memory_space<hbm>>) dst(%arg10 : memref<125x128xf32, #tpu.memory_space<vmem>>)
      %dma_start3A_110 = arith.constant 0 : i32
      %dma_start3A_111 = tpu.memref_slice %arg9[%rem3A_100, %dma_start3A_110] : memref<16x125xi32, #tpu.memory_space<vmem>> -> memref<1x125xi32, #tpu.memory_space<vmem>>
      %dma_start3A_112 = tpu.memref_squeeze %dma_start3A_111 : memref<1x125xi32, #tpu.memory_space<vmem>> -> memref<125xi32, #tpu.memory_space<vmem>>
      %dma_start3A_113 = arith.constant 0 : i32
      %dma_start3A_114 = arith.constant 0 : i32
      %dma_start3A_115 = tpu.memref_slice %arg7[%dma_start3A_113, %dma_start3A_114] : memref<10000x128xf32, #tpu.memory_space<vmem_shared>> -> memref<10000x128xf32, #tpu.memory_space<vmem_shared>>
      tpu.enqueue_indirect_dma source(%arg10 : memref<125x128xf32, #tpu.memory_space<vmem>>) target(%dma_start3A_115 : memref<10000x128xf32, #tpu.memory_space<vmem_shared>>) offsets(%dma_start3A_112 : memref<125xi32, #tpu.memory_space<vmem>>) semaphore(%arg14 : memref<!tpu.dma_semaphore, #tpu.memory_space<semaphore_mem>>) {add = true}
      %gt3A = arith.constant 0 : i32
      %gt3A_116 = arith.cmpi sgt, %scan3A_95, %gt3A : i32
      %convert_element_type3A = arith.extui %gt3A_116 : i1 to i32
      %cond3A = arith.constant 0 : i32
      %cond3A_117 = arith.cmpi ne, %convert_element_type3A, %cond3A : i32
      scf.if %cond3A_117 {
        %dma_wait3A_180 = arith.constant 0 : i32
        %dma_wait3A_181 = arith.constant 0 : i32
        %dma_wait3A_182 = tpu.memref_slice %arg9[%dma_wait3A_180, %dma_wait3A_181] : memref<16x125xi32, #tpu.memory_space<vmem>> -> memref<1x125xi32, #tpu.memory_space<vmem>>
        %dma_wait3A_183 = tpu.memref_squeeze %dma_wait3A_182 : memref<1x125xi32, #tpu.memory_space<vmem>> -> memref<125xi32, #tpu.memory_space<vmem>>
        %dma_wait3A_184 = arith.constant 0 : i32
        %dma_wait3A_185 = arith.constant 0 : i32
        %dma_wait3A_186 = tpu.memref_slice %arg7[%dma_wait3A_184, %dma_wait3A_185] : memref<10000x128xf32, #tpu.memory_space<vmem_shared>> -> memref<10000x128xf32, #tpu.memory_space<vmem_shared>>
        tpu.wait_indirect_dma semaphore(%arg15 : memref<!tpu.dma_semaphore, #tpu.memory_space<semaphore_mem>>) src(%arg11 : memref<125x128xf32, #tpu.memory_space<vmem>>) dst(%dma_wait3A_186 : memref<10000x128xf32, #tpu.memory_space<vmem_shared>>)
      } else {
      }
      %dma_start3A_118 = arith.constant 0 : i32
      %dma_start3A_119 = tpu.memref_slice %arg8[%add3A_102, %dma_start3A_118] : memref<16x125xi32, #tpu.memory_space<vmem>> -> memref<1x125xi32, #tpu.memory_space<vmem>>
      %dma_start3A_120 = tpu.memref_squeeze %dma_start3A_119 : memref<1x125xi32, #tpu.memory_space<vmem>> -> memref<125xi32, #tpu.memory_space<vmem>>
      %dma_start3A_121 = arith.constant 0 : i32
      %dma_start3A_122 = arith.constant 0 : i32
      %dma_start3A_123 = tpu.memref_slice %arg2[%dma_start3A_121, %dma_start3A_122] : memref<20000x128xf32, #tpu.memory_space<hbm>> -> memref<20000x128xf32, #tpu.memory_space<hbm>>
      tpu.enqueue_indirect_dma source(%dma_start3A_123 : memref<20000x128xf32, #tpu.memory_space<hbm>>) target(%arg11 : memref<125x128xf32, #tpu.memory_space<vmem>>) offsets(%dma_start3A_120 : memref<125xi32, #tpu.memory_space<vmem>>) semaphore(%arg13 : memref<!tpu.dma_semaphore, #tpu.memory_space<semaphore_mem>>)
      %dma_wait3A_124 = arith.constant 0 : i32
      %dma_wait3A_125 = arith.constant 0 : i32
      %dma_wait3A_126 = tpu.memref_slice %arg8[%dma_wait3A_124, %dma_wait3A_125] : memref<16x125xi32, #tpu.memory_space<vmem>> -> memref<1x125xi32, #tpu.memory_space<vmem>>
      %dma_wait3A_127 = tpu.memref_squeeze %dma_wait3A_126 : memref<1x125xi32, #tpu.memory_space<vmem>> -> memref<125xi32, #tpu.memory_space<vmem>>
      %dma_wait3A_128 = arith.constant 0 : i32
      %dma_wait3A_129 = arith.constant 0 : i32
      %dma_wait3A_130 = tpu.memref_slice %arg2[%dma_wait3A_128, %dma_wait3A_129] : memref<20000x128xf32, #tpu.memory_space<hbm>> -> memref<20000x128xf32, #tpu.memory_space<hbm>>
      tpu.wait_indirect_dma semaphore(%arg13 : memref<!tpu.dma_semaphore, #tpu.memory_space<semaphore_mem>>) src(%dma_wait3A_130 : memref<20000x128xf32, #tpu.memory_space<hbm>>) dst(%arg11 : memref<125x128xf32, #tpu.memory_space<vmem>>)
      %dma_start3A_131 = arith.constant 0 : i32
      %dma_start3A_132 = tpu.memref_slice %arg9[%add3A_102, %dma_start3A_131] : memref<16x125xi32, #tpu.memory_space<vmem>> -> memref<1x125xi32, #tpu.memory_space<vmem>>
      %dma_start3A_133 = tpu.memref_squeeze %dma_start3A_132 : memref<1x125xi32, #tpu.memory_space<vmem>> -> memref<125xi32, #tpu.memory_space<vmem>>
      %dma_start3A_134 = arith.constant 0 : i32
      %dma_start3A_135 = arith.constant 0 : i32
      %dma_start3A_136 = tpu.memref_slice %arg7[%dma_start3A_134, %dma_start3A_135] : memref<10000x128xf32, #tpu.memory_space<vmem_shared>> -> memref<10000x128xf32, #tpu.memory_space<vmem_shared>>
      tpu.enqueue_indirect_dma source(%arg11 : memref<125x128xf32, #tpu.memory_space<vmem>>) target(%dma_start3A_136 : memref<10000x128xf32, #tpu.memory_space<vmem_shared>>) offsets(%dma_start3A_133 : memref<125xi32, #tpu.memory_space<vmem>>) semaphore(%arg15 : memref<!tpu.dma_semaphore, #tpu.memory_space<semaphore_mem>>) {add = true}
      %dma_wait3A_137 = arith.constant 0 : i32
      %dma_wait3A_138 = arith.constant 0 : i32
      %dma_wait3A_139 = tpu.memref_slice %arg9[%dma_wait3A_137, %dma_wait3A_138] : memref<16x125xi32, #tpu.memory_space<vmem>> -> memref<1x125xi32, #tpu.memory_space<vmem>>
      %dma_wait3A_140 = tpu.memref_squeeze %dma_wait3A_139 : memref<1x125xi32, #tpu.memory_space<vmem>> -> memref<125xi32, #tpu.memory_space<vmem>>
      %dma_wait3A_141 = arith.constant 0 : i32
      %dma_wait3A_142 = arith.constant 0 : i32
      %dma_wait3A_143 = tpu.memref_slice %arg7[%dma_wait3A_141, %dma_wait3A_142] : memref<10000x128xf32, #tpu.memory_space<vmem_shared>> -> memref<10000x128xf32, #tpu.memory_space<vmem_shared>>
      tpu.wait_indirect_dma semaphore(%arg14 : memref<!tpu.dma_semaphore, #tpu.memory_space<semaphore_mem>>) src(%arg10 : memref<125x128xf32, #tpu.memory_space<vmem>>) dst(%dma_wait3A_143 : memref<10000x128xf32, #tpu.memory_space<vmem_shared>>)
      %rem3A_144 = arith.constant 4 : i32
      %rem3A_145 = arith.remsi %scan3A_95, %rem3A_144 : i32
      %eq3A = arith.constant 3 : i32
      %eq3A_146 = arith.cmpi eq, %rem3A_145, %eq3A : i32
      %jit3A = arith.constant 4 : i32
      %div3A = arith.divsi %scan3A_95, %jit3A : i32
      %sign3A = arith.constant 0 : i32
      %sign3A_147 = arith.cmpi sgt, %scan3A_95, %sign3A : i32
      %sign3A_148 = arith.extui %sign3A_147 : i1 to i32
      %sign3A_149 = arith.constant 0 : i32
      %sign3A_150 = arith.cmpi slt, %scan3A_95, %sign3A_149 : i32
      %sign3A_151 = arith.extui %sign3A_150 : i1 to i32
      %sign3A_152 = arith.subi %sign3A_148, %sign3A_151 : i32
      %sign3A_153 = arith.constant 0 : i32
      %sign3A_154 = arith.cmpi sgt, %jit3A, %sign3A_153 : i32
      %sign3A_155 = arith.extui %sign3A_154 : i1 to i32
      %sign3A_156 = arith.constant 0 : i32
      %sign3A_157 = arith.cmpi slt, %jit3A, %sign3A_156 : i32
      %sign3A_158 = arith.extui %sign3A_157 : i1 to i32
      %sign3A_159 = arith.subi %sign3A_155, %sign3A_158 : i32
      %ne3A = arith.cmpi ne, %sign3A_152, %sign3A_159 : i32
      %rem3A_160 = arith.remsi %scan3A_95, %jit3A : i32
      %ne3A_161 = arith.constant 0 : i32
      %ne3A_162 = arith.cmpi ne, %rem3A_160, %ne3A_161 : i32
      %and3A = arith.andi %ne3A, %ne3A_162 : i1
      %sub3A = arith.constant 1 : i32
      %sub3A_163 = arith.subi %div3A, %sub3A : i32
      %select_n3A = arith.select %and3A, %sub3A_163, %div3A : i32
      %lt3A = arith.constant 36 : i32
      %lt3A_164 = arith.cmpi slt, %scan3A_95, %lt3A : i32
      %and3A_165 = arith.andi %eq3A_146, %lt3A_164 : i1
      %convert_element_type3A_166 = arith.extui %and3A_165 : i1 to i32
      %cond3A_167 = arith.constant 0 : i32
      %cond3A_168 = arith.cmpi ne, %convert_element_type3A_166, %cond3A_167 : i32
      scf.if %cond3A_168 {
        %dma_wait3A_180 = arith.constant 0 : i32
        %dma_wait3A_181 = arith.constant 0 : i32
        %dma_wait3A_182 = tpu.memref_slice %arg8[%dma_wait3A_180, %dma_wait3A_181] : memref<16x125xi32, #tpu.memory_space<vmem>> -> memref<8x125xi32, #tpu.memory_space<vmem>>
        %dma_wait3A_183 = arith.constant 0 : i32
        %dma_wait3A_184 = arith.constant 0 : i32
        %dma_wait3A_185 = tpu.memref_slice %arg4[%dma_wait3A_183, %dma_wait3A_184] : memref<1280x125xi32, #tpu.memory_space<hbm>> -> memref<8x125xi32, #tpu.memory_space<hbm>>
        %dma_wait3A_186 = arith.constant 0 : i32
        %dma_wait3A_187 = arith.constant 0 : i32
        %dma_wait3A_188 = tpu.memref_slice %arg8[%dma_wait3A_186, %dma_wait3A_187] : memref<16x125xi32, #tpu.memory_space<vmem>> -> memref<8x125xi32, #tpu.memory_space<vmem>>
        %dma_wait3A_189 = arith.constant 0 : i32
        %dma_wait3A_190 = arith.constant 0 : i32
        %dma_wait3A_191 = tpu.memref_slice %arg4[%dma_wait3A_189, %dma_wait3A_190] : memref<1280x125xi32, #tpu.memory_space<hbm>> -> memref<8x125xi32, #tpu.memory_space<hbm>>
        tpu.wait_dma2 semaphore(%arg16 : memref<!tpu.dma_semaphore, #tpu.memory_space<semaphore_mem>>) src(%dma_wait3A_191 : memref<8x125xi32, #tpu.memory_space<hbm>>) dst(%dma_wait3A_188 : memref<8x125xi32, #tpu.memory_space<vmem>>)
        %dma_wait3A_192 = arith.constant 0 : i32
        %dma_wait3A_193 = arith.constant 0 : i32
        %dma_wait3A_194 = tpu.memref_slice %arg9[%dma_wait3A_192, %dma_wait3A_193] : memref<16x125xi32, #tpu.memory_space<vmem>> -> memref<8x125xi32, #tpu.memory_space<vmem>>
        %dma_wait3A_195 = arith.constant 0 : i32
        %dma_wait3A_196 = arith.constant 0 : i32
        %dma_wait3A_197 = tpu.memref_slice %arg4[%dma_wait3A_195, %dma_wait3A_196] : memref<1280x125xi32, #tpu.memory_space<hbm>> -> memref<8x125xi32, #tpu.memory_space<hbm>>
        %dma_wait3A_198 = arith.constant 0 : i32
        %dma_wait3A_199 = arith.constant 0 : i32
        %dma_wait3A_200 = tpu.memref_slice %arg9[%dma_wait3A_198, %dma_wait3A_199] : memref<16x125xi32, #tpu.memory_space<vmem>> -> memref<8x125xi32, #tpu.memory_space<vmem>>
        %dma_wait3A_201 = arith.constant 0 : i32
        %dma_wait3A_202 = arith.constant 0 : i32
        %dma_wait3A_203 = tpu.memref_slice %arg4[%dma_wait3A_201, %dma_wait3A_202] : memref<1280x125xi32, #tpu.memory_space<hbm>> -> memref<8x125xi32, #tpu.memory_space<hbm>>
        tpu.wait_dma2 semaphore(%arg16 : memref<!tpu.dma_semaphore, #tpu.memory_space<semaphore_mem>>) src(%dma_wait3A_203 : memref<8x125xi32, #tpu.memory_space<hbm>>) dst(%dma_wait3A_200 : memref<8x125xi32, #tpu.memory_space<vmem>>)
      } else {
      }
      %lt3A_169 = arith.constant 32 : i32
      %lt3A_170 = arith.cmpi slt, %scan3A_95, %lt3A_169 : i32
      %and3A_171 = arith.andi %eq3A_146, %lt3A_170 : i1
      %convert_element_type3A_172 = arith.extui %and3A_171 : i1 to i32
      %cond3A_173 = arith.constant 0 : i32
      %cond3A_174 = arith.cmpi ne, %convert_element_type3A_172, %cond3A_173 : i32
      scf.if %cond3A_174 {
        %rem3A_180 = arith.constant 2 : i32
        %rem3A_181 = arith.remsi %select_n3A, %rem3A_180 : i32
        %mul3A_182 = arith.constant 8 : i32
        %mul3A_183 = arith.muli %rem3A_181, %mul3A_182 : i32
        %add3A_184 = arith.constant 2 : i32
        %add3A_185 = arith.addi %select_n3A, %add3A_184 : i32
        %mul3A_186 = arith.constant 8 : i32
        %mul3A_187 = arith.muli %add3A_185, %mul3A_186 : i32
        %add3A_188 = arith.addi %mul3A_0, %mul3A_187 : i32
        %dma_start3A_189 = arith.constant 0 : i32
        %dma_start3A_190 = tpu.memref_slice %arg8[%mul3A_183, %dma_start3A_189] : memref<16x125xi32, #tpu.memory_space<vmem>> -> memref<8x125xi32, #tpu.memory_space<vmem>>
        %dma_start3A_191 = arith.constant 0 : i32
        %dma_start3A_192 = tpu.memref_slice %arg3[%arg0, %add3A_188, %dma_start3A_191] : memref<2x1280x125xi32, #tpu.memory_space<hbm>> -> memref<1x8x125xi32, #tpu.memory_space<hbm>>
        %dma_start3A_193 = tpu.memref_squeeze %dma_start3A_192 : memref<1x8x125xi32, #tpu.memory_space<hbm>> -> memref<8x125xi32, #tpu.memory_space<hbm>>
        %dma_start3A_194 = arith.constant 0 : i32
        %dma_start3A_195 = tpu.memref_slice %arg8[%mul3A_183, %dma_start3A_194] : memref<16x125xi32, #tpu.memory_space<vmem>> -> memref<8x125xi32, #tpu.memory_space<vmem>>
        %dma_start3A_196 = arith.constant 0 : i32
        %dma_start3A_197 = tpu.memref_slice %arg3[%arg0, %add3A_188, %dma_start3A_196] : memref<2x1280x125xi32, #tpu.memory_space<hbm>> -> memref<1x8x125xi32, #tpu.memory_space<hbm>>
        %dma_start3A_198 = tpu.memref_squeeze %dma_start3A_197 : memref<1x8x125xi32, #tpu.memory_space<hbm>> -> memref<8x125xi32, #tpu.memory_space<hbm>>
        tpu.enqueue_dma source(%dma_start3A_198 : memref<8x125xi32, #tpu.memory_space<hbm>>) target(%dma_start3A_195 : memref<8x125xi32, #tpu.memory_space<vmem>>) target_semaphore(%arg16 : memref<!tpu.dma_semaphore, #tpu.memory_space<semaphore_mem>>)
        %dma_start3A_199 = arith.constant 0 : i32
        %dma_start3A_200 = tpu.memref_slice %arg9[%mul3A_183, %dma_start3A_199] : memref<16x125xi32, #tpu.memory_space<vmem>> -> memref<8x125xi32, #tpu.memory_space<vmem>>
        %dma_start3A_201 = arith.constant 0 : i32
        %dma_start3A_202 = tpu.memref_slice %arg4[%add3A_188, %dma_start3A_201] : memref<1280x125xi32, #tpu.memory_space<hbm>> -> memref<8x125xi32, #tpu.memory_space<hbm>>
        %dma_start3A_203 = arith.constant 0 : i32
        %dma_start3A_204 = tpu.memref_slice %arg9[%mul3A_183, %dma_start3A_203] : memref<16x125xi32, #tpu.memory_space<vmem>> -> memref<8x125xi32, #tpu.memory_space<vmem>>
        %dma_start3A_205 = arith.constant 0 : i32
        %dma_start3A_206 = tpu.memref_slice %arg4[%add3A_188, %dma_start3A_205] : memref<1280x125xi32, #tpu.memory_space<hbm>> -> memref<8x125xi32, #tpu.memory_space<hbm>>
        tpu.enqueue_dma source(%dma_start3A_206 : memref<8x125xi32, #tpu.memory_space<hbm>>) target(%dma_start3A_204 : memref<8x125xi32, #tpu.memory_space<vmem>>) target_semaphore(%arg16 : memref<!tpu.dma_semaphore, #tpu.memory_space<semaphore_mem>>)
      } else {
      }
      %lt3A_175 = arith.constant 39 : i32
      %lt3A_176 = arith.cmpi slt, %scan3A_95, %lt3A_175 : i32
      %convert_element_type3A_177 = arith.extui %lt3A_176 : i1 to i32
      %cond3A_178 = arith.constant 0 : i32
      %cond3A_179 = arith.cmpi ne, %convert_element_type3A_177, %cond3A_178 : i32
      scf.if %cond3A_179 {
        %add3A_180 = arith.constant 2 : i32
        %add3A_181 = arith.addi %mul3A_97, %add3A_180 : i32
        %rem3A_182 = arith.constant 16 : i32
        %rem3A_183 = arith.remsi %add3A_181, %rem3A_182 : i32
        %dma_start3A_184 = arith.constant 0 : i32
        %dma_start3A_185 = tpu.memref_slice %arg8[%rem3A_183, %dma_start3A_184] : memref<16x125xi32, #tpu.memory_space<vmem>> -> memref<1x125xi32, #tpu.memory_space<vmem>>
        %dma_start3A_186 = tpu.memref_squeeze %dma_start3A_185 : memref<1x125xi32, #tpu.memory_space<vmem>> -> memref<125xi32, #tpu.memory_space<vmem>>
        %dma_start3A_187 = arith.constant 0 : i32
        %dma_start3A_188 = arith.constant 0 : i32
        %dma_start3A_189 = tpu.memref_slice %arg2[%dma_start3A_187, %dma_start3A_188] : memref<20000x128xf32, #tpu.memory_space<hbm>> -> memref<20000x128xf32, #tpu.memory_space<hbm>>
        tpu.enqueue_indirect_dma source(%dma_start3A_189 : memref<20000x128xf32, #tpu.memory_space<hbm>>) target(%arg10 : memref<125x128xf32, #tpu.memory_space<vmem>>) offsets(%dma_start3A_186 : memref<125xi32, #tpu.memory_space<vmem>>) semaphore(%arg12 : memref<!tpu.dma_semaphore, #tpu.memory_space<semaphore_mem>>)
      } else {
      }
    }
    %scan3A_81 = arith.constant 40 : i32
    %dma_wait3A_82 = arith.constant 0 : i32
    %dma_wait3A_83 = arith.constant 0 : i32
    %dma_wait3A_84 = tpu.memref_slice %arg9[%dma_wait3A_82, %dma_wait3A_83] : memref<16x125xi32, #tpu.memory_space<vmem>> -> memref<1x125xi32, #tpu.memory_space<vmem>>
    %dma_wait3A_85 = tpu.memref_squeeze %dma_wait3A_84 : memref<1x125xi32, #tpu.memory_space<vmem>> -> memref<125xi32, #tpu.memory_space<vmem>>
    %dma_wait3A_86 = arith.constant 0 : i32
    %dma_wait3A_87 = arith.constant 0 : i32
    %dma_wait3A_88 = tpu.memref_slice %arg7[%dma_wait3A_86, %dma_wait3A_87] : memref<10000x128xf32, #tpu.memory_space<vmem_shared>> -> memref<10000x128xf32, #tpu.memory_space<vmem_shared>>
    tpu.wait_indirect_dma semaphore(%arg15 : memref<!tpu.dma_semaphore, #tpu.memory_space<semaphore_mem>>) src(%arg11 : memref<125x128xf32, #tpu.memory_space<vmem>>) dst(%dma_wait3A_88 : memref<10000x128xf32, #tpu.memory_space<vmem_shared>>)
    %barrier3A_89 = arith.constant 0 : index
    tpu.barrier barrier_id(%barrier3A_89)
    %mul3A_90 = arith.constant 16 : i32
    %mul3A_91 = arith.muli %arg0, %mul3A_90 : i32
    %add3A_92 = arith.addi %mul3A_91, %arg1 : i32
    %mul3A_93 = arith.constant 625 : i32
    %mul3A_94 = arith.muli %arg1, %mul3A_93 : i32
    "tpu.region"() ({
      %run_scoped3A = tpu.sem_alloc : memref<!tpu.dma_semaphore, #tpu.memory_space<semaphore_mem>>
      %dma_start3A_95 = arith.constant 0 : i32
      %dma_start3A_96 = arith.constant 0 : i32
      %dma_start3A_97 = tpu.memref_slice %arg6[%add3A_92, %dma_start3A_95, %dma_start3A_96] : memref<32x625x128xf32, #tpu.memory_space<hbm>> -> memref<1x625x128xf32, #tpu.memory_space<hbm>>
      %dma_start3A_98 = tpu.memref_squeeze %dma_start3A_97 : memref<1x625x128xf32, #tpu.memory_space<hbm>> -> memref<625x128xf32, #tpu.memory_space<hbm>>
      %dma_start3A_99 = arith.constant 0 : i32
      %dma_start3A_100 = tpu.memref_slice %arg7[%mul3A_94, %dma_start3A_99] : memref<10000x128xf32, #tpu.memory_space<vmem_shared>> -> memref<625x128xf32, #tpu.memory_space<vmem_shared>>
      tpu.enqueue_dma source(%dma_start3A_100 : memref<625x128xf32, #tpu.memory_space<vmem_shared>>) target(%dma_start3A_98 : memref<625x128xf32, #tpu.memory_space<hbm>>) target_semaphore(%run_scoped3A : memref<!tpu.dma_semaphore, #tpu.memory_space<semaphore_mem>>)
      %dma_wait3A_101 = arith.constant 0 : i32
      %dma_wait3A_102 = arith.constant 0 : i32
      %dma_wait3A_103 = tpu.memref_slice %arg6[%add3A_92, %dma_wait3A_101, %dma_wait3A_102] : memref<32x625x128xf32, #tpu.memory_space<hbm>> -> memref<1x625x128xf32, #tpu.memory_space<hbm>>
      %dma_wait3A_104 = tpu.memref_squeeze %dma_wait3A_103 : memref<1x625x128xf32, #tpu.memory_space<hbm>> -> memref<625x128xf32, #tpu.memory_space<hbm>>
      %dma_wait3A_105 = arith.constant 0 : i32
      %dma_wait3A_106 = tpu.memref_slice %arg7[%mul3A_94, %dma_wait3A_105] : memref<10000x128xf32, #tpu.memory_space<vmem_shared>> -> memref<625x128xf32, #tpu.memory_space<vmem_shared>>
      tpu.wait_dma2 semaphore(%run_scoped3A : memref<!tpu.dma_semaphore, #tpu.memory_space<semaphore_mem>>) src(%dma_wait3A_106 : memref<625x128xf32, #tpu.memory_space<vmem_shared>>) dst(%dma_wait3A_104 : memref<625x128xf32, #tpu.memory_space<hbm>>)
      tpu.yield
    }) : () -> ()
    return
  }
}

module attributes {stable_mosaic.version = 14 : i64} {
  func.func @_l23_body(%arg0: i32, %arg1: memref<2x1000x128xf32, #tpu.memory_space<vmem>>, %arg2: memref<2x1000x128xf32, #tpu.memory_space<vmem>>, %arg3: memref<1x1x1000xf32, #tpu.memory_space<vmem>>, %arg4: memref<1x1x1000xf32, #tpu.memory_space<vmem>>, %arg5: memref<1x256xf32, #tpu.memory_space<vmem>>, %arg6: memref<256x256xf32, #tpu.memory_space<vmem>>, %arg7: memref<2x1000x128xf32, #tpu.memory_space<vmem>>) attributes {dimension_semantics = [#tpu.dimension_semantics<arbitrary>], iteration_bounds = array<i64: 10>, scalar_prefetch = 0 : i64, scratch_operands = 0 : i64, tpu.core_type = #tpu.core_type<tc>, window_params = [{transform_indices = @transform_0, window_bounds = array<i64: 2, 1000, 128>}, {transform_indices = @transform_1, window_bounds = array<i64: 2, 1000, 128>}, {transform_indices = @transform_2, window_bounds = array<i64: 1, 1, 1000>}, {transform_indices = @transform_3, window_bounds = array<i64: 1, 1, 1000>}, {pipeline_mode = #tpu.pipeline_mode<synchronous>, transform_indices = @transform_4, window_bounds = array<i64: 1, 256>}, {pipeline_mode = #tpu.pipeline_mode<synchronous>, transform_indices = @transform_5, window_bounds = array<i64: 256, 256>}, {transform_indices = @transform_6, window_bounds = array<i64: 2, 1000, 128>}]} {
    %get3A = arith.constant 0 : index
    %get3A_0 = arith.constant 0 : index
    %get3A_1 = arith.constant 0 : index
    %get3A_2 = vector.load %arg3[%get3A, %get3A_0, %get3A_1] : memref<1x1x1000xf32, #tpu.memory_space<vmem>>, vector<1x1x1000xf32>
    %get3A_3 = vector.shape_cast %get3A_2 : vector<1x1x1000xf32> to vector<1000xf32>
    %get3A_4 = arith.constant 0 : index
    %get3A_5 = arith.constant 0 : index
    %get3A_6 = arith.constant 0 : index
    %get3A_7 = vector.load %arg4[%get3A_4, %get3A_5, %get3A_6] : memref<1x1x1000xf32, #tpu.memory_space<vmem>>, vector<1x1x1000xf32>
    %get3A_8 = vector.shape_cast %get3A_7 : vector<1x1x1000xf32> to vector<1000xf32>
    %add3A = arith.addf %get3A_3, %get3A_8 : vector<1000xf32>
    %add3A_9 = arith.constant 1.000000e+00 : f32
    %add3A_10 = vector.broadcast %add3A_9 : f32 to vector<1000xf32>
    %add3A_11 = arith.addf %add3A, %add3A_10 : vector<1000xf32>
    %rsqrt3A = math.rsqrt %add3A_11 : vector<1000xf32>
    %get3A_12 = arith.constant 0 : index
    %get3A_13 = arith.constant 0 : index
    %get3A_14 = arith.constant 0 : index
    %get3A_15 = vector.load %arg1[%get3A_12, %get3A_13, %get3A_14] : memref<2x1000x128xf32, #tpu.memory_space<vmem>>, vector<1x1000x128xf32>
    %get3A_16 = vector.shape_cast %get3A_15 : vector<1x1000x128xf32> to vector<1000x128xf32>
    %get3A_17 = arith.constant 1 : index
    %get3A_18 = arith.constant 0 : index
    %get3A_19 = arith.constant 0 : index
    %get3A_20 = vector.load %arg1[%get3A_17, %get3A_18, %get3A_19] : memref<2x1000x128xf32, #tpu.memory_space<vmem>>, vector<1x1000x128xf32>
    %get3A_21 = vector.shape_cast %get3A_20 : vector<1x1000x128xf32> to vector<1000x128xf32>
    %concatenate3A = tpu.concatenate %get3A_16, %get3A_21 in 1 : vector<1000x128xf32>, vector<1000x128xf32> -> vector<1000x256xf32>
    %get3A_22 = arith.constant 0 : index
    %get3A_23 = arith.constant 0 : index
    %get3A_24 = arith.constant 0 : index
    %get3A_25 = vector.load %arg2[%get3A_22, %get3A_23, %get3A_24] : memref<2x1000x128xf32, #tpu.memory_space<vmem>>, vector<1x1000x128xf32>
    %get3A_26 = vector.shape_cast %get3A_25 : vector<1x1000x128xf32> to vector<1000x128xf32>
    %get3A_27 = arith.constant 1 : index
    %get3A_28 = arith.constant 0 : index
    %get3A_29 = arith.constant 0 : index
    %get3A_30 = vector.load %arg2[%get3A_27, %get3A_28, %get3A_29] : memref<2x1000x128xf32, #tpu.memory_space<vmem>>, vector<1x1000x128xf32>
    %get3A_31 = vector.shape_cast %get3A_30 : vector<1x1000x128xf32> to vector<1000x128xf32>
    %concatenate3A_32 = tpu.concatenate %get3A_26, %get3A_31 in 1 : vector<1000x128xf32>, vector<1000x128xf32> -> vector<1000x256xf32>
    %broadcast_in_dim3A = vector.shape_cast %rsqrt3A : vector<1000xf32> to vector<1000x1xf32>
    %add3A_33 = arith.addf %concatenate3A, %concatenate3A_32 : vector<1000x256xf32>
    %mul3A = vector.broadcast %broadcast_in_dim3A : vector<1000x1xf32> to vector<1000x256xf32>
    %mul3A_34 = arith.mulf %mul3A, %add3A_33 : vector<1000x256xf32>
    %get3A_35 = arith.constant 0 : index
    %get3A_36 = arith.constant 0 : index
    %get3A_37 = vector.load %arg5[%get3A_35, %get3A_36] : memref<1x256xf32, #tpu.memory_space<vmem>>, vector<1x256xf32>
    %get3A_38 = vector.shape_cast %get3A_37 : vector<1x256xf32> to vector<256xf32>
    %broadcast_in_dim3A_39 = vector.shape_cast %get3A_38 : vector<256xf32> to vector<1x256xf32>
    %add3A_40 = vector.broadcast %broadcast_in_dim3A_39 : vector<1x256xf32> to vector<1000x256xf32>
    %add3A_41 = arith.addf %mul3A_34, %add3A_40 : vector<1000x256xf32>
    %max3A = arith.constant 0.000000e+00 : f32
    %max3A_42 = vector.broadcast %max3A : f32 to vector<1000x256xf32>
    %max3A_43 = arith.maximumf %add3A_41, %max3A_42 : vector<1000x256xf32>
    %get3A_44 = arith.constant 0 : index
    %get3A_45 = arith.constant 0 : index
    %get3A_46 = vector.load %arg6[%get3A_44, %get3A_45] : memref<256x256xf32, #tpu.memory_space<vmem>>, vector<256x256xf32>
    %dot_general3A = arith.constant dense<0.000000e+00> : vector<1000x256xf32>
    %dot_general3A_47 = tpu.matmul %max3A_43, %get3A_46, %dot_general3A {dimension_numbers = #tpu.dot_dimension_numbers<[1], [0], [0], [1], [0, 0, 1, 1], [], []>, transpose_lhs_hint = false} : vector<1000x256xf32>, vector<256x256xf32>, vector<1000x256xf32> -> vector<1000x256xf32>
    %broadcast_in_dim3A_48 = vector.shape_cast %rsqrt3A : vector<1000xf32> to vector<1000x1xf32>
    %mul3A_49 = vector.broadcast %broadcast_in_dim3A_48 : vector<1000x1xf32> to vector<1000x256xf32>
    %mul3A_50 = arith.mulf %dot_general3A_47, %mul3A_49 : vector<1000x256xf32>
    %slice3A = vector.extract_strided_slice %mul3A_50 {offsets = [0, 0], sizes = [1000, 128], strides = [1, 1]} : vector<1000x256xf32> to vector<1000x128xf32>
    %swap3A = arith.constant 0 : index
    %swap3A_51 = arith.constant 0 : index
    %swap3A_52 = arith.constant 0 : index
    %swap3A_53 = vector.load %arg7[%swap3A, %swap3A_51, %swap3A_52] : memref<2x1000x128xf32, #tpu.memory_space<vmem>>, vector<1x1000x128xf32>
    %swap3A_54 = vector.shape_cast %swap3A_53 : vector<1x1000x128xf32> to vector<1000x128xf32>
    %swap3A_55 = vector.shape_cast %slice3A : vector<1000x128xf32> to vector<1x1000x128xf32>
    tpu.vector_store %arg7[%swap3A, %swap3A_51, %swap3A_52], %swap3A_55 {strides = array<i32>} : memref<2x1000x128xf32, #tpu.memory_space<vmem>>, vector<1x1000x128xf32>,
    %slice3A_56 = vector.extract_strided_slice %mul3A_50 {offsets = [0, 128], sizes = [1000, 128], strides = [1, 1]} : vector<1000x256xf32> to vector<1000x128xf32>
    %swap3A_57 = arith.constant 1 : index
    %swap3A_58 = arith.constant 0 : index
    %swap3A_59 = arith.constant 0 : index
    %swap3A_60 = vector.load %arg7[%swap3A_57, %swap3A_58, %swap3A_59] : memref<2x1000x128xf32, #tpu.memory_space<vmem>>, vector<1x1000x128xf32>
    %swap3A_61 = vector.shape_cast %swap3A_60 : vector<1x1000x128xf32> to vector<1000x128xf32>
    %swap3A_62 = vector.shape_cast %slice3A_56 : vector<1000x128xf32> to vector<1x1000x128xf32>
    tpu.vector_store %arg7[%swap3A_57, %swap3A_58, %swap3A_59], %swap3A_62 {strides = array<i32>} : memref<2x1000x128xf32, #tpu.memory_space<vmem>>, vector<1x1000x128xf32>,
    return
  }
  func.func @transform_0(%arg0: i32) -> (i32, i32, i32) {
    %c0_i32 = arith.constant 0 : i32
    %c0_i32_0 = arith.constant 0 : i32
    %c0_i32_1 = arith.constant 0 : i32
    return %c0_i32, %arg0, %c0_i32_0 : i32, i32, i32
  }
  func.func @transform_1(%arg0: i32) -> (i32, i32, i32) {
    %c0_i32 = arith.constant 0 : i32
    %c0_i32_0 = arith.constant 0 : i32
    %c0_i32_1 = arith.constant 0 : i32
    return %c0_i32, %arg0, %c0_i32_0 : i32, i32, i32
  }
  func.func @transform_2(%arg0: i32) -> (i32, i32, i32) {
    %c0_i32 = arith.constant 0 : i32
    %c0_i32_0 = arith.constant 0 : i32
    %c0_i32_1 = arith.constant 0 : i32
    return %arg0, %c0_i32, %c0_i32_0 : i32, i32, i32
  }
  func.func @transform_3(%arg0: i32) -> (i32, i32, i32) {
    %c0_i32 = arith.constant 0 : i32
    %c0_i32_0 = arith.constant 0 : i32
    %c0_i32_1 = arith.constant 0 : i32
    return %arg0, %c0_i32, %c0_i32_0 : i32, i32, i32
  }
  func.func @transform_4(%arg0: i32) -> (i32, i32) {
    %c0_i32 = arith.constant 0 : i32
    %c0_i32_0 = arith.constant 0 : i32
    %c0_i32_1 = arith.constant 0 : i32
    return %c0_i32, %c0_i32_0 : i32, i32
  }
  func.func @transform_5(%arg0: i32) -> (i32, i32) {
    %c0_i32 = arith.constant 0 : i32
    %c0_i32_0 = arith.constant 0 : i32
    %c0_i32_1 = arith.constant 0 : i32
    return %c0_i32, %c0_i32_0 : i32, i32
  }
  func.func @transform_6(%arg0: i32) -> (i32, i32, i32) {
    %c0_i32 = arith.constant 0 : i32
    %c0_i32_0 = arith.constant 0 : i32
    %c0_i32_1 = arith.constant 0 : i32
    return %c0_i32, %arg0, %c0_i32_0 : i32, i32, i32
  }
}

module attributes {stable_mosaic.version = 14 : i64} {
  func.func @_l1_body(%arg0: i32, %arg1: memref<1000x128xf32, #tpu.memory_space<vmem>>, %arg2: memref<128x256xf32, #tpu.memory_space<vmem>>, %arg3: memref<1x1x1000xf32, #tpu.memory_space<vmem>>, %arg4: memref<1x1x1000xf32, #tpu.memory_space<vmem>>, %arg5: memref<2x1000x128xf32, #tpu.memory_space<vmem>>) attributes {dimension_semantics = [#tpu.dimension_semantics<arbitrary>], iteration_bounds = array<i64: 10>, scalar_prefetch = 0 : i64, scratch_operands = 0 : i64, tpu.core_type = #tpu.core_type<tc>, window_params = [{transform_indices = @transform_0, window_bounds = array<i64: 1000, 128>}, {pipeline_mode = #tpu.pipeline_mode<synchronous>, transform_indices = @transform_1, window_bounds = array<i64: 128, 256>}, {transform_indices = @transform_2, window_bounds = array<i64: 1, 1, 1000>}, {transform_indices = @transform_3, window_bounds = array<i64: 1, 1, 1000>}, {transform_indices = @transform_4, window_bounds = array<i64: 2, 1000, 128>}]} {
    %get3A = arith.constant 0 : index
    %get3A_0 = arith.constant 0 : index
    %get3A_1 = arith.constant 0 : index
    %get3A_2 = vector.load %arg3[%get3A, %get3A_0, %get3A_1] : memref<1x1x1000xf32, #tpu.memory_space<vmem>>, vector<1x1x1000xf32>
    %get3A_3 = vector.shape_cast %get3A_2 : vector<1x1x1000xf32> to vector<1000xf32>
    %get3A_4 = arith.constant 0 : index
    %get3A_5 = arith.constant 0 : index
    %get3A_6 = arith.constant 0 : index
    %get3A_7 = vector.load %arg4[%get3A_4, %get3A_5, %get3A_6] : memref<1x1x1000xf32, #tpu.memory_space<vmem>>, vector<1x1x1000xf32>
    %get3A_8 = vector.shape_cast %get3A_7 : vector<1x1x1000xf32> to vector<1000xf32>
    %add3A = arith.addf %get3A_3, %get3A_8 : vector<1000xf32>
    %add3A_9 = arith.constant 1.000000e+00 : f32
    %add3A_10 = vector.broadcast %add3A_9 : f32 to vector<1000xf32>
    %add3A_11 = arith.addf %add3A, %add3A_10 : vector<1000xf32>
    %rsqrt3A = math.rsqrt %add3A_11 : vector<1000xf32>
    %get3A_12 = arith.constant 0 : index
    %get3A_13 = arith.constant 0 : index
    %get3A_14 = vector.load %arg1[%get3A_12, %get3A_13] : memref<1000x128xf32, #tpu.memory_space<vmem>>, vector<1000x128xf32>
    %get3A_15 = arith.constant 0 : index
    %get3A_16 = arith.constant 0 : index
    %get3A_17 = vector.load %arg2[%get3A_15, %get3A_16] : memref<128x256xf32, #tpu.memory_space<vmem>>, vector<128x256xf32>
    %dot_general3A = arith.constant dense<0.000000e+00> : vector<1000x256xf32>
    %dot_general3A_18 = tpu.matmul %get3A_14, %get3A_17, %dot_general3A {dimension_numbers = #tpu.dot_dimension_numbers<[1], [0], [0], [1], [0, 0, 1, 1], [], []>, transpose_lhs_hint = false} : vector<1000x128xf32>, vector<128x256xf32>, vector<1000x256xf32> -> vector<1000x256xf32>
    %broadcast_in_dim3A = vector.shape_cast %rsqrt3A : vector<1000xf32> to vector<1000x1xf32>
    %mul3A = vector.broadcast %broadcast_in_dim3A : vector<1000x1xf32> to vector<1000x256xf32>
    %mul3A_19 = arith.mulf %dot_general3A_18, %mul3A : vector<1000x256xf32>
    %slice3A = vector.extract_strided_slice %mul3A_19 {offsets = [0, 0], sizes = [1000, 128], strides = [1, 1]} : vector<1000x256xf32> to vector<1000x128xf32>
    %swap3A = arith.constant 0 : index
    %swap3A_20 = arith.constant 0 : index
    %swap3A_21 = arith.constant 0 : index
    %swap3A_22 = vector.load %arg5[%swap3A, %swap3A_20, %swap3A_21] : memref<2x1000x128xf32, #tpu.memory_space<vmem>>, vector<1x1000x128xf32>
    %swap3A_23 = vector.shape_cast %swap3A_22 : vector<1x1000x128xf32> to vector<1000x128xf32>
    %swap3A_24 = vector.shape_cast %slice3A : vector<1000x128xf32> to vector<1x1000x128xf32>
    tpu.vector_store %arg5[%swap3A, %swap3A_20, %swap3A_21], %swap3A_24 {strides = array<i32>} : memref<2x1000x128xf32, #tpu.memory_space<vmem>>, vector<1x1000x128xf32>,
    %slice3A_25 = vector.extract_strided_slice %mul3A_19 {offsets = [0, 128], sizes = [1000, 128], strides = [1, 1]} : vector<1000x256xf32> to vector<1000x128xf32>
    %swap3A_26 = arith.constant 1 : index
    %swap3A_27 = arith.constant 0 : index
    %swap3A_28 = arith.constant 0 : index
    %swap3A_29 = vector.load %arg5[%swap3A_26, %swap3A_27, %swap3A_28] : memref<2x1000x128xf32, #tpu.memory_space<vmem>>, vector<1x1000x128xf32>
    %swap3A_30 = vector.shape_cast %swap3A_29 : vector<1x1000x128xf32> to vector<1000x128xf32>
    %swap3A_31 = vector.shape_cast %slice3A_25 : vector<1000x128xf32> to vector<1x1000x128xf32>
    tpu.vector_store %arg5[%swap3A_26, %swap3A_27, %swap3A_28], %swap3A_31 {strides = array<i32>} : memref<2x1000x128xf32, #tpu.memory_space<vmem>>, vector<1x1000x128xf32>,
    return
  }
  func.func @transform_0(%arg0: i32) -> (i32, i32) {
    %c0_i32 = arith.constant 0 : i32
    %c0_i32_0 = arith.constant 0 : i32
    return %arg0, %c0_i32 : i32, i32
  }
  func.func @transform_1(%arg0: i32) -> (i32, i32) {
    %c0_i32 = arith.constant 0 : i32
    %c0_i32_0 = arith.constant 0 : i32
    %c0_i32_1 = arith.constant 0 : i32
    return %c0_i32, %c0_i32_0 : i32, i32
  }
  func.func @transform_2(%arg0: i32) -> (i32, i32, i32) {
    %c0_i32 = arith.constant 0 : i32
    %c0_i32_0 = arith.constant 0 : i32
    %c0_i32_1 = arith.constant 0 : i32
    return %arg0, %c0_i32, %c0_i32_0 : i32, i32, i32
  }
  func.func @transform_3(%arg0: i32) -> (i32, i32, i32) {
    %c0_i32 = arith.constant 0 : i32
    %c0_i32_0 = arith.constant 0 : i32
    %c0_i32_1 = arith.constant 0 : i32
    return %arg0, %c0_i32, %c0_i32_0 : i32, i32, i32
  }
  func.func @transform_4(%arg0: i32) -> (i32, i32, i32) {
    %c0_i32 = arith.constant 0 : i32
    %c0_i32_0 = arith.constant 0 : i32
    %c0_i32_1 = arith.constant 0 : i32
    return %c0_i32, %arg0, %c0_i32_0 : i32, i32, i32
  }
}

module attributes {stable_mosaic.version = 14 : i64} {
  func.func @_head_body(%arg0: i32, %arg1: memref<2x1000x128xf32, #tpu.memory_space<vmem>>, %arg2: memref<2x1000x128xf32, #tpu.memory_space<vmem>>, %arg3: memref<1x1x1000xf32, #tpu.memory_space<vmem>>, %arg4: memref<1x1x1000xf32, #tpu.memory_space<vmem>>, %arg5: memref<1x256xf32, #tpu.memory_space<vmem>>, %arg6: memref<1x1x1000xi32, #tpu.memory_space<vmem>>, %arg7: memref<256x32xf32, #tpu.memory_space<vmem>>, %arg8: memref<1x32xf32, #tpu.memory_space<vmem>>, %arg9: memref<32x2xf32, #tpu.memory_space<vmem>>, %arg10: memref<1x2xf32, #tpu.memory_space<vmem>>, %arg11: memref<64x2xf32, #tpu.memory_space<vmem>>, %arg12: memref<64x256xf32, #tpu.memory_space<vmem>>, %arg13: memref<64x128xf32, #tpu.memory_space<vmem>>) attributes {dimension_semantics = [#tpu.dimension_semantics<arbitrary>], iteration_bounds = array<i64: 10>, scalar_prefetch = 0 : i64, scratch_operands = 2 : i64, tpu.core_type = #tpu.core_type<tc>, window_params = [{transform_indices = @transform_0, window_bounds = array<i64: 2, 1000, 128>}, {transform_indices = @transform_1, window_bounds = array<i64: 2, 1000, 128>}, {transform_indices = @transform_2, window_bounds = array<i64: 1, 1, 1000>}, {transform_indices = @transform_3, window_bounds = array<i64: 1, 1, 1000>}, {pipeline_mode = #tpu.pipeline_mode<synchronous>, transform_indices = @transform_4, window_bounds = array<i64: 1, 256>}, {transform_indices = @transform_5, window_bounds = array<i64: 1, 1, 1000>}, {pipeline_mode = #tpu.pipeline_mode<synchronous>, transform_indices = @transform_6, window_bounds = array<i64: 256, 32>}, {pipeline_mode = #tpu.pipeline_mode<synchronous>, transform_indices = @transform_7, window_bounds = array<i64: 1, 32>}, {pipeline_mode = #tpu.pipeline_mode<synchronous>, transform_indices = @transform_8, window_bounds = array<i64: 32, 2>}, {pipeline_mode = #tpu.pipeline_mode<synchronous>, transform_indices = @transform_9, window_bounds = array<i64: 1, 2>}, {pipeline_mode = #tpu.pipeline_mode<synchronous>, transform_indices = @transform_10, window_bounds = array<i64: 64, 2>}]} {
    %eq3A = arith.constant 0 : i32
    %eq3A_0 = arith.cmpi eq, %arg0, %eq3A : i32
    %convert_element_type3A = arith.extui %eq3A_0 : i1 to i32
    %cond3A = arith.constant 0 : i32
    %cond3A_1 = arith.cmpi ne, %convert_element_type3A, %cond3A : i32
    scf.if %cond3A_1 {
      %broadcast_in_dim3A_78 = arith.constant 0.000000e+00 : f32
      %broadcast_in_dim3A_79 = vector.broadcast %broadcast_in_dim3A_78 : f32 to vector<64x256xf32>
      %swap3A_80 = arith.constant 0 : index
      %swap3A_81 = arith.constant 0 : index
      %swap3A_82 = vector.load %arg12[%swap3A_80, %swap3A_81] : memref<64x256xf32, #tpu.memory_space<vmem>>, vector<64x256xf32>
      tpu.vector_store %arg12[%swap3A_80, %swap3A_81], %broadcast_in_dim3A_79 {strides = array<i32>} : memref<64x256xf32, #tpu.memory_space<vmem>>, vector<64x256xf32>,
      %broadcast_in_dim3A_83 = arith.constant 0.000000e+00 : f32
      %broadcast_in_dim3A_84 = vector.broadcast %broadcast_in_dim3A_83 : f32 to vector<64x128xf32>
      %swap3A_85 = arith.constant 0 : index
      %swap3A_86 = arith.constant 0 : index
      %swap3A_87 = vector.load %arg13[%swap3A_85, %swap3A_86] : memref<64x128xf32, #tpu.memory_space<vmem>>, vector<64x128xf32>
      tpu.vector_store %arg13[%swap3A_85, %swap3A_86], %broadcast_in_dim3A_84 {strides = array<i32>} : memref<64x128xf32, #tpu.memory_space<vmem>>, vector<64x128xf32>,
    } else {
    }
    %get3A = arith.constant 0 : index
    %get3A_2 = arith.constant 0 : index
    %get3A_3 = arith.constant 0 : index
    %get3A_4 = vector.load %arg3[%get3A, %get3A_2, %get3A_3] : memref<1x1x1000xf32, #tpu.memory_space<vmem>>, vector<1x1x1000xf32>
    %get3A_5 = vector.shape_cast %get3A_4 : vector<1x1x1000xf32> to vector<1000xf32>
    %get3A_6 = arith.constant 0 : index
    %get3A_7 = arith.constant 0 : index
    %get3A_8 = arith.constant 0 : index
    %get3A_9 = vector.load %arg4[%get3A_6, %get3A_7, %get3A_8] : memref<1x1x1000xf32, #tpu.memory_space<vmem>>, vector<1x1x1000xf32>
    %get3A_10 = vector.shape_cast %get3A_9 : vector<1x1x1000xf32> to vector<1000xf32>
    %add3A = arith.addf %get3A_5, %get3A_10 : vector<1000xf32>
    %add3A_11 = arith.constant 1.000000e+00 : f32
    %add3A_12 = vector.broadcast %add3A_11 : f32 to vector<1000xf32>
    %add3A_13 = arith.addf %add3A, %add3A_12 : vector<1000xf32>
    %rsqrt3A = math.rsqrt %add3A_13 : vector<1000xf32>
    %get3A_14 = arith.constant 0 : index
    %get3A_15 = arith.constant 0 : index
    %get3A_16 = arith.constant 0 : index
    %get3A_17 = vector.load %arg1[%get3A_14, %get3A_15, %get3A_16] : memref<2x1000x128xf32, #tpu.memory_space<vmem>>, vector<1x1000x128xf32>
    %get3A_18 = vector.shape_cast %get3A_17 : vector<1x1000x128xf32> to vector<1000x128xf32>
    %get3A_19 = arith.constant 1 : index
    %get3A_20 = arith.constant 0 : index
    %get3A_21 = arith.constant 0 : index
    %get3A_22 = vector.load %arg1[%get3A_19, %get3A_20, %get3A_21] : memref<2x1000x128xf32, #tpu.memory_space<vmem>>, vector<1x1000x128xf32>
    %get3A_23 = vector.shape_cast %get3A_22 : vector<1x1000x128xf32> to vector<1000x128xf32>
    %concatenate3A = tpu.concatenate %get3A_18, %get3A_23 in 1 : vector<1000x128xf32>, vector<1000x128xf32> -> vector<1000x256xf32>
    %get3A_24 = arith.constant 0 : index
    %get3A_25 = arith.constant 0 : index
    %get3A_26 = arith.constant 0 : index
    %get3A_27 = vector.load %arg2[%get3A_24, %get3A_25, %get3A_26] : memref<2x1000x128xf32, #tpu.memory_space<vmem>>, vector<1x1000x128xf32>
    %get3A_28 = vector.shape_cast %get3A_27 : vector<1x1000x128xf32> to vector<1000x128xf32>
    %get3A_29 = arith.constant 1 : index
    %get3A_30 = arith.constant 0 : index
    %get3A_31 = arith.constant 0 : index
    %get3A_32 = vector.load %arg2[%get3A_29, %get3A_30, %get3A_31] : memref<2x1000x128xf32, #tpu.memory_space<vmem>>, vector<1x1000x128xf32>
    %get3A_33 = vector.shape_cast %get3A_32 : vector<1x1000x128xf32> to vector<1000x128xf32>
    %concatenate3A_34 = tpu.concatenate %get3A_28, %get3A_33 in 1 : vector<1000x128xf32>, vector<1000x128xf32> -> vector<1000x256xf32>
    %broadcast_in_dim3A = vector.shape_cast %rsqrt3A : vector<1000xf32> to vector<1000x1xf32>
    %add3A_35 = arith.addf %concatenate3A, %concatenate3A_34 : vector<1000x256xf32>
    %mul3A = vector.broadcast %broadcast_in_dim3A : vector<1000x1xf32> to vector<1000x256xf32>
    %mul3A_36 = arith.mulf %mul3A, %add3A_35 : vector<1000x256xf32>
    %get3A_37 = arith.constant 0 : index
    %get3A_38 = arith.constant 0 : index
    %get3A_39 = vector.load %arg5[%get3A_37, %get3A_38] : memref<1x256xf32, #tpu.memory_space<vmem>>, vector<1x256xf32>
    %get3A_40 = vector.shape_cast %get3A_39 : vector<1x256xf32> to vector<256xf32>
    %broadcast_in_dim3A_41 = vector.shape_cast %get3A_40 : vector<256xf32> to vector<1x256xf32>
    %add3A_42 = vector.broadcast %broadcast_in_dim3A_41 : vector<1x256xf32> to vector<1000x256xf32>
    %add3A_43 = arith.addf %mul3A_36, %add3A_42 : vector<1000x256xf32>
    %max3A = arith.constant 0.000000e+00 : f32
    %max3A_44 = vector.broadcast %max3A : f32 to vector<1000x256xf32>
    %max3A_45 = arith.maximumf %add3A_43, %max3A_44 : vector<1000x256xf32>
    %get3A_46 = arith.constant 0 : index
    %get3A_47 = arith.constant 0 : index
    %get3A_48 = arith.constant 0 : index
    %get3A_49 = vector.load %arg6[%get3A_46, %get3A_47, %get3A_48] : memref<1x1x1000xi32, #tpu.memory_space<vmem>>, vector<1x1x1000xi32>
    %get3A_50 = vector.shape_cast %get3A_49 : vector<1x1x1000xi32> to vector<1000xi32>
    %iota3A = tpu.iota {dimensions = array<i32: 0>} : vector<64x1000xi32>
    %broadcast_in_dim3A_51 = vector.shape_cast %get3A_50 : vector<1000xi32> to vector<1x1000xi32>
    %eq3A_52 = vector.broadcast %broadcast_in_dim3A_51 : vector<1x1000xi32> to vector<64x1000xi32>
    %eq3A_53 = arith.cmpi eq, %eq3A_52, %iota3A : vector<64x1000xi32>
    %convert_element_type3A_54 = arith.extui %eq3A_53 : vector<64x1000xi1> to vector<64x1000xi32>
    %convert_element_type3A_55 = arith.sitofp %convert_element_type3A_54 : vector<64x1000xi32> to vector<64x1000xf32>
    %get3A_56 = arith.constant 0 : index
    %get3A_57 = arith.constant 0 : index
    %get3A_58 = vector.load %arg12[%get3A_56, %get3A_57] : memref<64x256xf32, #tpu.memory_space<vmem>>, vector<64x256xf32>
    %dot_general3A = arith.constant dense<0.000000e+00> : vector<64x256xf32>
    %dot_general3A_59 = tpu.matmul %convert_element_type3A_55, %max3A_45, %dot_general3A {dimension_numbers = #tpu.dot_dimension_numbers<[1], [0], [0], [1], [0, 0, 1, 1], [], []>, transpose_lhs_hint = false} : vector<64x1000xf32>, vector<1000x256xf32>, vector<64x256xf32> -> vector<64x256xf32>
    %add3A_60 = arith.addf %get3A_58, %dot_general3A_59 : vector<64x256xf32>
    %swap3A = arith.constant 0 : index
    %swap3A_61 = arith.constant 0 : index
    %swap3A_62 = vector.load %arg12[%swap3A, %swap3A_61] : memref<64x256xf32, #tpu.memory_space<vmem>>, vector<64x256xf32>
    tpu.vector_store %arg12[%swap3A, %swap3A_61], %add3A_60 {strides = array<i32>} : memref<64x256xf32, #tpu.memory_space<vmem>>, vector<64x256xf32>,
    %get3A_63 = arith.constant 0 : index
    %get3A_64 = arith.constant 0 : index
    %get3A_65 = vector.load %arg13[%get3A_63, %get3A_64] : memref<64x128xf32, #tpu.memory_space<vmem>>, vector<64x128xf32>
    %reduce_sum3A = arith.constant dense<0.000000e+00> : vector<64xf32>
    %reduce_sum3A_66 = vector.multi_reduction <add>, %convert_element_type3A_55, %reduce_sum3A [1] : vector<64x1000xf32> to vector<64xf32>
    %broadcast_in_dim3A_67 = vector.shape_cast %reduce_sum3A_66 : vector<64xf32> to vector<64x1xf32>
    %add3A_68 = vector.broadcast %broadcast_in_dim3A_67 : vector<64x1xf32> to vector<64x128xf32>
    %add3A_69 = arith.addf %get3A_65, %add3A_68 : vector<64x128xf32>
    %swap3A_70 = arith.constant 0 : index
    %swap3A_71 = arith.constant 0 : index
    %swap3A_72 = vector.load %arg13[%swap3A_70, %swap3A_71] : memref<64x128xf32, #tpu.memory_space<vmem>>, vector<64x128xf32>
    tpu.vector_store %arg13[%swap3A_70, %swap3A_71], %add3A_69 {strides = array<i32>} : memref<64x128xf32, #tpu.memory_space<vmem>>, vector<64x128xf32>,
    %eq3A_73 = arith.constant 9 : i32
    %eq3A_74 = arith.cmpi eq, %arg0, %eq3A_73 : i32
    %convert_element_type3A_75 = arith.extui %eq3A_74 : i1 to i32
    %cond3A_76 = arith.constant 0 : i32
    %cond3A_77 = arith.cmpi ne, %convert_element_type3A_75, %cond3A_76 : i32
    scf.if %cond3A_77 {
      %get3A_78 = arith.constant 0 : index
      %get3A_79 = arith.constant 0 : index
      %get3A_80 = vector.load %arg13[%get3A_78, %get3A_79] : memref<64x128xf32, #tpu.memory_space<vmem>>, vector<64x1xf32>
      %get3A_81 = arith.constant 0 : index
      %get3A_82 = arith.constant 0 : index
      %get3A_83 = vector.load %arg12[%get3A_81, %get3A_82] : memref<64x256xf32, #tpu.memory_space<vmem>>, vector<64x256xf32>
      %max3A_84 = arith.constant 1.000000e+00 : f32
      %max3A_85 = vector.broadcast %max3A_84 : f32 to vector<64x1xf32>
      %max3A_86 = arith.maximumf %get3A_80, %max3A_85 : vector<64x1xf32>
      %div3A = vector.broadcast %max3A_86 : vector<64x1xf32> to vector<64x256xf32>
      %div3A_87 = arith.divf %get3A_83, %div3A : vector<64x256xf32>
      %get3A_88 = arith.constant 0 : index
      %get3A_89 = arith.constant 0 : index
      %get3A_90 = vector.load %arg7[%get3A_88, %get3A_89] : memref<256x32xf32, #tpu.memory_space<vmem>>, vector<256x32xf32>
      %dot_general3A_91 = arith.constant dense<0.000000e+00> : vector<64x32xf32>
      %dot_general3A_92 = tpu.matmul %div3A_87, %get3A_90, %dot_general3A_91 {dimension_numbers = #tpu.dot_dimension_numbers<[1], [0], [0], [1], [0, 0, 1, 1], [], []>, transpose_lhs_hint = false} : vector<64x256xf32>, vector<256x32xf32>, vector<64x32xf32> -> vector<64x32xf32>
      %get3A_93 = arith.constant 0 : index
      %get3A_94 = arith.constant 0 : index
      %get3A_95 = vector.load %arg8[%get3A_93, %get3A_94] : memref<1x32xf32, #tpu.memory_space<vmem>>, vector<1x32xf32>
      %get3A_96 = vector.shape_cast %get3A_95 : vector<1x32xf32> to vector<32xf32>
      %broadcast_in_dim3A_97 = vector.shape_cast %get3A_96 : vector<32xf32> to vector<1x32xf32>
      %add3A_98 = vector.broadcast %broadcast_in_dim3A_97 : vector<1x32xf32> to vector<64x32xf32>
      %add3A_99 = arith.addf %dot_general3A_92, %add3A_98 : vector<64x32xf32>
      %max3A_100 = arith.constant 0.000000e+00 : f32
      %max3A_101 = vector.broadcast %max3A_100 : f32 to vector<64x32xf32>
      %max3A_102 = arith.maximumf %add3A_99, %max3A_101 : vector<64x32xf32>
      %get3A_103 = arith.constant 0 : index
      %get3A_104 = arith.constant 0 : index
      %get3A_105 = vector.load %arg9[%get3A_103, %get3A_104] : memref<32x2xf32, #tpu.memory_space<vmem>>, vector<32x2xf32>
      %dot_general3A_106 = arith.constant dense<0.000000e+00> : vector<64x2xf32>
      %dot_general3A_107 = tpu.matmul %max3A_102, %get3A_105, %dot_general3A_106 {dimension_numbers = #tpu.dot_dimension_numbers<[1], [0], [0], [1], [0, 0, 1, 1], [], []>, transpose_lhs_hint = false} : vector<64x32xf32>, vector<32x2xf32>, vector<64x2xf32> -> vector<64x2xf32>
      %get3A_108 = arith.constant 0 : index
      %get3A_109 = arith.constant 0 : index
      %get3A_110 = vector.load %arg10[%get3A_108, %get3A_109] : memref<1x2xf32, #tpu.memory_space<vmem>>, vector<1x2xf32>
      %get3A_111 = vector.shape_cast %get3A_110 : vector<1x2xf32> to vector<2xf32>
      %broadcast_in_dim3A_112 = vector.shape_cast %get3A_111 : vector<2xf32> to vector<1x2xf32>
      %add3A_113 = vector.broadcast %broadcast_in_dim3A_112 : vector<1x2xf32> to vector<64x2xf32>
      %add3A_114 = arith.addf %dot_general3A_107, %add3A_113 : vector<64x2xf32>
      %swap3A_115 = arith.constant 0 : index
      %swap3A_116 = arith.constant 0 : index
      %swap3A_117 = vector.load %arg11[%swap3A_115, %swap3A_116] : memref<64x2xf32, #tpu.memory_space<vmem>>, vector<64x2xf32>
      tpu.vector_store %arg11[%swap3A_115, %swap3A_116], %add3A_114 {strides = array<i32>} : memref<64x2xf32, #tpu.memory_space<vmem>>, vector<64x2xf32>,
    } else {
    }
    return
  }
  func.func @transform_0(%arg0: i32) -> (i32, i32, i32) {
    %c0_i32 = arith.constant 0 : i32
    %c0_i32_0 = arith.constant 0 : i32
    %c0_i32_1 = arith.constant 0 : i32
    return %c0_i32, %arg0, %c0_i32_0 : i32, i32, i32
  }
  func.func @transform_1(%arg0: i32) -> (i32, i32, i32) {
    %c0_i32 = arith.constant 0 : i32
    %c0_i32_0 = arith.constant 0 : i32
    %c0_i32_1 = arith.constant 0 : i32
    return %c0_i32, %arg0, %c0_i32_0 : i32, i32, i32
  }
  func.func @transform_2(%arg0: i32) -> (i32, i32, i32) {
    %c0_i32 = arith.constant 0 : i32
    %c0_i32_0 = arith.constant 0 : i32
    %c0_i32_1 = arith.constant 0 : i32
    return %arg0, %c0_i32, %c0_i32_0 : i32, i32, i32
  }
  func.func @transform_3(%arg0: i32) -> (i32, i32, i32) {
    %c0_i32 = arith.constant 0 : i32
    %c0_i32_0 = arith.constant 0 : i32
    %c0_i32_1 = arith.constant 0 : i32
    return %arg0, %c0_i32, %c0_i32_0 : i32, i32, i32
  }
  func.func @transform_4(%arg0: i32) -> (i32, i32) {
    %c0_i32 = arith.constant 0 : i32
    %c0_i32_0 = arith.constant 0 : i32
    %c0_i32_1 = arith.constant 0 : i32
    return %c0_i32, %c0_i32_0 : i32, i32
  }
  func.func @transform_5(%arg0: i32) -> (i32, i32, i32) {
    %c0_i32 = arith.constant 0 : i32
    %c0_i32_0 = arith.constant 0 : i32
    %c0_i32_1 = arith.constant 0 : i32
    return %arg0, %c0_i32, %c0_i32_0 : i32, i32, i32
  }
  func.func @transform_6(%arg0: i32) -> (i32, i32) {
    %c0_i32 = arith.constant 0 : i32
    %c0_i32_0 = arith.constant 0 : i32
    %c0_i32_1 = arith.constant 0 : i32
    return %c0_i32, %c0_i32_0 : i32, i32
  }
  func.func @transform_7(%arg0: i32) -> (i32, i32) {
    %c0_i32 = arith.constant 0 : i32
    %c0_i32_0 = arith.constant 0 : i32
    %c0_i32_1 = arith.constant 0 : i32
    return %c0_i32, %c0_i32_0 : i32, i32
  }
  func.func @transform_8(%arg0: i32) -> (i32, i32) {
    %c0_i32 = arith.constant 0 : i32
    %c0_i32_0 = arith.constant 0 : i32
    %c0_i32_1 = arith.constant 0 : i32
    return %c0_i32, %c0_i32_0 : i32, i32
  }
  func.func @transform_9(%arg0: i32) -> (i32, i32) {
    %c0_i32 = arith.constant 0 : i32
    %c0_i32_0 = arith.constant 0 : i32
    %c0_i32_1 = arith.constant 0 : i32
    return %c0_i32, %c0_i32_0 : i32, i32
  }
  func.func @transform_10(%arg0: i32) -> (i32, i32) {
    %c0_i32 = arith.constant 0 : i32
    %c0_i32_0 = arith.constant 0 : i32
    %c0_i32_1 = arith.constant 0 : i32
    return %c0_i32, %c0_i32_0 : i32, i32
  }
}

</mosaic_0001>

<sc_bundles>
// kernel: kernel.10.cloned.1.call-start
scs
__scs_entry_jumppad:
0x0: {  	(pc) =	sbr.rel $0x88, $3  }
0x1: {  	(tag) =	ssettag $0x0;
	lr =	simm.s32 $0x1  }
0x2: {  	[smem:$0x3F94] =	sst lr;
	_ =	strace $0xD0000000  }
0x3: {  	_ = 	snop  }
0x4: {  	_ = 	snop  }
0x5: {  	_ = 	snop  }
0x6: {  	_ = 	snop  }
0x7: {  	_ = 	snop  }
__scs_overlays_trampoline_lowered:
0x8: {  	[smem:$0x3FA3] =	sst s0  }
0x9: {  	[smem:$0x3FA4] =	sst s1  }
0xa: {  	[smem:$0x3FA5] =	sst s2  }
0xb: {  	[smem:$0x3FA6] =	sst s3  }
0xc: {  	[smem:$0x3FA7] =	sst s4  }
0xd: {  	[smem:$0x3FA8] =	sst s5  }
0xe: {  	[smem:$0x3FA9] =	sst s6  }
0xf: {  	[smem:$0x3FAA] =	sst s7  }
0x10: {  	[smem:$0x3FAB] =	sst s8  }
0x11: {  	[smem:$0x3FAC] =	sst s9;
	s0 =	simm.s32 @!p0 $0x0  }
0x12: {  	s1 =	sld [smem:$0x3F92];
	s0 =	simm.s32 @p0 $0x1  }
0x13: {  	[smem:$0x3FAD] =	sst s0;
	s0 =	simm.s32 @!p1 $0x0  }
0x14: {  	s2 =	sld [smem:$0x3F91];
	s0 =	simm.s32 @p1 $0x1  }
0x15: {  	[smem:$0x3FAE] =	sst s0;
	s0 =	simm.s32 @!p2 $0x0  }
0x16: {  	s3 =	sld [smem:$0x3FDB];
	s0 =	simm.s32 @p2 $0x1  }
0x17: {  	s4 =	simm.s32 $0x1BF5;
	[smem:$0x3FB0] =	sst s0  }
0x18: {  	s0 =	sld [smem:$0x3F93];
	_ =	swait.ge [sflag:s4], $0x0  }
0x19: {  	s7 =	sld [smem:$0x3F94]  }
0x1a: {  	s8 =	sadd.s32 $0xFFFFE003, lr  }
0x1b: {  	s9 =	sadd.s32 $0xFFFFFEF7, lr;
	s5 =	simm.s32 $0xFFFFFFFF;
	p2 =	slt.u32 s8, $0xFFFFF086  }
0x1c: {  	p1 =	slt.u32 s9, $0xF7A;
	s5 =	simm.s32 @!p2 $0x0  }
0x1d: {  	s5 =	simm.s32 @p1 $0x1;
	p0 =	seq.s32 s7, s2  }
0x1e: {  	s7 =	smul.u32 @!p0 $0xF7A, s2;
	p2 =	seq.s32 @!p0 s5, $0x0  }
0x1f: {  	s9 =	smul.u32 $0xF7A, s1;
	s8 =	simm.s32 @!p0 $0x1BF5;
	p2 =	por !p2, p0  }
0x20: {  	[sflag:s8] =	ssyncset.s32 @!p0 $0xFFFFF086;
	s6 =	sadd.s32 @!p0 s3, s7;
	s7 =	simm.s32 @!p0 $0x108  }
0x21: {  	s3 =	sadd.s32 s3, s9;
	s6 =	sadd.s32 @!p0 $0x88, s6;
	s7 =	simm.s32 @p2 $0x1082  }
0x22: {  	[simem:s7], [sflag:s8] =	dma.local @!p0 [hbm:s6], $0xF7A  }
0x23: {  	s9 =	sor.u32 $0xD0000000, s2;
	s6 =	simm.s32 $0x108;
	_ =	swait.ge @!p0 [sflag:s8], $0x0  }
0x24: {  	s3 =	sadd.s32 $0x88, s3;
	s6 =	simm.s32 @!p1 $0x1082;
	[sflag:s4] =	ssyncset.s32 $0xFFFFF086  }
0x25: {  	[simem:s6], [sflag:s4] =	dma.local [hbm:s3], $0xF7A  }
0x26: {  	[smem:$0x3F94] =	sst s1;
	(tag) =	ssettag s2;
	_ =	strace s9  }
0x27: {  	s1 =	sld [smem:$0x3FA4]  }
0x28: {  	s2 =	sld [smem:$0x3FA5]  }
0x29: {  	s4 =	sld [smem:$0x3FA7]  }
0x2a: {  	p0 =	seq.s32 s5, $0x0;
	s5 =	sld [smem:$0x3FA8]  }
0x2b: {  	s6 =	sld [smem:$0x3FA9]  }
0x2c: {  	s7 =	sld [smem:$0x3FAA]  }
0x2d: {  	s3 =	simm.s32 $0x108;
	s8 =	sld [smem:$0x3FAB]  }
0x2e: {  	s3 =	simm.s32 @!p0 $0x1082;
	s9 =	sld [smem:$0x3FAC]  }
0x2f: {  	lr =	sadd.s32 s0, s3;
	s0 =	sld [smem:$0x3FA3]  }
0x30: {  	s3 =	sld [smem:$0x3FA6]  }
0x31: {  	[smem:$0x3FAF] =	sst s10  }
0x32: {  	s10 =	sld [smem:$0x3FAD];
	_ =	sdelay $0x3  }
0x33: {  	p0 =	seq.s32 s10, $0x1;
	s10 =	sld [smem:$0x3FAF];
	_ =	sdelay $0x3  }
0x34: {  	[smem:$0x3FAF] =	sst s10  }
0x35: {  	s10 =	sld [smem:$0x3FAE];
	_ =	sdelay $0x3  }
0x36: {  	p1 =	seq.s32 s10, $0x1;
	s10 =	sld [smem:$0x3FAF];
	_ =	sdelay $0x3  }
0x37: {  	[smem:$0x3FAF] =	sst s10  }
0x38: {  	s10 =	sld [smem:$0x3FB0]  }
0x39: {  	_ = 	snop;
	(pc) =	sbr.ind lr, $3  }
0x3a: {  	_ = 	snop  }
0x3b: {  	_ = 	snop  }
0x3c: {  	p2 =	seq.s32 s10, $0x1;
	s10 =	sld [smem:$0x3FAF]  }
0x3d: {  	_ =	shalt  }
0x3e: {  	_ =	shalt  }
0x3f: {  	_ =	shalt  }
0x40: {  	_ =	shalt  }
0x41: {  	_ =	shalt  }
0x42: {  	_ =	shalt  }
0x43: {  	_ =	shalt  }
0x44: {  	_ =	shalt  }
0x45: {  	_ =	shalt  }
0x46: {  	_ =	shalt  }
0x47: {  	_ =	shalt  }
0x48: {  	_ =	shalt  }
0x49: {  	_ =	shalt  }
0x4a: {  	_ =	shalt  }
0x4b: {  	_ =	shalt  }
0x4c: {  	_ =	shalt  }
0x4d: {  	_ =	shalt  }
0x4e: {  	_ =	shalt  }
0x4f: {  	_ =	shalt  }
0x50: {  	_ =	shalt  }
0x51: {  	_ =	shalt  }
0x52: {  	_ =	shalt  }
0x53: {  	_ =	shalt  }
0x54: {  	_ =	shalt  }
0x55: {  	_ =	shalt  }
0x56: {  	_ =	shalt  }
0x57: {  	_ =	shalt  }
0x58: {  	_ =	shalt  }
0x59: {  	_ =	shalt  }
0x5a: {  	_ =	shalt  }
0x5b: {  	_ =	shalt  }
0x5c: {  	_ =	shalt  }
0x5d: {  	_ =	shalt  }
0x5e: {  	_ =	shalt  }
0x5f: {  	_ =	shalt  }
0x60: {  	_ =	shalt  }
0x61: {  	_ =	shalt  }
0x62: {  	_ =	shalt  }
0x63: {  	_ =	shalt  }
0x64: {  	_ =	shalt  }
0x65: {  	_ =	shalt  }
0x66: {  	_ =	shalt  }
0x67: {  	_ =	shalt  }
0x68: {  	_ =	shalt  }
0x69: {  	_ =	shalt  }
0x6a: {  	_ =	shalt  }
0x6b: {  	_ =	shalt  }
0x6c: {  	_ =	shalt  }
0x6d: {  	_ =	shalt  }
0x6e: {  	_ =	shalt  }
0x6f: {  	_ =	shalt  }
0x70: {  	_ =	shalt  }
0x71: {  	_ =	shalt  }
0x72: {  	_ =	shalt  }
0x73: {  	_ =	shalt  }
0x74: {  	_ =	shalt  }
0x75: {  	_ =	shalt  }
0x76: {  	_ =	shalt  }
0x77: {  	_ =	shalt  }
0x78: {  	_ =	shalt  }
0x79: {  	_ =	shalt  }
0x7a: {  	_ =	shalt  }
0x7b: {  	_ =	shalt  }
0x7c: {  	_ =	shalt  }
0x7d: {  	_ =	shalt  }
0x7e: {  	_ =	shalt  }
0x7f: {  	_ =	shalt  }
0x80: {  	_ =	shalt  }
0x81: {  	_ =	shalt  }
0x82: {  	_ =	shalt  }
0x83: {  	_ =	shalt  }
0x84: {  	_ =	shalt  }
0x85: {  	_ =	shalt  }
0x86: {  	_ =	shalt  }
0x87: {  	_ =	shalt  }
.Lfunc_end0:
.L_simem_size_0:
called_computation_lowered:
.L_overlay_start_0:
0x88: {  	s2 =	sld [smem:$0x3FD9]  }
0x89: {  	s3 =	sld [smem:$0x3FFE];
	_ =	sdelay $0x1  }
0x8a: {  	s1 =	srdreg.scid  }
0x8b: {  	s0 =	sand.u32 $0x1, s1  }
0x8c: {  	s16 =	sshll.u32 s0, $0xA;
	s2 =	sadd.s32 s3, s2  }
0x8d: {  	s2 =	sadd.s32 s2, s16  }
0x8e: {  	[smem:$0x3FBB] =	sst s2  }
0x8f: {  	_ = 	snop  }
0x90: {  	(tm) =	ssettm $0x1  }
0x91: {  	s17 =	sld [smem:$0x3FFB];
	_ =	sdelay $0x3  }
0x92: {  	_ =	strace s17  }
0x93: {  	s2 =	sld [smem:$0x3FFC];
	_ =	sdelay $0x3  }
0x94: {  	_ =	strace s2  }
0x95: {  	s2 =	sld [smem:$0x3FFD];
	_ =	sdelay $0x3  }
0x96: {  	_ =	strace s2  }
0x97: {  	_ =	strace $0x8FFFFFFF  }
0x98: {  	s18 =	sld [smem:$0x3FDB];
	_ =	sdelay $0x1  }
0x99: {  	s19 =	simm.s32 $_scs_section_size  }
0x9a: {  	s4 =	simm.s32 $_size__tile_overlayer_lowered;
	s5 =	simm.s32 $_tile_overlayer_lowered  }
0x9b: {  	s22 =	simm.s32 $0x1BFF;
	s21 =	sshll.u32 s5, $0x1;
	s2 =	sadd.s32 s19, s18  }
0x9c: {  	s6 =	simm.s32 $0x0;
	s20 =	sshll.u32 s4, $0x1;
	s4 =	sadd.s32 s21, s2  }
0x9d: {  	[timem:s6], [sflag:s22] =	dma.local [hbm:s4], s20  }
0x9e: {  	_ =	swait.ge [sflag:s22], s20  }
0x9f: {  	s3 =	ssub.s32 $0x0, s20;
	[sflag:s22] =	ssyncset.done $0x0  }
0xa0: {  	[sflag:s22] =	ssyncadd.s32 s3;
	_ =	sdelay $0x1  }
0xa1: {  	s23 =	simm.s32 $0x1B8B  }
0xa2: {  	_ =	swait.ge [sflag:s23], $0x1  }
0xa3: {  	[sflag:s23] =	ssyncset.done $0x0  }
0xa4: {  	s25 =	simm.s32 $0x1B8E;
	s24 =	sld [smem:$0x3FFE];
	[sflag:s23] =	ssyncadd.s32 $0xFFFFFFFF  }
0xa5: {  	s26 =	simm.s32 $execute0_lowered;
	[smem:$0x3FD2] =	sst s25  }
0xa6: {  	s4 =	sshll.u32 s26, $0x1;
	_ =	strace $0x80000046;
	[dreg:$0x1] =	wrdreg $0xFFFFFFFF  }
0xa7: {  	s28 =	simm.s32 $_size_execute0_lowered;
	s2 =	sadd.s32 s2, s4;
	[dreg:$0x0] =	wrdreg $0x0  }
0xa8: {  	s4 =	sshll.u32 s28, $0x1;
	[dreg:$0x2] =	wrdreg s2  }
0xa9: {  	[dreg:$0x3] =	wrdreg s4  }
0xaa: {  	[dreg:$0x4] =	wrdreg $0xC0  }
0xab: {  	_ =	task [dreg:s6], $0x5FFFF  }
0xac: {  	[dreg:$0x1] =	wrdreg $0xFFFFFFFF  }
0xad: {  	[dreg:$0x0] =	wrdreg $0x60  }
0xae: {  	[dreg:$0x2] =	wrdreg s24  }
0xaf: {  	[dreg:$0x3] =	wrdreg $0x0  }
0xb0: {  	[dreg:$0x4] =	wrdreg $0x9  }
0xb1: {  	_ =	task.clear_ibuf [dreg:s6], $0x5FFFF;
	_ =	strace $0x90000046  }
0xb2: {  	s29 =	simm.s32 $0x9;
	_ =	strace $0x80000048  }
0xb3: {  	_ =	swait.ge [sflag:s29], $0x1  }
0xb4: {  	[sflag:s29] =	ssyncadd.s32 $0xFFFFFFFF  }
0xb5: {  	_ =	strace $0x90000048  }
0xb6: {  	_ =	sfence  }
0xb7: {  	s30 =	sld [smem:$0x0];
	_ =	sdelay $0x2  }
0xb8: {  	s31 =	sshll.u32 s1, $0xD;
	s1 =	sshrl.u32 s1, $0x2  }
0xb9: {  	s3 =	sand.u32 $0x4000, s31;
	s1 =	sadd.s32 s1, s30  }
0xba: {  	s0 =	sor.u32 s3, s0;
	s1 =	sshll.u32 s1, $0x11  }
0xbb: {  	s0 =	sor.u32 s1, s0  }
0xbc: {  	s0 =	sadd.s32 $0x8F2B, s0  }
0xbd: {  	[sflag:s0] =	ssyncadd.remote.s32 $0x1  }
0xbe: {  	_ =	sfence.sel $0xFFFF  }
0xbf: {  	[dreg:$0x0] =	wrdreg $0xFFFFFFFF;
	(pc) =	sbr.abs _section_cstart, $3  }
0xc0: {  	[dreg:$0x1] =	wrdreg $0xFFFFFFFF  }
0xc1: {  	_ =	task.clear_ibuf [dreg:s6], $0x2FFFF;
	_ =	strace $0x9FFFFFFF  }
0xc2: {  	(tm) =	ssettm $0x7FFFFFFF  }
0xc3: {  	_ =	shalt  }
tec
execute0_lowered:
.L_overlay_start_1:
0x0: {  	(tag) =	ssettag $0x1  }
0x1: {  	s6 =	rddreg [dreg:$0x0];
	s0 =	srdreg.scid  }
0x2: {  	s2 =	rddreg [dreg:$0x1];
	s1 =	stileid.u32;
	s3 =	simm.s32 $0x0  }
0x3: {  	s14 =	simm.s32 $0x1;
	s15 =	simm.s32 $0x7D;
	s16 =	simm.s32 $0x13900  }
0x4: {  	s17 =	simm.s32 $0x13980;
	s18 =	simm.s32 $0x13A00;
	s19 =	simm.s32 $0x2  }
0x5: {  	s4 =	sand.u32 $0x1, s0;
	s0 =	rddreg [dreg:$0x2];
	s7 =	smul.u32 $0x280, s1  }
0x6: {  	s20 =	simm.s32 $0x0;
	[smem:$0x7FF] =	sst s3;
	s11 =	smul.u32 $0x4E200, s1  }
0x7: {  	s31 =	sshll.u32 s1, $0x6;
	s5 =	smul.u32 $0x2800, s4;
	s8 =	sshll.u32 s4, $0x4  }
0x8: {  	_ =	strace $0x80000047;
	s9 =	ssub.s32 $0x2, s4;
	s4 =	sadd.s32 $0x7200, s6  }
0x9: {  	s28 =	sor.u32 s1, s8;
	s10 =	sshrl.u32 s9, $0x1;
	s30 =	sshrl.u32 s11, $0x2  }
0xa: {  	s11 =	simm.s32 $0x14C80;
	s5 =	sadd.s32 s7, s5;
	s7 =	smul.u32 $0x2780, s28  }
0xb: {  	s9 =	ssub.s32 s9, s10;
	s13 =	sadd.s32 s30, s2;
	s10 =	simm.s32 $0x13880  }
0xc: {  	s29 =	sadd.s32 s5, s6;
	s5 =	sadd.s32 $0x9A00, s6;
	s9 =	smax.u32 s9, $0x1  }
0xd: {  	s12 =	sadd.s32 s7, s6;
	s6 =	sadd.s32 $0x2200, s29;
	s7 =	sor.u32 $0x1C03, s31  }
0xe: {  	s8 =	sadd.s32 $0xA200, s12;
	s12 =	sshrl.u32 s13, $0x3;
	s13 =	simm.s32 $0x3  }
.LBB2_1:
0xf: {  	[tilespmem:s10], [sflag:$0x1] =	stream.linear.gather [hbm4b:s6+s3], $0x1400, $0x38;
	[tilespmem:$0x18C80] =	vst v63  }
0x10: {  	_ = 	snop  }
0x11: {  	[tilespmem:s11], [sflag:$0x1] =	stream.linear.gather [hbm4b:s5+s3], $0x3E80, $0x38;
	[tilespmem:$0x18C80] =	vst v63  }
0x12: {  	[spmem:s12], [sflag:s7] =	dma.local [hbm:s4], $0x2710  }
0x13: {  	_ =	swait.ge [sflag:s13], $0x2710  }
0x14: {  	[sflag:s13] =	ssyncset.done $0x0  }
0x15: {  	[sflag:s13] =	ssyncadd.s32 $0xFFFFD8F0  }
0x16: {  	_ =	swait.ge [sflag:s14], $0x1400  }
0x17: {  	[sflag:s14] =	ssyncset.done $0x0  }
0x18: {  	[sflag:s14] =	ssyncadd.s32 $0xFFFFEC00  }
0x19: {  	_ =	swait.ge [sflag:s14], $0x3E80  }
0x1a: {  	[sflag:s14] =	ssyncset.done $0x0  }
0x1b: {  	[sflag:s14] =	ssyncadd.s32 $0xFFFFC180  }
0x1c: {  	[bflag:$0x0] =	sbarrier.arrive $0xFFFF  }
0x1d: {  	[spmem:s2] =	stream.indirect.scatter.add.f32 [tilespmem:s11], [sflag:$0x2], $0x80, s10, s15, $0xb8;
	[tilespmem:$0x18C80] =	vst v63  }
0x1e: {  	_ = 	snop  }
0x1f: {  	[spmem:s2] =	stream.indirect.scatter.add.f32 [tilespmem:s11], [sflag:$0x2], $0x80, s16, s15, $0xb8;
	[tilespmem:$0x18C80] =	vst v63  }
0x20: {  	_ = 	snop  }
0x21: {  	[spmem:s2] =	stream.indirect.scatter.add.f32 [tilespmem:s11], [sflag:$0x2], $0x80, s17, s15, $0xb8;
	[tilespmem:$0x18C80] =	vst v63  }
0x22: {  	_ = 	snop  }
0x23: {  	[spmem:s2] =	stream.indirect.scatter.add.f32 [tilespmem:s11], [sflag:$0x2], $0x80, s18, s15, $0xb8;
	[tilespmem:$0x18C80] =	vst v63  }
0x24: {  	s21 =	simm.s32 $0x13A80  }
0x25: {  	[spmem:s2] =	stream.indirect.scatter.add.f32 [tilespmem:s11], [sflag:$0x2], $0x80, s21, s15, $0xb8;
	[tilespmem:$0x18C80] =	vst v63  }
0x26: {  	s21 =	simm.s32 $0xA00;
	_ =	swait.ge [sflag:s19], $0x3E80  }
.LBB2_2:
0x27: {  	s22 =	sshra.s32 s21, $0x2;
	[sflag:s19] =	ssyncset.done $0x0;
	p0 =	sne.s32 s21, $0x4E00  }
.Ltmp0:
0x28: {  	s22 =	sadd.s32 $0x13880, s22;
	[sflag:s19] =	ssyncadd.s32 $0xFFFFC180;
	(pc) =	sbr.rel @p0 .LBB2_2-.Ltmp0, $3  }
0x29: {  	[spmem:s2] =	stream.indirect.scatter.add.f32 [tilespmem:s11], [sflag:$0x2], $0x80, s22, s15, $0xb8;
	[tilespmem:$0x18C80] =	vst v63  }
0x2a: {  	s21 =	sadd.s32 $0x200, s21;
	_ =	sdelay $0x1  }
0x2b: {  	_ =	swait.ge [sflag:s19], $0x3E80  }
0x2c: {  	[sflag:s19] =	ssyncset.done $0x0  }
0x2d: {  	[sflag:s19] =	ssyncadd.s32 $0xFFFFC180  }
0x2e: {  	_ =	swait.ge [sflag:s19], $0x3E80  }
0x2f: {  	[sflag:s19] =	ssyncset.done $0x0  }
0x30: {  	[sflag:s19] =	ssyncadd.s32 $0xFFFFC180  }
0x31: {  	_ =	swait.ge [sflag:s19], $0x3E80  }
0x32: {  	[sflag:s19] =	ssyncset.done $0x0  }
0x33: {  	[sflag:s19] =	ssyncadd.s32 $0xFFFFC180  }
0x34: {  	_ =	swait.ge [sflag:s19], $0x3E80  }
0x35: {  	[sflag:s19] =	ssyncset.done $0x0  }
0x36: {  	[sflag:s19] =	ssyncadd.s32 $0xFFFFC180  }
0x37: {  	_ =	swait.ge [sflag:s19], $0x3E80  }
0x38: {  	s20 =	sadd.s32 $0x1, s20;
	[sflag:s19] =	ssyncset.done $0x0  }
0x39: {  	p0 =	sne.s32 s20, s9;
	[sflag:s19] =	ssyncadd.s32 $0xFFFFC180  }
.Ltmp1:
0x3a: {  	[bflag:$0x0] =	sbarrier.arrive $0xFFFF;
	(pc) =	sbr.rel @p0 .LBB2_1-.Ltmp1, $4  }
0x3b: {  	[hbm:s8], [sflag:s7] =	dma.local [spmem:s12], $0x2710  }
0x3c: {  	_ =	swait.ge [sflag:s13], $0x2710  }
0x3d: {  	[sflag:s13] =	ssyncset.done $0x0  }
0x3e: {  	[sflag:s13] =	ssyncadd.s32 $0xFFFFD8F0  }
0x3f: {  	_ =	sfence.sel $0x180000  }
0x40: {  	[bflag:$0x0] =	sbarrier.arrive $0xFFFF  }
0x41: {  	p0 =	sne.s32 s1, $0x0;
	_ =	strace $0x90000047  }
0x42: {  	s0 =	sadd.s32 @!p0 $0x100000, s0;
	[bflag:$0x2] =	sbarrier.arrive $0xFFFF  }
0x43: {  	[sflag:s0] =	ssyncadd.tile.s32 @!p0 $0x1;
	_ =	shalt  }
.Lfunc_end2:
_tile_overlayer_lowered:
.L_overlay_start_2:
0x44: {  	(tag) =	ssettag $0x2  }
0x45: {  	s0 =	rddreg [dreg:$0x0];
	s2 =	stileid.u32  }
0x46: {  	s1 =	rddreg [dreg:$0x1];
	p0 =	sne.s32 s2, $0x0  }
0x47: {  	s3 =	rddreg [dreg:$0x2];
	[bflag:$0x3] =	sbarrier.arrive $0xFFFF;
	s2 =	simm.s32 @!p0 $0x1C03  }
0x48: {  	[timem:s3], [sflag:s2] =	dma.local @!p0 [hbm:s0], s1  }
0x49: {  	s0 =	simm.s32 @!p0 $0x3  }
0x4a: {  	_ =	swait.ge @!p0 [sflag:s0], s1  }
0x4b: {  	s1 =	ssub.s32 @!p0 $0x0, s1;
	[sflag:s0] =	ssyncset.done @!p0 $0x0  }
0x4c: {  	[sflag:s0] =	ssyncadd.s32 @!p0 s1  }
0x4d: {  	[bflag:$0x3] =	sbarrier.arrive $0xFFFF  }
0x4e: {  	_ =	shalt  }

// kernel: kernel.13.cloned.1.call-start
scs
__scs_entry_jumppad:
0x0: {  	(pc) =	sbr.rel $0x88, $3  }
0x1: {  	(tag) =	ssettag $0x0;
	lr =	simm.s32 $0x1  }
0x2: {  	[smem:$0x3F94] =	sst lr;
	_ =	strace $0xD0000000  }
0x3: {  	_ = 	snop  }
0x4: {  	_ = 	snop  }
0x5: {  	_ = 	snop  }
0x6: {  	_ = 	snop  }
0x7: {  	_ = 	snop  }
__scs_overlays_trampoline_lowered:
0x8: {  	[smem:$0x3FA3] =	sst s0  }
0x9: {  	[smem:$0x3FA4] =	sst s1  }
0xa: {  	[smem:$0x3FA5] =	sst s2  }
0xb: {  	[smem:$0x3FA6] =	sst s3  }
0xc: {  	[smem:$0x3FA7] =	sst s4  }
0xd: {  	[smem:$0x3FA8] =	sst s5  }
0xe: {  	[smem:$0x3FA9] =	sst s6  }
0xf: {  	[smem:$0x3FAA] =	sst s7  }
0x10: {  	[smem:$0x3FAB] =	sst s8  }
0x11: {  	[smem:$0x3FAC] =	sst s9;
	s0 =	simm.s32 @!p0 $0x0  }
0x12: {  	s1 =	sld [smem:$0x3F92];
	s0 =	simm.s32 @p0 $0x1  }
0x13: {  	[smem:$0x3FAD] =	sst s0;
	s0 =	simm.s32 @!p1 $0x0  }
0x14: {  	s2 =	sld [smem:$0x3F91];
	s0 =	simm.s32 @p1 $0x1  }
0x15: {  	[smem:$0x3FAE] =	sst s0;
	s0 =	simm.s32 @!p2 $0x0  }
0x16: {  	s3 =	sld [smem:$0x3FDB];
	s0 =	simm.s32 @p2 $0x1  }
0x17: {  	s4 =	simm.s32 $0x1BF5;
	[smem:$0x3FB0] =	sst s0  }
0x18: {  	s0 =	sld [smem:$0x3F93];
	_ =	swait.ge [sflag:s4], $0x0  }
0x19: {  	s7 =	sld [smem:$0x3F94]  }
0x1a: {  	s8 =	sadd.s32 $0xFFFFE003, lr  }
0x1b: {  	s9 =	sadd.s32 $0xFFFFFEF7, lr;
	s5 =	simm.s32 $0xFFFFFFFF;
	p2 =	slt.u32 s8, $0xFFFFF086  }
0x1c: {  	p1 =	slt.u32 s9, $0xF7A;
	s5 =	simm.s32 @!p2 $0x0  }
0x1d: {  	s5 =	simm.s32 @p1 $0x1;
	p0 =	seq.s32 s7, s2  }
0x1e: {  	s7 =	smul.u32 @!p0 $0xF7A, s2;
	p2 =	seq.s32 @!p0 s5, $0x0  }
0x1f: {  	s9 =	smul.u32 $0xF7A, s1;
	s8 =	simm.s32 @!p0 $0x1BF5;
	p2 =	por !p2, p0  }
0x20: {  	[sflag:s8] =	ssyncset.s32 @!p0 $0xFFFFF086;
	s6 =	sadd.s32 @!p0 s3, s7;
	s7 =	simm.s32 @!p0 $0x108  }
0x21: {  	s3 =	sadd.s32 s3, s9;
	s6 =	sadd.s32 @!p0 $0x88, s6;
	s7 =	simm.s32 @p2 $0x1082  }
0x22: {  	[simem:s7], [sflag:s8] =	dma.local @!p0 [hbm:s6], $0xF7A  }
0x23: {  	s9 =	sor.u32 $0xD0000000, s2;
	s6 =	simm.s32 $0x108;
	_ =	swait.ge @!p0 [sflag:s8], $0x0  }
0x24: {  	s3 =	sadd.s32 $0x88, s3;
	s6 =	simm.s32 @!p1 $0x1082;
	[sflag:s4] =	ssyncset.s32 $0xFFFFF086  }
0x25: {  	[simem:s6], [sflag:s4] =	dma.local [hbm:s3], $0xF7A  }
0x26: {  	[smem:$0x3F94] =	sst s1;
	(tag) =	ssettag s2;
	_ =	strace s9  }
0x27: {  	s1 =	sld [smem:$0x3FA4]  }
0x28: {  	s2 =	sld [smem:$0x3FA5]  }
0x29: {  	s4 =	sld [smem:$0x3FA7]  }
0x2a: {  	p0 =	seq.s32 s5, $0x0;
	s5 =	sld [smem:$0x3FA8]  }
0x2b: {  	s6 =	sld [smem:$0x3FA9]  }
0x2c: {  	s7 =	sld [smem:$0x3FAA]  }
0x2d: {  	s3 =	simm.s32 $0x108;
	s8 =	sld [smem:$0x3FAB]  }
0x2e: {  	s3 =	simm.s32 @!p0 $0x1082;
	s9 =	sld [smem:$0x3FAC]  }
0x2f: {  	lr =	sadd.s32 s0, s3;
	s0 =	sld [smem:$0x3FA3]  }
0x30: {  	s3 =	sld [smem:$0x3FA6]  }
0x31: {  	[smem:$0x3FAF] =	sst s10  }
0x32: {  	s10 =	sld [smem:$0x3FAD];
	_ =	sdelay $0x3  }
0x33: {  	p0 =	seq.s32 s10, $0x1;
	s10 =	sld [smem:$0x3FAF];
	_ =	sdelay $0x3  }
0x34: {  	[smem:$0x3FAF] =	sst s10  }
0x35: {  	s10 =	sld [smem:$0x3FAE];
	_ =	sdelay $0x3  }
0x36: {  	p1 =	seq.s32 s10, $0x1;
	s10 =	sld [smem:$0x3FAF];
	_ =	sdelay $0x3  }
0x37: {  	[smem:$0x3FAF] =	sst s10  }
0x38: {  	s10 =	sld [smem:$0x3FB0]  }
0x39: {  	_ = 	snop;
	(pc) =	sbr.ind lr, $3  }
0x3a: {  	_ = 	snop  }
0x3b: {  	_ = 	snop  }
0x3c: {  	p2 =	seq.s32 s10, $0x1;
	s10 =	sld [smem:$0x3FAF]  }
0x3d: {  	_ =	shalt  }
0x3e: {  	_ =	shalt  }
0x3f: {  	_ =	shalt  }
0x40: {  	_ =	shalt  }
0x41: {  	_ =	shalt  }
0x42: {  	_ =	shalt  }
0x43: {  	_ =	shalt  }
0x44: {  	_ =	shalt  }
0x45: {  	_ =	shalt  }
0x46: {  	_ =	shalt  }
0x47: {  	_ =	shalt  }
0x48: {  	_ =	shalt  }
0x49: {  	_ =	shalt  }
0x4a: {  	_ =	shalt  }
0x4b: {  	_ =	shalt  }
0x4c: {  	_ =	shalt  }
0x4d: {  	_ =	shalt  }
0x4e: {  	_ =	shalt  }
0x4f: {  	_ =	shalt  }
0x50: {  	_ =	shalt  }
0x51: {  	_ =	shalt  }
0x52: {  	_ =	shalt  }
0x53: {  	_ =	shalt  }
0x54: {  	_ =	shalt  }
0x55: {  	_ =	shalt  }
0x56: {  	_ =	shalt  }
0x57: {  	_ =	shalt  }
0x58: {  	_ =	shalt  }
0x59: {  	_ =	shalt  }
0x5a: {  	_ =	shalt  }
0x5b: {  	_ =	shalt  }
0x5c: {  	_ =	shalt  }
0x5d: {  	_ =	shalt  }
0x5e: {  	_ =	shalt  }
0x5f: {  	_ =	shalt  }
0x60: {  	_ =	shalt  }
0x61: {  	_ =	shalt  }
0x62: {  	_ =	shalt  }
0x63: {  	_ =	shalt  }
0x64: {  	_ =	shalt  }
0x65: {  	_ =	shalt  }
0x66: {  	_ =	shalt  }
0x67: {  	_ =	shalt  }
0x68: {  	_ =	shalt  }
0x69: {  	_ =	shalt  }
0x6a: {  	_ =	shalt  }
0x6b: {  	_ =	shalt  }
0x6c: {  	_ =	shalt  }
0x6d: {  	_ =	shalt  }
0x6e: {  	_ =	shalt  }
0x6f: {  	_ =	shalt  }
0x70: {  	_ =	shalt  }
0x71: {  	_ =	shalt  }
0x72: {  	_ =	shalt  }
0x73: {  	_ =	shalt  }
0x74: {  	_ =	shalt  }
0x75: {  	_ =	shalt  }
0x76: {  	_ =	shalt  }
0x77: {  	_ =	shalt  }
0x78: {  	_ =	shalt  }
0x79: {  	_ =	shalt  }
0x7a: {  	_ =	shalt  }
0x7b: {  	_ =	shalt  }
0x7c: {  	_ =	shalt  }
0x7d: {  	_ =	shalt  }
0x7e: {  	_ =	shalt  }
0x7f: {  	_ =	shalt  }
0x80: {  	_ =	shalt  }
0x81: {  	_ =	shalt  }
0x82: {  	_ =	shalt  }
0x83: {  	_ =	shalt  }
0x84: {  	_ =	shalt  }
0x85: {  	_ =	shalt  }
0x86: {  	_ =	shalt  }
0x87: {  	_ =	shalt  }
.Lfunc_end0:
.L_simem_size_0:
called_computation.1_lowered:
.L_overlay_start_0:
0x88: {  	s2 =	sld [smem:$0x3FD9]  }
0x89: {  	s3 =	sld [smem:$0x3FFE];
	_ =	sdelay $0x1  }
0x8a: {  	s1 =	srdreg.scid  }
0x8b: {  	s0 =	sand.u32 $0x1, s1  }
0x8c: {  	s16 =	sshll.u32 s0, $0xA;
	s2 =	sadd.s32 s3, s2  }
0x8d: {  	s2 =	sadd.s32 s2, s16  }
0x8e: {  	[smem:$0x3FBB] =	sst s2  }
0x8f: {  	_ = 	snop  }
0x90: {  	(tm) =	ssettm $0x1  }
0x91: {  	s17 =	sld [smem:$0x3FFB];
	_ =	sdelay $0x3  }
0x92: {  	_ =	strace s17  }
0x93: {  	s2 =	sld [smem:$0x3FFC];
	_ =	sdelay $0x3  }
0x94: {  	_ =	strace s2  }
0x95: {  	s2 =	sld [smem:$0x3FFD];
	_ =	sdelay $0x3  }
0x96: {  	_ =	strace s2  }
0x97: {  	_ =	strace $0x8FFFFFFF  }
0x98: {  	s18 =	sld [smem:$0x3FDB];
	_ =	sdelay $0x1  }
0x99: {  	s19 =	simm.s32 $_scs_section_size  }
0x9a: {  	s4 =	simm.s32 $_size__tile_overlayer_lowered;
	s5 =	simm.s32 $_tile_overlayer_lowered  }
0x9b: {  	s22 =	simm.s32 $0x1BFF;
	s21 =	sshll.u32 s5, $0x1;
	s2 =	sadd.s32 s19, s18  }
0x9c: {  	s6 =	simm.s32 $0x0;
	s20 =	sshll.u32 s4, $0x1;
	s4 =	sadd.s32 s21, s2  }
0x9d: {  	[timem:s6], [sflag:s22] =	dma.local [hbm:s4], s20  }
0x9e: {  	_ =	swait.ge [sflag:s22], s20  }
0x9f: {  	s3 =	ssub.s32 $0x0, s20;
	[sflag:s22] =	ssyncset.done $0x0  }
0xa0: {  	[sflag:s22] =	ssyncadd.s32 s3;
	_ =	sdelay $0x1  }
0xa1: {  	s23 =	simm.s32 $0x1B8B  }
0xa2: {  	_ =	swait.ge [sflag:s23], $0x1  }
0xa3: {  	[sflag:s23] =	ssyncset.done $0x0  }
0xa4: {  	s25 =	simm.s32 $0x1B8E;
	s24 =	sld [smem:$0x3FFE];
	[sflag:s23] =	ssyncadd.s32 $0xFFFFFFFF  }
0xa5: {  	s26 =	simm.s32 $execute0_lowered;
	[smem:$0x3FD2] =	sst s25  }
0xa6: {  	s4 =	sshll.u32 s26, $0x1;
	_ =	strace $0x80000049;
	[dreg:$0x1] =	wrdreg $0xFFFFFFFF  }
0xa7: {  	s28 =	simm.s32 $_size_execute0_lowered;
	s2 =	sadd.s32 s2, s4;
	[dreg:$0x0] =	wrdreg $0x0  }
0xa8: {  	s4 =	sshll.u32 s28, $0x1;
	[dreg:$0x2] =	wrdreg s2  }
0xa9: {  	[dreg:$0x3] =	wrdreg s4  }
0xaa: {  	[dreg:$0x4] =	wrdreg $0xC0  }
0xab: {  	_ =	task [dreg:s6], $0x5FFFF  }
0xac: {  	[dreg:$0x1] =	wrdreg $0xFFFFFFFF  }
0xad: {  	[dreg:$0x0] =	wrdreg $0x60  }
0xae: {  	[dreg:$0x2] =	wrdreg s24  }
0xaf: {  	[dreg:$0x3] =	wrdreg $0x0  }
0xb0: {  	[dreg:$0x4] =	wrdreg $0x9  }
0xb1: {  	_ =	task.clear_ibuf [dreg:s6], $0x5FFFF;
	_ =	strace $0x90000049  }
0xb2: {  	s29 =	simm.s32 $0x9;
	_ =	strace $0x8000004B  }
0xb3: {  	_ =	swait.ge [sflag:s29], $0x1  }
0xb4: {  	[sflag:s29] =	ssyncadd.s32 $0xFFFFFFFF  }
0xb5: {  	_ =	strace $0x9000004B  }
0xb6: {  	_ =	sfence  }
0xb7: {  	s30 =	sld [smem:$0x0];
	_ =	sdelay $0x2  }
0xb8: {  	s31 =	sshll.u32 s1, $0xD;
	s1 =	sshrl.u32 s1, $0x2  }
0xb9: {  	s3 =	sand.u32 $0x4000, s31;
	s1 =	sadd.s32 s1, s30  }
0xba: {  	s0 =	sor.u32 s3, s0;
	s1 =	sshll.u32 s1, $0x11  }
0xbb: {  	s0 =	sor.u32 s1, s0  }
0xbc: {  	s0 =	sadd.s32 $0x8F2B, s0  }
0xbd: {  	[sflag:s0] =	ssyncadd.remote.s32 $0x1  }
0xbe: {  	_ =	sfence.sel $0xFFFF  }
0xbf: {  	[dreg:$0x0] =	wrdreg $0xFFFFFFFF;
	(pc) =	sbr.abs _section_cstart, $3  }
0xc0: {  	[dreg:$0x1] =	wrdreg $0xFFFFFFFF  }
0xc1: {  	_ =	task.clear_ibuf [dreg:s6], $0x2FFFF;
	_ =	strace $0x9FFFFFFF  }
0xc2: {  	(tm) =	ssettm $0x7FFFFFFF  }
0xc3: {  	_ =	shalt  }
tec
execute0_lowered:
.L_overlay_start_1:
0x0: {  	(tag) =	ssettag $0x1  }
0x1: {  	s0 =	srdreg.scid  }
0x2: {  	s1 =	rddreg [dreg:$0x0];
	s8 =	stileid.u32  }
0x3: {  	s2 =	rddreg [dreg:$0x1];
	s17 =	simm.s32 $0x13880;
	s18 =	simm.s32 $0x14080  }
0x4: {  	s20 =	simm.s32 $0x6;
	s28 =	simm.s32 $0x18880;
	s30 =	simm.s32 $0x3  }
0x5: {  	s0 =	sand.u32 $0x1, s0;
	s5 =	sadd.s32 $0x9A00, s1;
	s10 =	smul.u32 $0x2800, s8  }
0x6: {  	s6 =	sadd.s32 $0x59200, s1;
	s7 =	sadd.s32 $0x2200, s1;
	s12 =	smul.u32 $0x4E200, s8  }
0x7: {  	s11 =	sadd.s32 $0x7200, s1;
	s14 =	smul.u32 $0x50, s8;
	s3 =	sshll.u32 s0, $0x4  }
0x8: {  	s26 =	sshll.u32 s8, $0x6;
	s4 =	sor.u32 s8, s3;
	s3 =	simm.s32 $0x0  }
0x9: {  	s23 =	sshrl.u32 s10, $0x3;
	s12 =	sshrl.u32 s12, $0x2;
	s13 =	sor.u32 $0x400, s10  }
0xa: {  	s14 =	sadd.s32 $0x10, s14;
	s9 =	smul.u32 $0x2780, s4;
	[smem:$0x7FF] =	sst s3  }
0xb: {  	s4 =	smul.u32 $0x28000, s0;
	s0 =	ssub.s32 $0x2, s0;
	s24 =	sadd.s32 s7, s23  }
0xc: {  	s19 =	sadd.s32 s12, s2;
	_ =	strace $0x8000004A;
	[dreg:$0x3] =	wrdreg s11  }
0xd: {  	s23 =	simm.s32 $0x0;
	s22 =	sshrl.u32 s0, $0x1;
	[dreg:$0x5] =	wrdreg s24  }
0xe: {  	s11 =	sor.u32 $0x1C06, s26;
	s19 =	sshrl.u32 s19, $0x3;
	s24 =	simm.s32 $0x7D  }
0xf: {  	s1 =	sadd.s32 s9, s1;
	s21 =	sadd.s32 s10, s4;
	s0 =	ssub.s32 s0, s22  }
0x10: {  	s25 =	sadd.s32 s4, s13;
	s13 =	sshrl.u32 s13, $0x3;
	s22 =	simm.s32 $0x2  }
.Ltmp0:
0x11: {  	s9 =	sshrl.u32 s21, $0x3;
	s15 =	sshrl.u32 s25, $0x3;
	(pc) =	sbr.rel .LBB2_1-.Ltmp0, $4  }
0x12: {  	s31 =	sadd.s32 s7, s13;
	s16 =	smax.u32 s0, $0x1;
	s21 =	simm.s32 $0x5  }
0x13: {  	s25 =	simm.s32 $0x14880;
	s9 =	sadd.s32 s6, s9;
	[dreg:$0x7] =	wrdreg s31  }
0x14: {  	s0 =	simm.s32 $0x4;
	s29 =	sadd.s32 s6, s15;
	[dreg:$0x4] =	wrdreg s9  }
0x15: {  	s15 =	sadd.s32 $0x63200, s1;
	s1 =	simm.s32 $0x1;
	[dreg:$0x6] =	wrdreg s29  }
.LBB2_4:
0x16: {  	_ =	swait.ge [sflag:s0], $0x3E80  }
0x17: {  	s23 =	sadd.s32 $0x1, s23;
	[sflag:s0] =	ssyncset.done $0x0  }
0x18: {  	p0 =	sne.s32 s23, s16;
	[sflag:s0] =	ssyncadd.s32 $0xFFFFC180  }
.Ltmp1:
0x19: {  	[bflag:$0x0] =	sbarrier.arrive $0xFFFF;
	(pc) =	sbr.rel @!p0 .LBB2_5-.Ltmp1, $4  }
0x1a: {  	[hbm:s15], [sflag:s11] =	dma.local [spmem:s19], $0x2710  }
0x1b: {  	_ =	swait.ge [sflag:s20], $0x2710  }
0x1c: {  	[sflag:s20] =	ssyncset.done $0x0  }
0x1d: {  	[sflag:s20] =	ssyncadd.s32 $0xFFFFD8F0  }
.LBB2_1:
0x1e: {  	s8 =	rddreg [dreg:$0x4]  }
0x1f: {  	s12 =	rddreg [dreg:$0x5]  }
0x20: {  	[tilespmem:s17], [sflag:$0x5] =	stream.linear.gather [hbm4b:s8+s3], $0x400, $0x38;
	[tilespmem:$0x1C880] =	vst v63  }
0x21: {  	s13 =	rddreg [dreg:$0x3]  }
0x22: {  	[tilespmem:s18], [sflag:$0x5] =	stream.linear.gather [hbm4b:s12+s3], $0x400, $0x38;
	[tilespmem:$0x1C880] =	vst v63  }
0x23: {  	[spmem:s19], [sflag:s11] =	dma.local [hbm:s13], $0x2710  }
0x24: {  	_ =	swait.ge [sflag:s20], $0x2710  }
0x25: {  	[sflag:s20] =	ssyncset.done $0x0  }
0x26: {  	[sflag:s20] =	ssyncadd.s32 $0xFFFFD8F0  }
0x27: {  	_ =	swait.ge [sflag:s21], $0x400  }
0x28: {  	[sflag:s21] =	ssyncset.done $0x0  }
0x29: {  	[sflag:s21] =	ssyncadd.s32 $0xFFFFFC00  }
0x2a: {  	_ =	swait.ge [sflag:s21], $0x400  }
0x2b: {  	[sflag:s21] =	ssyncset.done $0x0  }
0x2c: {  	s9 =	simm.s32 $0x13C80;
	s26 =	rddreg [dreg:$0x6];
	[sflag:s21] =	ssyncadd.s32 $0xFFFFFC00  }
0x2d: {  	[tilespmem:s9], [sflag:$0x5] =	stream.linear.gather [hbm4b:s26+s3], $0x400, $0x38;
	[tilespmem:$0x1C880] =	vst v63  }
0x2e: {  	s10 =	simm.s32 $0x14480;
	s9 =	rddreg [dreg:$0x7]  }
0x2f: {  	[tilespmem:s10], [sflag:$0x5] =	stream.linear.gather [hbm4b:s9+s3], $0x400, $0x38;
	[tilespmem:$0x1C880] =	vst v63  }
0x30: {  	_ = 	snop  }
0x31: {  	[tilespmem:s25], [sflag:$0x1] =	stream.indirect.gather [hbm4b:s5+s24], $0x80, s17, s24, $0xb8;
	[tilespmem:$0x1C880] =	vst v63  }
0x32: {  	[bflag:$0x0] =	sbarrier.arrive $0xFFFF  }
0x33: {  	_ =	swait.ge [sflag:s1], $0x3E80  }
0x34: {  	[sflag:s1] =	ssyncset.done $0x0  }
0x35: {  	[sflag:s1] =	ssyncadd.s32 $0xFFFFC180  }
0x36: {  	[spmem:s2] =	stream.indirect.scatter.add.f32 [tilespmem:s25], [sflag:$0x3], $0x80, s18, s24, $0xb8;
	[tilespmem:$0x1C880] =	vst v63  }
0x37: {  	s12 =	simm.s32 $0x13900  }
0x38: {  	[tilespmem:s28], [sflag:$0x2] =	stream.indirect.gather [hbm4b:s5+s24], $0x80, s12, s24, $0xb8;
	[tilespmem:$0x1C880] =	vst v63  }
0x39: {  	_ =	swait.ge [sflag:s22], $0x3E80  }
0x3a: {  	[sflag:s22] =	ssyncset.done $0x0  }
0x3b: {  	s13 =	simm.s32 $0x14100;
	[sflag:s22] =	ssyncadd.s32 $0xFFFFC180  }
0x3c: {  	[spmem:s2] =	stream.indirect.scatter.add.f32 [tilespmem:s28], [sflag:$0x4], $0x80, s13, s24, $0xb8;
	[tilespmem:$0x1C880] =	vst v63  }
0x3d: {  	_ =	swait.ge [sflag:s30], $0x3E80  }
0x3e: {  	[sflag:s30] =	ssyncset.done $0x0  }
0x3f: {  	s26 =	simm.s32 $0x13980;
	[sflag:s30] =	ssyncadd.s32 $0xFFFFC180  }
0x40: {  	[tilespmem:s25], [sflag:$0x1] =	stream.indirect.gather [hbm4b:s5+s24], $0x80, s26, s24, $0xb8;
	[tilespmem:$0x1C880] =	vst v63  }
0x41: {  	s29 =	simm.s32 $0x2;
	s31 =	simm.s32 $0x1;
	s26 =	simm.s32 $0x800  }
.LBB2_2:
0x42: {  	_ =	swait.ge [sflag:s1], $0x3E80;
	s8 =	sshll.u32 s29, $0x7  }
0x43: {  	[sflag:s1] =	ssyncset.done $0x0;
	s8 =	sand.u32 $0x700, s8  }
0x44: {  	[sflag:s1] =	ssyncadd.s32 $0xFFFFC180;
	s9 =	sor.u32 $0x14080, s8  }
0x45: {  	[spmem:s2] =	stream.indirect.scatter.add.f32 [tilespmem:s25], [sflag:$0x3], $0x80, s9, s24, $0xb8;
	[tilespmem:$0x1C880] =	vst v63  }
0x46: {  	_ =	swait.ge [sflag:s0], $0x3E80  }
0x47: {  	[sflag:s0] =	ssyncset.done $0x0  }
0x48: {  	s12 =	sadd.s32 $0x13900, s8;
	[sflag:s0] =	ssyncadd.s32 $0xFFFFC180  }
0x49: {  	[tilespmem:s28], [sflag:$0x2] =	stream.indirect.gather [hbm4b:s5+s24], $0x80, s12, s24, $0xb8;
	[tilespmem:$0x1C880] =	vst v63  }
0x4a: {  	_ =	swait.ge [sflag:s22], $0x3E80  }
0x4b: {  	[sflag:s22] =	ssyncset.done $0x0  }
0x4c: {  	s8 =	sadd.s32 $0x14100, s8;
	[sflag:s22] =	ssyncadd.s32 $0xFFFFC180  }
0x4d: {  	[spmem:s2] =	stream.indirect.scatter.add.f32 [tilespmem:s28], [sflag:$0x4], $0x80, s8, s24, $0xb8;
	[tilespmem:$0x1C880] =	vst v63  }
0x4e: {  	p0 =	sgt.u32 s31, $0x23;
	s8 =	sand.u32 $0x3, s31  }
0x4f: {  	_ =	swait.ge [sflag:s30], $0x3E80;
	p1 =	sne.s32 @!p0 s8, $0x3  }
0x50: {  	[sflag:s30] =	ssyncset.done $0x0;
	p1 =	por p1, p0  }
0x51: {  	s13 =	sand.u32 $0x23, s31;
	[sflag:s30] =	ssyncadd.s32 $0xFFFFC180;
	s8 =	simm.s32 @!p1 $0x5  }
0x52: {  	s10 =	sshrl.u32 s31, $0x2;
	p0 =	sne.s32 s13, $0x3;
	_ =	swait.ge @!p1 [sflag:s8], $0x400  }
0x53: {  	s9 =	sshll.u32 @!p0 s10, $0x3;
	[sflag:s8] =	ssyncset.done @!p1 $0x0  }
0x54: {  	s9 =	sadd.s32 @!p0 s9, s14;
	[sflag:s8] =	ssyncadd.s32 @!p1 $0xFFFFFC00  }
0x55: {  	s10 =	sshll.u32 @!p0 s10, $0xA;
	s12 =	sshll.u32 @!p0 s9, $0x7;
	_ =	swait.ge @!p1 [sflag:s8], $0x400  }
0x56: {  	s13 =	simm.s32 @!p0 $0x0;
	s12 =	sadd.s32 @!p0 s4, s12;
	[sflag:s8] =	ssyncset.done @!p1 $0x0  }
0x57: {  	[sflag:s8] =	ssyncadd.s32 @!p1 $0xFFFFFC00;
	s8 =	sand.u32 @!p0 $0x400, s10;
	s10 =	sshrl.u32 @!p0 s12, $0x3  }
0x58: {  	s9 =	sshll.u32 @!p0 s9, $0x4;
	s12 =	sor.u32 @!p0 $0x13880, s8;
	s10 =	sadd.s32 @!p0 s6, s10  }
0x59: {  	[tilespmem:s12], [sflag:$0x5] =	stream.linear.gather @!p0 [hbm4b:s10+s13], $0x400, $0x38;
	[tilespmem:$0x1C880] =	vst v63  }
0x5a: {  	s9 =	sadd.s32 @!p0 s7, s9;
	s8 =	sor.u32 @!p0 $0x14080, s8  }
0x5b: {  	[tilespmem:s8], [sflag:$0x5] =	stream.linear.gather @!p0 [hbm4b:s9+s13], $0x400, $0x38;
	[tilespmem:$0x1C880] =	vst v63  }
0x5c: {  	p0 =	seq.s32 s26, $0xA000  }
.Ltmp2:
0x5d: {  	_ = 	snop;
	(pc) =	sbr.rel @p0 .LBB2_4-.Ltmp2, $1  }
0x5e: {  	_ =	sdelay $0x3  }
.Ltmp3:
0x5f: {  	(pc) =	sbr.rel .LBB2_2-.Ltmp3, $4  }
0x60: {  	s8 =	sand.u32 $0x1C00, s26  }
0x61: {  	s31 =	sadd.s32 $0x1, s31;
	s8 =	sshrl.u32 s8, $0x2  }
0x62: {  	s26 =	sadd.s32 $0x400, s26;
	s29 =	sadd.s32 $0x2, s29;
	s8 =	sor.u32 $0x13880, s8  }
0x63: {  	[tilespmem:s25], [sflag:$0x1] =	stream.indirect.gather [hbm4b:s5+s24], $0x80, s8, s24, $0xb8;
	[tilespmem:$0x1C880] =	vst v63  }
.LBB2_5:
0x64: {  	_ =	sfence.sel $0x180000  }
0x65: {  	[bflag:$0x0] =	sbarrier.arrive $0xFFFF  }
0x66: {  	_ =	strace $0x9000004A  }
0x67: {  	s0 =	stileid.u32;
	[bflag:$0x2] =	sbarrier.arrive $0xFFFF  }
0x68: {  	p0 =	sne.s32 s0, $0x0;
	s0 =	rddreg [dreg:$0x2]  }
0x69: {  	s0 =	sadd.s32 @!p0 $0x100000, s0  }
0x6a: {  	[sflag:s0] =	ssyncadd.tile.s32 @!p0 $0x1;
	_ =	shalt  }
.Lfunc_end2:
_tile_overlayer_lowered:
.L_overlay_start_2:
0x6b: {  	(tag) =	ssettag $0x2  }
0x6c: {  	s0 =	rddreg [dreg:$0x0];
	s2 =	stileid.u32  }
0x6d: {  	s1 =	rddreg [dreg:$0x1];
	p0 =	sne.s32 s2, $0x0  }
0x6e: {  	s3 =	rddreg [dreg:$0x2];
	[bflag:$0x3] =	sbarrier.arrive $0xFFFF;
	s2 =	simm.s32 @!p0 $0x1C06  }
0x6f: {  	[timem:s3], [sflag:s2] =	dma.local @!p0 [hbm:s0], s1  }
0x70: {  	s0 =	simm.s32 @!p0 $0x6  }
0x71: {  	_ =	swait.ge @!p0 [sflag:s0], s1  }
0x72: {  	s1 =	ssub.s32 @!p0 $0x0, s1;
	[sflag:s0] =	ssyncset.done @!p0 $0x0  }
0x73: {  	[sflag:s0] =	ssyncadd.s32 @!p0 s1  }
0x74: {  	[bflag:$0x3] =	sbarrier.arrive $0xFFFF  }
0x75: {  	_ =	shalt  }

// kernel: kernel.16.cloned.1.call-start
scs
__scs_entry_jumppad:
0x0: {  	(pc) =	sbr.rel $0x88, $3  }
0x1: {  	(tag) =	ssettag $0x0;
	lr =	simm.s32 $0x1  }
0x2: {  	[smem:$0x3F94] =	sst lr;
	_ =	strace $0xD0000000  }
0x3: {  	_ = 	snop  }
0x4: {  	_ = 	snop  }
0x5: {  	_ = 	snop  }
0x6: {  	_ = 	snop  }
0x7: {  	_ = 	snop  }
__scs_overlays_trampoline_lowered:
0x8: {  	[smem:$0x3FA3] =	sst s0  }
0x9: {  	[smem:$0x3FA4] =	sst s1  }
0xa: {  	[smem:$0x3FA5] =	sst s2  }
0xb: {  	[smem:$0x3FA6] =	sst s3  }
0xc: {  	[smem:$0x3FA7] =	sst s4  }
0xd: {  	[smem:$0x3FA8] =	sst s5  }
0xe: {  	[smem:$0x3FA9] =	sst s6  }
0xf: {  	[smem:$0x3FAA] =	sst s7  }
0x10: {  	[smem:$0x3FAB] =	sst s8  }
0x11: {  	[smem:$0x3FAC] =	sst s9;
	s0 =	simm.s32 @!p0 $0x0  }
0x12: {  	s1 =	sld [smem:$0x3F92];
	s0 =	simm.s32 @p0 $0x1  }
0x13: {  	[smem:$0x3FAD] =	sst s0;
	s0 =	simm.s32 @!p1 $0x0  }
0x14: {  	s2 =	sld [smem:$0x3F91];
	s0 =	simm.s32 @p1 $0x1  }
0x15: {  	[smem:$0x3FAE] =	sst s0;
	s0 =	simm.s32 @!p2 $0x0  }
0x16: {  	s3 =	sld [smem:$0x3FDB];
	s0 =	simm.s32 @p2 $0x1  }
0x17: {  	s4 =	simm.s32 $0x1BF5;
	[smem:$0x3FB0] =	sst s0  }
0x18: {  	s0 =	sld [smem:$0x3F93];
	_ =	swait.ge [sflag:s4], $0x0  }
0x19: {  	s7 =	sld [smem:$0x3F94]  }
0x1a: {  	s8 =	sadd.s32 $0xFFFFE003, lr  }
0x1b: {  	s9 =	sadd.s32 $0xFFFFFEF7, lr;
	s5 =	simm.s32 $0xFFFFFFFF;
	p2 =	slt.u32 s8, $0xFFFFF086  }
0x1c: {  	p1 =	slt.u32 s9, $0xF7A;
	s5 =	simm.s32 @!p2 $0x0  }
0x1d: {  	s5 =	simm.s32 @p1 $0x1;
	p0 =	seq.s32 s7, s2  }
0x1e: {  	s7 =	smul.u32 @!p0 $0xF7A, s2;
	p2 =	seq.s32 @!p0 s5, $0x0  }
0x1f: {  	s9 =	smul.u32 $0xF7A, s1;
	s8 =	simm.s32 @!p0 $0x1BF5;
	p2 =	por !p2, p0  }
0x20: {  	[sflag:s8] =	ssyncset.s32 @!p0 $0xFFFFF086;
	s6 =	sadd.s32 @!p0 s3, s7;
	s7 =	simm.s32 @!p0 $0x108  }
0x21: {  	s3 =	sadd.s32 s3, s9;
	s6 =	sadd.s32 @!p0 $0x88, s6;
	s7 =	simm.s32 @p2 $0x1082  }
0x22: {  	[simem:s7], [sflag:s8] =	dma.local @!p0 [hbm:s6], $0xF7A  }
0x23: {  	s9 =	sor.u32 $0xD0000000, s2;
	s6 =	simm.s32 $0x108;
	_ =	swait.ge @!p0 [sflag:s8], $0x0  }
0x24: {  	s3 =	sadd.s32 $0x88, s3;
	s6 =	simm.s32 @!p1 $0x1082;
	[sflag:s4] =	ssyncset.s32 $0xFFFFF086  }
0x25: {  	[simem:s6], [sflag:s4] =	dma.local [hbm:s3], $0xF7A  }
0x26: {  	[smem:$0x3F94] =	sst s1;
	(tag) =	ssettag s2;
	_ =	strace s9  }
0x27: {  	s1 =	sld [smem:$0x3FA4]  }
0x28: {  	s2 =	sld [smem:$0x3FA5]  }
0x29: {  	s4 =	sld [smem:$0x3FA7]  }
0x2a: {  	p0 =	seq.s32 s5, $0x0;
	s5 =	sld [smem:$0x3FA8]  }
0x2b: {  	s6 =	sld [smem:$0x3FA9]  }
0x2c: {  	s7 =	sld [smem:$0x3FAA]  }
0x2d: {  	s3 =	simm.s32 $0x108;
	s8 =	sld [smem:$0x3FAB]  }
0x2e: {  	s3 =	simm.s32 @!p0 $0x1082;
	s9 =	sld [smem:$0x3FAC]  }
0x2f: {  	lr =	sadd.s32 s0, s3;
	s0 =	sld [smem:$0x3FA3]  }
0x30: {  	s3 =	sld [smem:$0x3FA6]  }
0x31: {  	[smem:$0x3FAF] =	sst s10  }
0x32: {  	s10 =	sld [smem:$0x3FAD];
	_ =	sdelay $0x3  }
0x33: {  	p0 =	seq.s32 s10, $0x1;
	s10 =	sld [smem:$0x3FAF];
	_ =	sdelay $0x3  }
0x34: {  	[smem:$0x3FAF] =	sst s10  }
0x35: {  	s10 =	sld [smem:$0x3FAE];
	_ =	sdelay $0x3  }
0x36: {  	p1 =	seq.s32 s10, $0x1;
	s10 =	sld [smem:$0x3FAF];
	_ =	sdelay $0x3  }
0x37: {  	[smem:$0x3FAF] =	sst s10  }
0x38: {  	s10 =	sld [smem:$0x3FB0]  }
0x39: {  	_ = 	snop;
	(pc) =	sbr.ind lr, $3  }
0x3a: {  	_ = 	snop  }
0x3b: {  	_ = 	snop  }
0x3c: {  	p2 =	seq.s32 s10, $0x1;
	s10 =	sld [smem:$0x3FAF]  }
0x3d: {  	_ =	shalt  }
0x3e: {  	_ =	shalt  }
0x3f: {  	_ =	shalt  }
0x40: {  	_ =	shalt  }
0x41: {  	_ =	shalt  }
0x42: {  	_ =	shalt  }
0x43: {  	_ =	shalt  }
0x44: {  	_ =	shalt  }
0x45: {  	_ =	shalt  }
0x46: {  	_ =	shalt  }
0x47: {  	_ =	shalt  }
0x48: {  	_ =	shalt  }
0x49: {  	_ =	shalt  }
0x4a: {  	_ =	shalt  }
0x4b: {  	_ =	shalt  }
0x4c: {  	_ =	shalt  }
0x4d: {  	_ =	shalt  }
0x4e: {  	_ =	shalt  }
0x4f: {  	_ =	shalt  }
0x50: {  	_ =	shalt  }
0x51: {  	_ =	shalt  }
0x52: {  	_ =	shalt  }
0x53: {  	_ =	shalt  }
0x54: {  	_ =	shalt  }
0x55: {  	_ =	shalt  }
0x56: {  	_ =	shalt  }
0x57: {  	_ =	shalt  }
0x58: {  	_ =	shalt  }
0x59: {  	_ =	shalt  }
0x5a: {  	_ =	shalt  }
0x5b: {  	_ =	shalt  }
0x5c: {  	_ =	shalt  }
0x5d: {  	_ =	shalt  }
0x5e: {  	_ =	shalt  }
0x5f: {  	_ =	shalt  }
0x60: {  	_ =	shalt  }
0x61: {  	_ =	shalt  }
0x62: {  	_ =	shalt  }
0x63: {  	_ =	shalt  }
0x64: {  	_ =	shalt  }
0x65: {  	_ =	shalt  }
0x66: {  	_ =	shalt  }
0x67: {  	_ =	shalt  }
0x68: {  	_ =	shalt  }
0x69: {  	_ =	shalt  }
0x6a: {  	_ =	shalt  }
0x6b: {  	_ =	shalt  }
0x6c: {  	_ =	shalt  }
0x6d: {  	_ =	shalt  }
0x6e: {  	_ =	shalt  }
0x6f: {  	_ =	shalt  }
0x70: {  	_ =	shalt  }
0x71: {  	_ =	shalt  }
0x72: {  	_ =	shalt  }
0x73: {  	_ =	shalt  }
0x74: {  	_ =	shalt  }
0x75: {  	_ =	shalt  }
0x76: {  	_ =	shalt  }
0x77: {  	_ =	shalt  }
0x78: {  	_ =	shalt  }
0x79: {  	_ =	shalt  }
0x7a: {  	_ =	shalt  }
0x7b: {  	_ =	shalt  }
0x7c: {  	_ =	shalt  }
0x7d: {  	_ =	shalt  }
0x7e: {  	_ =	shalt  }
0x7f: {  	_ =	shalt  }
0x80: {  	_ =	shalt  }
0x81: {  	_ =	shalt  }
0x82: {  	_ =	shalt  }
0x83: {  	_ =	shalt  }
0x84: {  	_ =	shalt  }
0x85: {  	_ =	shalt  }
0x86: {  	_ =	shalt  }
0x87: {  	_ =	shalt  }
.Lfunc_end0:
.L_simem_size_0:
called_computation.2_lowered:
.L_overlay_start_0:
0x88: {  	s2 =	sld [smem:$0x3FD9]  }
0x89: {  	s3 =	sld [smem:$0x3FFE];
	_ =	sdelay $0x1  }
0x8a: {  	s1 =	srdreg.scid  }
0x8b: {  	s0 =	sand.u32 $0x1, s1  }
0x8c: {  	s16 =	sshll.u32 s0, $0xA;
	s2 =	sadd.s32 s3, s2  }
0x8d: {  	s2 =	sadd.s32 s2, s16  }
0x8e: {  	[smem:$0x3FBB] =	sst s2  }
0x8f: {  	_ = 	snop  }
0x90: {  	(tm) =	ssettm $0x1  }
0x91: {  	s17 =	sld [smem:$0x3FFB];
	_ =	sdelay $0x3  }
0x92: {  	_ =	strace s17  }
0x93: {  	s2 =	sld [smem:$0x3FFC];
	_ =	sdelay $0x3  }
0x94: {  	_ =	strace s2  }
0x95: {  	s2 =	sld [smem:$0x3FFD];
	_ =	sdelay $0x3  }
0x96: {  	_ =	strace s2  }
0x97: {  	_ =	strace $0x8FFFFFFF  }
0x98: {  	s18 =	sld [smem:$0x3FDB];
	_ =	sdelay $0x1  }
0x99: {  	s19 =	simm.s32 $_scs_section_size  }
0x9a: {  	s4 =	simm.s32 $_size__tile_overlayer_lowered;
	s5 =	simm.s32 $_tile_overlayer_lowered  }
0x9b: {  	s22 =	simm.s32 $0x1BFF;
	s21 =	sshll.u32 s5, $0x1;
	s2 =	sadd.s32 s19, s18  }
0x9c: {  	s6 =	simm.s32 $0x0;
	s20 =	sshll.u32 s4, $0x1;
	s4 =	sadd.s32 s21, s2  }
0x9d: {  	[timem:s6], [sflag:s22] =	dma.local [hbm:s4], s20  }
0x9e: {  	_ =	swait.ge [sflag:s22], s20  }
0x9f: {  	s3 =	ssub.s32 $0x0, s20;
	[sflag:s22] =	ssyncset.done $0x0  }
0xa0: {  	[sflag:s22] =	ssyncadd.s32 s3;
	_ =	sdelay $0x1  }
0xa1: {  	s23 =	simm.s32 $0x1B8B  }
0xa2: {  	_ =	swait.ge [sflag:s23], $0x1  }
0xa3: {  	[sflag:s23] =	ssyncset.done $0x0  }
0xa4: {  	s25 =	simm.s32 $0x1B8E;
	s24 =	sld [smem:$0x3FFE];
	[sflag:s23] =	ssyncadd.s32 $0xFFFFFFFF  }
0xa5: {  	s26 =	simm.s32 $execute0_lowered;
	[smem:$0x3FD2] =	sst s25  }
0xa6: {  	s4 =	sshll.u32 s26, $0x1;
	_ =	strace $0x8000004C;
	[dreg:$0x1] =	wrdreg $0xFFFFFFFF  }
0xa7: {  	s28 =	simm.s32 $_size_execute0_lowered;
	s2 =	sadd.s32 s2, s4;
	[dreg:$0x0] =	wrdreg $0x0  }
0xa8: {  	s4 =	sshll.u32 s28, $0x1;
	[dreg:$0x2] =	wrdreg s2  }
0xa9: {  	[dreg:$0x3] =	wrdreg s4  }
0xaa: {  	[dreg:$0x4] =	wrdreg $0xC0  }
0xab: {  	_ =	task [dreg:s6], $0x5FFFF  }
0xac: {  	[dreg:$0x1] =	wrdreg $0xFFFFFFFF  }
0xad: {  	[dreg:$0x0] =	wrdreg $0x60  }
0xae: {  	[dreg:$0x2] =	wrdreg s24  }
0xaf: {  	[dreg:$0x3] =	wrdreg $0x0  }
0xb0: {  	[dreg:$0x4] =	wrdreg $0x9  }
0xb1: {  	_ =	task.clear_ibuf [dreg:s6], $0x5FFFF;
	_ =	strace $0x9000004C  }
0xb2: {  	s29 =	simm.s32 $0x9;
	_ =	strace $0x8000004E  }
0xb3: {  	_ =	swait.ge [sflag:s29], $0x1  }
0xb4: {  	[sflag:s29] =	ssyncadd.s32 $0xFFFFFFFF  }
0xb5: {  	_ =	strace $0x9000004E  }
0xb6: {  	_ =	sfence  }
0xb7: {  	s30 =	sld [smem:$0x0];
	_ =	sdelay $0x2  }
0xb8: {  	s31 =	sshll.u32 s1, $0xD;
	s1 =	sshrl.u32 s1, $0x2  }
0xb9: {  	s3 =	sand.u32 $0x4000, s31;
	s1 =	sadd.s32 s1, s30  }
0xba: {  	s0 =	sor.u32 s3, s0;
	s1 =	sshll.u32 s1, $0x11  }
0xbb: {  	s0 =	sor.u32 s1, s0  }
0xbc: {  	s0 =	sadd.s32 $0x8F2B, s0  }
0xbd: {  	[sflag:s0] =	ssyncadd.remote.s32 $0x1  }
0xbe: {  	_ =	sfence.sel $0xFFFF  }
0xbf: {  	[dreg:$0x0] =	wrdreg $0xFFFFFFFF;
	(pc) =	sbr.abs _section_cstart, $3  }
0xc0: {  	[dreg:$0x1] =	wrdreg $0xFFFFFFFF  }
0xc1: {  	_ =	task.clear_ibuf [dreg:s6], $0x2FFFF;
	_ =	strace $0x9FFFFFFF  }
0xc2: {  	(tm) =	ssettm $0x7FFFFFFF  }
0xc3: {  	_ =	shalt  }
tec
execute0_lowered:
.L_overlay_start_1:
0x0: {  	(tag) =	ssettag $0x1  }
0x1: {  	s0 =	srdreg.scid  }
0x2: {  	s1 =	rddreg [dreg:$0x0];
	s8 =	stileid.u32  }
0x3: {  	s2 =	rddreg [dreg:$0x1];
	s17 =	simm.s32 $0x13880;
	s18 =	simm.s32 $0x14080  }
0x4: {  	s20 =	simm.s32 $0x6;
	s28 =	simm.s32 $0x18880;
	s30 =	simm.s32 $0x3  }
0x5: {  	s0 =	sand.u32 $0x1, s0;
	s5 =	sadd.s32 $0x9A00, s1;
	s10 =	smul.u32 $0x2800, s8  }
0x6: {  	s6 =	sadd.s32 $0x59200, s1;
	s7 =	sadd.s32 $0x2200, s1;
	s12 =	smul.u32 $0x4E200, s8  }
0x7: {  	s11 =	sadd.s32 $0x7200, s1;
	s14 =	smul.u32 $0x50, s8;
	s3 =	sshll.u32 s0, $0x4  }
0x8: {  	s26 =	sshll.u32 s8, $0x6;
	s4 =	sor.u32 s8, s3;
	s3 =	simm.s32 $0x0  }
0x9: {  	s23 =	sshrl.u32 s10, $0x3;
	s12 =	sshrl.u32 s12, $0x2;
	s13 =	sor.u32 $0x400, s10  }
0xa: {  	s14 =	sadd.s32 $0x10, s14;
	s9 =	smul.u32 $0x2780, s4;
	[smem:$0x7FF] =	sst s3  }
0xb: {  	s4 =	smul.u32 $0x28000, s0;
	s0 =	ssub.s32 $0x2, s0;
	s24 =	sadd.s32 s7, s23  }
0xc: {  	s19 =	sadd.s32 s12, s2;
	_ =	strace $0x8000004D;
	[dreg:$0x3] =	wrdreg s11  }
0xd: {  	s23 =	simm.s32 $0x0;
	s22 =	sshrl.u32 s0, $0x1;
	[dreg:$0x5] =	wrdreg s24  }
0xe: {  	s11 =	sor.u32 $0x1C06, s26;
	s19 =	sshrl.u32 s19, $0x3;
	s24 =	simm.s32 $0x7D  }
0xf: {  	s1 =	sadd.s32 s9, s1;
	s21 =	sadd.s32 s10, s4;
	s0 =	ssub.s32 s0, s22  }
0x10: {  	s25 =	sadd.s32 s4, s13;
	s13 =	sshrl.u32 s13, $0x3;
	s22 =	simm.s32 $0x2  }
.Ltmp0:
0x11: {  	s9 =	sshrl.u32 s21, $0x3;
	s15 =	sshrl.u32 s25, $0x3;
	(pc) =	sbr.rel .LBB2_1-.Ltmp0, $4  }
0x12: {  	s31 =	sadd.s32 s7, s13;
	s16 =	smax.u32 s0, $0x1;
	s21 =	simm.s32 $0x5  }
0x13: {  	s25 =	simm.s32 $0x14880;
	s9 =	sadd.s32 s6, s9;
	[dreg:$0x7] =	wrdreg s31  }
0x14: {  	s0 =	simm.s32 $0x4;
	s29 =	sadd.s32 s6, s15;
	[dreg:$0x4] =	wrdreg s9  }
0x15: {  	s15 =	sadd.s32 $0x63200, s1;
	s1 =	simm.s32 $0x1;
	[dreg:$0x6] =	wrdreg s29  }
.LBB2_4:
0x16: {  	_ =	swait.ge [sflag:s0], $0x3E80  }
0x17: {  	s23 =	sadd.s32 $0x1, s23;
	[sflag:s0] =	ssyncset.done $0x0  }
0x18: {  	p0 =	sne.s32 s23, s16;
	[sflag:s0] =	ssyncadd.s32 $0xFFFFC180  }
.Ltmp1:
0x19: {  	[bflag:$0x0] =	sbarrier.arrive $0xFFFF;
	(pc) =	sbr.rel @!p0 .LBB2_5-.Ltmp1, $4  }
0x1a: {  	[hbm:s15], [sflag:s11] =	dma.local [spmem:s19], $0x2710  }
0x1b: {  	_ =	swait.ge [sflag:s20], $0x2710  }
0x1c: {  	[sflag:s20] =	ssyncset.done $0x0  }
0x1d: {  	[sflag:s20] =	ssyncadd.s32 $0xFFFFD8F0  }
.LBB2_1:
0x1e: {  	s8 =	rddreg [dreg:$0x4]  }
0x1f: {  	s12 =	rddreg [dreg:$0x5]  }
0x20: {  	[tilespmem:s17], [sflag:$0x5] =	stream.linear.gather [hbm4b:s8+s3], $0x400, $0x38;
	[tilespmem:$0x1C880] =	vst v63  }
0x21: {  	s13 =	rddreg [dreg:$0x3]  }
0x22: {  	[tilespmem:s18], [sflag:$0x5] =	stream.linear.gather [hbm4b:s12+s3], $0x400, $0x38;
	[tilespmem:$0x1C880] =	vst v63  }
0x23: {  	[spmem:s19], [sflag:s11] =	dma.local [hbm:s13], $0x2710  }
0x24: {  	_ =	swait.ge [sflag:s20], $0x2710  }
0x25: {  	[sflag:s20] =	ssyncset.done $0x0  }
0x26: {  	[sflag:s20] =	ssyncadd.s32 $0xFFFFD8F0  }
0x27: {  	_ =	swait.ge [sflag:s21], $0x400  }
0x28: {  	[sflag:s21] =	ssyncset.done $0x0  }
0x29: {  	[sflag:s21] =	ssyncadd.s32 $0xFFFFFC00  }
0x2a: {  	_ =	swait.ge [sflag:s21], $0x400  }
0x2b: {  	[sflag:s21] =	ssyncset.done $0x0  }
0x2c: {  	s9 =	simm.s32 $0x13C80;
	s26 =	rddreg [dreg:$0x6];
	[sflag:s21] =	ssyncadd.s32 $0xFFFFFC00  }
0x2d: {  	[tilespmem:s9], [sflag:$0x5] =	stream.linear.gather [hbm4b:s26+s3], $0x400, $0x38;
	[tilespmem:$0x1C880] =	vst v63  }
0x2e: {  	s10 =	simm.s32 $0x14480;
	s9 =	rddreg [dreg:$0x7]  }
0x2f: {  	[tilespmem:s10], [sflag:$0x5] =	stream.linear.gather [hbm4b:s9+s3], $0x400, $0x38;
	[tilespmem:$0x1C880] =	vst v63  }
0x30: {  	_ = 	snop  }
0x31: {  	[tilespmem:s25], [sflag:$0x1] =	stream.indirect.gather [hbm4b:s5+s24], $0x80, s17, s24, $0xb8;
	[tilespmem:$0x1C880] =	vst v63  }
0x32: {  	[bflag:$0x0] =	sbarrier.arrive $0xFFFF  }
0x33: {  	_ =	swait.ge [sflag:s1], $0x3E80  }
0x34: {  	[sflag:s1] =	ssyncset.done $0x0  }
0x35: {  	[sflag:s1] =	ssyncadd.s32 $0xFFFFC180  }
0x36: {  	[spmem:s2] =	stream.indirect.scatter.add.f32 [tilespmem:s25], [sflag:$0x3], $0x80, s18, s24, $0xb8;
	[tilespmem:$0x1C880] =	vst v63  }
0x37: {  	s12 =	simm.s32 $0x13900  }
0x38: {  	[tilespmem:s28], [sflag:$0x2] =	stream.indirect.gather [hbm4b:s5+s24], $0x80, s12, s24, $0xb8;
	[tilespmem:$0x1C880] =	vst v63  }
0x39: {  	_ =	swait.ge [sflag:s22], $0x3E80  }
0x3a: {  	[sflag:s22] =	ssyncset.done $0x0  }
0x3b: {  	s13 =	simm.s32 $0x14100;
	[sflag:s22] =	ssyncadd.s32 $0xFFFFC180  }
0x3c: {  	[spmem:s2] =	stream.indirect.scatter.add.f32 [tilespmem:s28], [sflag:$0x4], $0x80, s13, s24, $0xb8;
	[tilespmem:$0x1C880] =	vst v63  }
0x3d: {  	_ =	swait.ge [sflag:s30], $0x3E80  }
0x3e: {  	[sflag:s30] =	ssyncset.done $0x0  }
0x3f: {  	s26 =	simm.s32 $0x13980;
	[sflag:s30] =	ssyncadd.s32 $0xFFFFC180  }
0x40: {  	[tilespmem:s25], [sflag:$0x1] =	stream.indirect.gather [hbm4b:s5+s24], $0x80, s26, s24, $0xb8;
	[tilespmem:$0x1C880] =	vst v63  }
0x41: {  	s29 =	simm.s32 $0x2;
	s31 =	simm.s32 $0x1;
	s26 =	simm.s32 $0x800  }
.LBB2_2:
0x42: {  	_ =	swait.ge [sflag:s1], $0x3E80;
	s8 =	sshll.u32 s29, $0x7  }
0x43: {  	[sflag:s1] =	ssyncset.done $0x0;
	s8 =	sand.u32 $0x700, s8  }
0x44: {  	[sflag:s1] =	ssyncadd.s32 $0xFFFFC180;
	s9 =	sor.u32 $0x14080, s8  }
0x45: {  	[spmem:s2] =	stream.indirect.scatter.add.f32 [tilespmem:s25], [sflag:$0x3], $0x80, s9, s24, $0xb8;
	[tilespmem:$0x1C880] =	vst v63  }
0x46: {  	_ =	swait.ge [sflag:s0], $0x3E80  }
0x47: {  	[sflag:s0] =	ssyncset.done $0x0  }
0x48: {  	s12 =	sadd.s32 $0x13900, s8;
	[sflag:s0] =	ssyncadd.s32 $0xFFFFC180  }
0x49: {  	[tilespmem:s28], [sflag:$0x2] =	stream.indirect.gather [hbm4b:s5+s24], $0x80, s12, s24, $0xb8;
	[tilespmem:$0x1C880] =	vst v63  }
0x4a: {  	_ =	swait.ge [sflag:s22], $0x3E80  }
0x4b: {  	[sflag:s22] =	ssyncset.done $0x0  }
0x4c: {  	s8 =	sadd.s32 $0x14100, s8;
	[sflag:s22] =	ssyncadd.s32 $0xFFFFC180  }
0x4d: {  	[spmem:s2] =	stream.indirect.scatter.add.f32 [tilespmem:s28], [sflag:$0x4], $0x80, s8, s24, $0xb8;
	[tilespmem:$0x1C880] =	vst v63  }
0x4e: {  	p0 =	sgt.u32 s31, $0x23;
	s8 =	sand.u32 $0x3, s31  }
0x4f: {  	_ =	swait.ge [sflag:s30], $0x3E80;
	p1 =	sne.s32 @!p0 s8, $0x3  }
0x50: {  	[sflag:s30] =	ssyncset.done $0x0;
	p1 =	por p1, p0  }
0x51: {  	s13 =	sand.u32 $0x23, s31;
	[sflag:s30] =	ssyncadd.s32 $0xFFFFC180;
	s8 =	simm.s32 @!p1 $0x5  }
0x52: {  	s10 =	sshrl.u32 s31, $0x2;
	p0 =	sne.s32 s13, $0x3;
	_ =	swait.ge @!p1 [sflag:s8], $0x400  }
0x53: {  	s9 =	sshll.u32 @!p0 s10, $0x3;
	[sflag:s8] =	ssyncset.done @!p1 $0x0  }
0x54: {  	s9 =	sadd.s32 @!p0 s9, s14;
	[sflag:s8] =	ssyncadd.s32 @!p1 $0xFFFFFC00  }
0x55: {  	s10 =	sshll.u32 @!p0 s10, $0xA;
	s12 =	sshll.u32 @!p0 s9, $0x7;
	_ =	swait.ge @!p1 [sflag:s8], $0x400  }
0x56: {  	s13 =	simm.s32 @!p0 $0x0;
	s12 =	sadd.s32 @!p0 s4, s12;
	[sflag:s8] =	ssyncset.done @!p1 $0x0  }
0x57: {  	[sflag:s8] =	ssyncadd.s32 @!p1 $0xFFFFFC00;
	s8 =	sand.u32 @!p0 $0x400, s10;
	s10 =	sshrl.u32 @!p0 s12, $0x3  }
0x58: {  	s9 =	sshll.u32 @!p0 s9, $0x4;
	s12 =	sor.u32 @!p0 $0x13880, s8;
	s10 =	sadd.s32 @!p0 s6, s10  }
0x59: {  	[tilespmem:s12], [sflag:$0x5] =	stream.linear.gather @!p0 [hbm4b:s10+s13], $0x400, $0x38;
	[tilespmem:$0x1C880] =	vst v63  }
0x5a: {  	s9 =	sadd.s32 @!p0 s7, s9;
	s8 =	sor.u32 @!p0 $0x14080, s8  }
0x5b: {  	[tilespmem:s8], [sflag:$0x5] =	stream.linear.gather @!p0 [hbm4b:s9+s13], $0x400, $0x38;
	[tilespmem:$0x1C880] =	vst v63  }
0x5c: {  	p0 =	seq.s32 s26, $0xA000  }
.Ltmp2:
0x5d: {  	_ = 	snop;
	(pc) =	sbr.rel @p0 .LBB2_4-.Ltmp2, $1  }
0x5e: {  	_ =	sdelay $0x3  }
.Ltmp3:
0x5f: {  	(pc) =	sbr.rel .LBB2_2-.Ltmp3, $4  }
0x60: {  	s8 =	sand.u32 $0x1C00, s26  }
0x61: {  	s31 =	sadd.s32 $0x1, s31;
	s8 =	sshrl.u32 s8, $0x2  }
0x62: {  	s26 =	sadd.s32 $0x400, s26;
	s29 =	sadd.s32 $0x2, s29;
	s8 =	sor.u32 $0x13880, s8  }
0x63: {  	[tilespmem:s25], [sflag:$0x1] =	stream.indirect.gather [hbm4b:s5+s24], $0x80, s8, s24, $0xb8;
	[tilespmem:$0x1C880] =	vst v63  }
.LBB2_5:
0x64: {  	_ =	sfence.sel $0x180000  }
0x65: {  	[bflag:$0x0] =	sbarrier.arrive $0xFFFF  }
0x66: {  	_ =	strace $0x9000004D  }
0x67: {  	s0 =	stileid.u32;
	[bflag:$0x2] =	sbarrier.arrive $0xFFFF  }
0x68: {  	p0 =	sne.s32 s0, $0x0;
	s0 =	rddreg [dreg:$0x2]  }
0x69: {  	s0 =	sadd.s32 @!p0 $0x100000, s0  }
0x6a: {  	[sflag:s0] =	ssyncadd.tile.s32 @!p0 $0x1;
	_ =	shalt  }
.Lfunc_end2:
_tile_overlayer_lowered:
.L_overlay_start_2:
0x6b: {  	(tag) =	ssettag $0x2  }
0x6c: {  	s0 =	rddreg [dreg:$0x0];
	s2 =	stileid.u32  }
0x6d: {  	s1 =	rddreg [dreg:$0x1];
	p0 =	sne.s32 s2, $0x0  }
0x6e: {  	s3 =	rddreg [dreg:$0x2];
	[bflag:$0x3] =	sbarrier.arrive $0xFFFF;
	s2 =	simm.s32 @!p0 $0x1C06  }
0x6f: {  	[timem:s3], [sflag:s2] =	dma.local @!p0 [hbm:s0], s1  }
0x70: {  	s0 =	simm.s32 @!p0 $0x6  }
0x71: {  	_ =	swait.ge @!p0 [sflag:s0], s1  }
0x72: {  	s1 =	ssub.s32 @!p0 $0x0, s1;
	[sflag:s0] =	ssyncset.done @!p0 $0x0  }
0x73: {  	[sflag:s0] =	ssyncadd.s32 @!p0 s1  }
0x74: {  	[bflag:$0x3] =	sbarrier.arrive $0xFFFF  }
0x75: {  	_ =	shalt  }

// kernel: kernel.19.cloned.1.call-start
scs
__scs_entry_jumppad:
0x0: {  	(pc) =	sbr.rel $0x88, $3  }
0x1: {  	(tag) =	ssettag $0x0;
	lr =	simm.s32 $0x1  }
0x2: {  	[smem:$0x3F94] =	sst lr;
	_ =	strace $0xD0000000  }
0x3: {  	_ = 	snop  }
0x4: {  	_ = 	snop  }
0x5: {  	_ = 	snop  }
0x6: {  	_ = 	snop  }
0x7: {  	_ = 	snop  }
__scs_overlays_trampoline_lowered:
0x8: {  	[smem:$0x3FA3] =	sst s0  }
0x9: {  	[smem:$0x3FA4] =	sst s1  }
0xa: {  	[smem:$0x3FA5] =	sst s2  }
0xb: {  	[smem:$0x3FA6] =	sst s3  }
0xc: {  	[smem:$0x3FA7] =	sst s4  }
0xd: {  	[smem:$0x3FA8] =	sst s5  }
0xe: {  	[smem:$0x3FA9] =	sst s6  }
0xf: {  	[smem:$0x3FAA] =	sst s7  }
0x10: {  	[smem:$0x3FAB] =	sst s8  }
0x11: {  	[smem:$0x3FAC] =	sst s9;
	s0 =	simm.s32 @!p0 $0x0  }
0x12: {  	s1 =	sld [smem:$0x3F92];
	s0 =	simm.s32 @p0 $0x1  }
0x13: {  	[smem:$0x3FAD] =	sst s0;
	s0 =	simm.s32 @!p1 $0x0  }
0x14: {  	s2 =	sld [smem:$0x3F91];
	s0 =	simm.s32 @p1 $0x1  }
0x15: {  	[smem:$0x3FAE] =	sst s0;
	s0 =	simm.s32 @!p2 $0x0  }
0x16: {  	s3 =	sld [smem:$0x3FDB];
	s0 =	simm.s32 @p2 $0x1  }
0x17: {  	s4 =	simm.s32 $0x1BF5;
	[smem:$0x3FB0] =	sst s0  }
0x18: {  	s0 =	sld [smem:$0x3F93];
	_ =	swait.ge [sflag:s4], $0x0  }
0x19: {  	s7 =	sld [smem:$0x3F94]  }
0x1a: {  	s8 =	sadd.s32 $0xFFFFE003, lr  }
0x1b: {  	s9 =	sadd.s32 $0xFFFFFEF7, lr;
	s5 =	simm.s32 $0xFFFFFFFF;
	p2 =	slt.u32 s8, $0xFFFFF086  }
0x1c: {  	p1 =	slt.u32 s9, $0xF7A;
	s5 =	simm.s32 @!p2 $0x0  }
0x1d: {  	s5 =	simm.s32 @p1 $0x1;
	p0 =	seq.s32 s7, s2  }
0x1e: {  	s7 =	smul.u32 @!p0 $0xF7A, s2;
	p2 =	seq.s32 @!p0 s5, $0x0  }
0x1f: {  	s9 =	smul.u32 $0xF7A, s1;
	s8 =	simm.s32 @!p0 $0x1BF5;
	p2 =	por !p2, p0  }
0x20: {  	[sflag:s8] =	ssyncset.s32 @!p0 $0xFFFFF086;
	s6 =	sadd.s32 @!p0 s3, s7;
	s7 =	simm.s32 @!p0 $0x108  }
0x21: {  	s3 =	sadd.s32 s3, s9;
	s6 =	sadd.s32 @!p0 $0x88, s6;
	s7 =	simm.s32 @p2 $0x1082  }
0x22: {  	[simem:s7], [sflag:s8] =	dma.local @!p0 [hbm:s6], $0xF7A  }
0x23: {  	s9 =	sor.u32 $0xD0000000, s2;
	s6 =	simm.s32 $0x108;
	_ =	swait.ge @!p0 [sflag:s8], $0x0  }
0x24: {  	s3 =	sadd.s32 $0x88, s3;
	s6 =	simm.s32 @!p1 $0x1082;
	[sflag:s4] =	ssyncset.s32 $0xFFFFF086  }
0x25: {  	[simem:s6], [sflag:s4] =	dma.local [hbm:s3], $0xF7A  }
0x26: {  	[smem:$0x3F94] =	sst s1;
	(tag) =	ssettag s2;
	_ =	strace s9  }
0x27: {  	s1 =	sld [smem:$0x3FA4]  }
0x28: {  	s2 =	sld [smem:$0x3FA5]  }
0x29: {  	s4 =	sld [smem:$0x3FA7]  }
0x2a: {  	p0 =	seq.s32 s5, $0x0;
	s5 =	sld [smem:$0x3FA8]  }
0x2b: {  	s6 =	sld [smem:$0x3FA9]  }
0x2c: {  	s7 =	sld [smem:$0x3FAA]  }
0x2d: {  	s3 =	simm.s32 $0x108;
	s8 =	sld [smem:$0x3FAB]  }
0x2e: {  	s3 =	simm.s32 @!p0 $0x1082;
	s9 =	sld [smem:$0x3FAC]  }
0x2f: {  	lr =	sadd.s32 s0, s3;
	s0 =	sld [smem:$0x3FA3]  }
0x30: {  	s3 =	sld [smem:$0x3FA6]  }
0x31: {  	[smem:$0x3FAF] =	sst s10  }
0x32: {  	s10 =	sld [smem:$0x3FAD];
	_ =	sdelay $0x3  }
0x33: {  	p0 =	seq.s32 s10, $0x1;
	s10 =	sld [smem:$0x3FAF];
	_ =	sdelay $0x3  }
0x34: {  	[smem:$0x3FAF] =	sst s10  }
0x35: {  	s10 =	sld [smem:$0x3FAE];
	_ =	sdelay $0x3  }
0x36: {  	p1 =	seq.s32 s10, $0x1;
	s10 =	sld [smem:$0x3FAF];
	_ =	sdelay $0x3  }
0x37: {  	[smem:$0x3FAF] =	sst s10  }
0x38: {  	s10 =	sld [smem:$0x3FB0]  }
0x39: {  	_ = 	snop;
	(pc) =	sbr.ind lr, $3  }
0x3a: {  	_ = 	snop  }
0x3b: {  	_ = 	snop  }
0x3c: {  	p2 =	seq.s32 s10, $0x1;
	s10 =	sld [smem:$0x3FAF]  }
0x3d: {  	_ =	shalt  }
0x3e: {  	_ =	shalt  }
0x3f: {  	_ =	shalt  }
0x40: {  	_ =	shalt  }
0x41: {  	_ =	shalt  }
0x42: {  	_ =	shalt  }
0x43: {  	_ =	shalt  }
0x44: {  	_ =	shalt  }
0x45: {  	_ =	shalt  }
0x46: {  	_ =	shalt  }
0x47: {  	_ =	shalt  }
0x48: {  	_ =	shalt  }
0x49: {  	_ =	shalt  }
0x4a: {  	_ =	shalt  }
0x4b: {  	_ =	shalt  }
0x4c: {  	_ =	shalt  }
0x4d: {  	_ =	shalt  }
0x4e: {  	_ =	shalt  }
0x4f: {  	_ =	shalt  }
0x50: {  	_ =	shalt  }
0x51: {  	_ =	shalt  }
0x52: {  	_ =	shalt  }
0x53: {  	_ =	shalt  }
0x54: {  	_ =	shalt  }
0x55: {  	_ =	shalt  }
0x56: {  	_ =	shalt  }
0x57: {  	_ =	shalt  }
0x58: {  	_ =	shalt  }
0x59: {  	_ =	shalt  }
0x5a: {  	_ =	shalt  }
0x5b: {  	_ =	shalt  }
0x5c: {  	_ =	shalt  }
0x5d: {  	_ =	shalt  }
0x5e: {  	_ =	shalt  }
0x5f: {  	_ =	shalt  }
0x60: {  	_ =	shalt  }
0x61: {  	_ =	shalt  }
0x62: {  	_ =	shalt  }
0x63: {  	_ =	shalt  }
0x64: {  	_ =	shalt  }
0x65: {  	_ =	shalt  }
0x66: {  	_ =	shalt  }
0x67: {  	_ =	shalt  }
0x68: {  	_ =	shalt  }
0x69: {  	_ =	shalt  }
0x6a: {  	_ =	shalt  }
0x6b: {  	_ =	shalt  }
0x6c: {  	_ =	shalt  }
0x6d: {  	_ =	shalt  }
0x6e: {  	_ =	shalt  }
0x6f: {  	_ =	shalt  }
0x70: {  	_ =	shalt  }
0x71: {  	_ =	shalt  }
0x72: {  	_ =	shalt  }
0x73: {  	_ =	shalt  }
0x74: {  	_ =	shalt  }
0x75: {  	_ =	shalt  }
0x76: {  	_ =	shalt  }
0x77: {  	_ =	shalt  }
0x78: {  	_ =	shalt  }
0x79: {  	_ =	shalt  }
0x7a: {  	_ =	shalt  }
0x7b: {  	_ =	shalt  }
0x7c: {  	_ =	shalt  }
0x7d: {  	_ =	shalt  }
0x7e: {  	_ =	shalt  }
0x7f: {  	_ =	shalt  }
0x80: {  	_ =	shalt  }
0x81: {  	_ =	shalt  }
0x82: {  	_ =	shalt  }
0x83: {  	_ =	shalt  }
0x84: {  	_ =	shalt  }
0x85: {  	_ =	shalt  }
0x86: {  	_ =	shalt  }
0x87: {  	_ =	shalt  }
.Lfunc_end0:
.L_simem_size_0:
called_computation.3_lowered:
.L_overlay_start_0:
0x88: {  	s2 =	sld [smem:$0x3FD9]  }
0x89: {  	s3 =	sld [smem:$0x3FFE];
	_ =	sdelay $0x1  }
0x8a: {  	s1 =	srdreg.scid  }
0x8b: {  	s0 =	sand.u32 $0x1, s1  }
0x8c: {  	s16 =	sshll.u32 s0, $0xA;
	s2 =	sadd.s32 s3, s2  }
0x8d: {  	s2 =	sadd.s32 s2, s16  }
0x8e: {  	[smem:$0x3FBB] =	sst s2  }
0x8f: {  	_ = 	snop  }
0x90: {  	(tm) =	ssettm $0x1  }
0x91: {  	s17 =	sld [smem:$0x3FFB];
	_ =	sdelay $0x3  }
0x92: {  	_ =	strace s17  }
0x93: {  	s2 =	sld [smem:$0x3FFC];
	_ =	sdelay $0x3  }
0x94: {  	_ =	strace s2  }
0x95: {  	s2 =	sld [smem:$0x3FFD];
	_ =	sdelay $0x3  }
0x96: {  	_ =	strace s2  }
0x97: {  	_ =	strace $0x8FFFFFFF  }
0x98: {  	s18 =	sld [smem:$0x3FDB];
	_ =	sdelay $0x1  }
0x99: {  	s19 =	simm.s32 $_scs_section_size  }
0x9a: {  	s4 =	simm.s32 $_size__tile_overlayer_lowered;
	s5 =	simm.s32 $_tile_overlayer_lowered  }
0x9b: {  	s22 =	simm.s32 $0x1BFF;
	s21 =	sshll.u32 s5, $0x1;
	s2 =	sadd.s32 s19, s18  }
0x9c: {  	s6 =	simm.s32 $0x0;
	s20 =	sshll.u32 s4, $0x1;
	s4 =	sadd.s32 s21, s2  }
0x9d: {  	[timem:s6], [sflag:s22] =	dma.local [hbm:s4], s20  }
0x9e: {  	_ =	swait.ge [sflag:s22], s20  }
0x9f: {  	s3 =	ssub.s32 $0x0, s20;
	[sflag:s22] =	ssyncset.done $0x0  }
0xa0: {  	[sflag:s22] =	ssyncadd.s32 s3;
	_ =	sdelay $0x1  }
0xa1: {  	s23 =	simm.s32 $0x1B8B  }
0xa2: {  	_ =	swait.ge [sflag:s23], $0x1  }
0xa3: {  	[sflag:s23] =	ssyncset.done $0x0  }
0xa4: {  	s25 =	simm.s32 $0x1B8E;
	s24 =	sld [smem:$0x3FFE];
	[sflag:s23] =	ssyncadd.s32 $0xFFFFFFFF  }
0xa5: {  	s26 =	simm.s32 $execute0_lowered;
	[smem:$0x3FD2] =	sst s25  }
0xa6: {  	s4 =	sshll.u32 s26, $0x1;
	_ =	strace $0x8000004F;
	[dreg:$0x1] =	wrdreg $0xFFFFFFFF  }
0xa7: {  	s28 =	simm.s32 $_size_execute0_lowered;
	s2 =	sadd.s32 s2, s4;
	[dreg:$0x0] =	wrdreg $0x0  }
0xa8: {  	s4 =	sshll.u32 s28, $0x1;
	[dreg:$0x2] =	wrdreg s2  }
0xa9: {  	[dreg:$0x3] =	wrdreg s4  }
0xaa: {  	[dreg:$0x4] =	wrdreg $0xC0  }
0xab: {  	_ =	task [dreg:s6], $0x5FFFF  }
0xac: {  	[dreg:$0x1] =	wrdreg $0xFFFFFFFF  }
0xad: {  	[dreg:$0x0] =	wrdreg $0x60  }
0xae: {  	[dreg:$0x2] =	wrdreg s24  }
0xaf: {  	[dreg:$0x3] =	wrdreg $0x0  }
0xb0: {  	[dreg:$0x4] =	wrdreg $0x9  }
0xb1: {  	_ =	task.clear_ibuf [dreg:s6], $0x5FFFF;
	_ =	strace $0x9000004F  }
0xb2: {  	s29 =	simm.s32 $0x9;
	_ =	strace $0x80000051  }
0xb3: {  	_ =	swait.ge [sflag:s29], $0x1  }
0xb4: {  	[sflag:s29] =	ssyncadd.s32 $0xFFFFFFFF  }
0xb5: {  	_ =	strace $0x90000051  }
0xb6: {  	_ =	sfence  }
0xb7: {  	s30 =	sld [smem:$0x0];
	_ =	sdelay $0x2  }
0xb8: {  	s31 =	sshll.u32 s1, $0xD;
	s1 =	sshrl.u32 s1, $0x2  }
0xb9: {  	s3 =	sand.u32 $0x4000, s31;
	s1 =	sadd.s32 s1, s30  }
0xba: {  	s0 =	sor.u32 s3, s0;
	s1 =	sshll.u32 s1, $0x11  }
0xbb: {  	s0 =	sor.u32 s1, s0  }
0xbc: {  	s0 =	sadd.s32 $0x8F2B, s0  }
0xbd: {  	[sflag:s0] =	ssyncadd.remote.s32 $0x1  }
0xbe: {  	_ =	sfence.sel $0xFFFF  }
0xbf: {  	[dreg:$0x0] =	wrdreg $0xFFFFFFFF;
	(pc) =	sbr.abs _section_cstart, $3  }
0xc0: {  	[dreg:$0x1] =	wrdreg $0xFFFFFFFF  }
0xc1: {  	_ =	task.clear_ibuf [dreg:s6], $0x2FFFF;
	_ =	strace $0x9FFFFFFF  }
0xc2: {  	(tm) =	ssettm $0x7FFFFFFF  }
0xc3: {  	_ =	shalt  }
tec
execute0_lowered:
.L_overlay_start_1:
0x0: {  	(tag) =	ssettag $0x1  }
0x1: {  	s0 =	srdreg.scid  }
0x2: {  	s1 =	rddreg [dreg:$0x0];
	s8 =	stileid.u32  }
0x3: {  	s2 =	rddreg [dreg:$0x1];
	s17 =	simm.s32 $0x13880;
	s18 =	simm.s32 $0x14080  }
0x4: {  	s20 =	simm.s32 $0x6;
	s28 =	simm.s32 $0x18880;
	s30 =	simm.s32 $0x3  }
0x5: {  	s0 =	sand.u32 $0x1, s0;
	s5 =	sadd.s32 $0x9A00, s1;
	s10 =	smul.u32 $0x2800, s8  }
0x6: {  	s6 =	sadd.s32 $0x59200, s1;
	s7 =	sadd.s32 $0x2200, s1;
	s12 =	smul.u32 $0x4E200, s8  }
0x7: {  	s11 =	sadd.s32 $0x7200, s1;
	s14 =	smul.u32 $0x50, s8;
	s3 =	sshll.u32 s0, $0x4  }
0x8: {  	s26 =	sshll.u32 s8, $0x6;
	s4 =	sor.u32 s8, s3;
	s3 =	simm.s32 $0x0  }
0x9: {  	s23 =	sshrl.u32 s10, $0x3;
	s12 =	sshrl.u32 s12, $0x2;
	s13 =	sor.u32 $0x400, s10  }
0xa: {  	s14 =	sadd.s32 $0x10, s14;
	s9 =	smul.u32 $0x2780, s4;
	[smem:$0x7FF] =	sst s3  }
0xb: {  	s4 =	smul.u32 $0x28000, s0;
	s0 =	ssub.s32 $0x2, s0;
	s24 =	sadd.s32 s7, s23  }
0xc: {  	s19 =	sadd.s32 s12, s2;
	_ =	strace $0x80000050;
	[dreg:$0x3] =	wrdreg s11  }
0xd: {  	s23 =	simm.s32 $0x0;
	s22 =	sshrl.u32 s0, $0x1;
	[dreg:$0x5] =	wrdreg s24  }
0xe: {  	s11 =	sor.u32 $0x1C06, s26;
	s19 =	sshrl.u32 s19, $0x3;
	s24 =	simm.s32 $0x7D  }
0xf: {  	s1 =	sadd.s32 s9, s1;
	s21 =	sadd.s32 s10, s4;
	s0 =	ssub.s32 s0, s22  }
0x10: {  	s25 =	sadd.s32 s4, s13;
	s13 =	sshrl.u32 s13, $0x3;
	s22 =	simm.s32 $0x2  }
.Ltmp0:
0x11: {  	s9 =	sshrl.u32 s21, $0x3;
	s15 =	sshrl.u32 s25, $0x3;
	(pc) =	sbr.rel .LBB2_1-.Ltmp0, $4  }
0x12: {  	s31 =	sadd.s32 s7, s13;
	s16 =	smax.u32 s0, $0x1;
	s21 =	simm.s32 $0x5  }
0x13: {  	s25 =	simm.s32 $0x14880;
	s9 =	sadd.s32 s6, s9;
	[dreg:$0x7] =	wrdreg s31  }
0x14: {  	s0 =	simm.s32 $0x4;
	s29 =	sadd.s32 s6, s15;
	[dreg:$0x4] =	wrdreg s9  }
0x15: {  	s15 =	sadd.s32 $0x63200, s1;
	s1 =	simm.s32 $0x1;
	[dreg:$0x6] =	wrdreg s29  }
.LBB2_4:
0x16: {  	_ =	swait.ge [sflag:s0], $0x3E80  }
0x17: {  	s23 =	sadd.s32 $0x1, s23;
	[sflag:s0] =	ssyncset.done $0x0  }
0x18: {  	p0 =	sne.s32 s23, s16;
	[sflag:s0] =	ssyncadd.s32 $0xFFFFC180  }
.Ltmp1:
0x19: {  	[bflag:$0x0] =	sbarrier.arrive $0xFFFF;
	(pc) =	sbr.rel @!p0 .LBB2_5-.Ltmp1, $4  }
0x1a: {  	[hbm:s15], [sflag:s11] =	dma.local [spmem:s19], $0x2710  }
0x1b: {  	_ =	swait.ge [sflag:s20], $0x2710  }
0x1c: {  	[sflag:s20] =	ssyncset.done $0x0  }
0x1d: {  	[sflag:s20] =	ssyncadd.s32 $0xFFFFD8F0  }
.LBB2_1:
0x1e: {  	s8 =	rddreg [dreg:$0x4]  }
0x1f: {  	s12 =	rddreg [dreg:$0x5]  }
0x20: {  	[tilespmem:s17], [sflag:$0x5] =	stream.linear.gather [hbm4b:s8+s3], $0x400, $0x38;
	[tilespmem:$0x1C880] =	vst v63  }
0x21: {  	s13 =	rddreg [dreg:$0x3]  }
0x22: {  	[tilespmem:s18], [sflag:$0x5] =	stream.linear.gather [hbm4b:s12+s3], $0x400, $0x38;
	[tilespmem:$0x1C880] =	vst v63  }
0x23: {  	[spmem:s19], [sflag:s11] =	dma.local [hbm:s13], $0x2710  }
0x24: {  	_ =	swait.ge [sflag:s20], $0x2710  }
0x25: {  	[sflag:s20] =	ssyncset.done $0x0  }
0x26: {  	[sflag:s20] =	ssyncadd.s32 $0xFFFFD8F0  }
0x27: {  	_ =	swait.ge [sflag:s21], $0x400  }
0x28: {  	[sflag:s21] =	ssyncset.done $0x0  }
0x29: {  	[sflag:s21] =	ssyncadd.s32 $0xFFFFFC00  }
0x2a: {  	_ =	swait.ge [sflag:s21], $0x400  }
0x2b: {  	[sflag:s21] =	ssyncset.done $0x0  }
0x2c: {  	s9 =	simm.s32 $0x13C80;
	s26 =	rddreg [dreg:$0x6];
	[sflag:s21] =	ssyncadd.s32 $0xFFFFFC00  }
0x2d: {  	[tilespmem:s9], [sflag:$0x5] =	stream.linear.gather [hbm4b:s26+s3], $0x400, $0x38;
	[tilespmem:$0x1C880] =	vst v63  }
0x2e: {  	s10 =	simm.s32 $0x14480;
	s9 =	rddreg [dreg:$0x7]  }
0x2f: {  	[tilespmem:s10], [sflag:$0x5] =	stream.linear.gather [hbm4b:s9+s3], $0x400, $0x38;
	[tilespmem:$0x1C880] =	vst v63  }
0x30: {  	_ = 	snop  }
0x31: {  	[tilespmem:s25], [sflag:$0x1] =	stream.indirect.gather [hbm4b:s5+s24], $0x80, s17, s24, $0xb8;
	[tilespmem:$0x1C880] =	vst v63  }
0x32: {  	[bflag:$0x0] =	sbarrier.arrive $0xFFFF  }
0x33: {  	_ =	swait.ge [sflag:s1], $0x3E80  }
0x34: {  	[sflag:s1] =	ssyncset.done $0x0  }
0x35: {  	[sflag:s1] =	ssyncadd.s32 $0xFFFFC180  }
0x36: {  	[spmem:s2] =	stream.indirect.scatter.add.f32 [tilespmem:s25], [sflag:$0x3], $0x80, s18, s24, $0xb8;
	[tilespmem:$0x1C880] =	vst v63  }
0x37: {  	s12 =	simm.s32 $0x13900  }
0x38: {  	[tilespmem:s28], [sflag:$0x2] =	stream.indirect.gather [hbm4b:s5+s24], $0x80, s12, s24, $0xb8;
	[tilespmem:$0x1C880] =	vst v63  }
0x39: {  	_ =	swait.ge [sflag:s22], $0x3E80  }
0x3a: {  	[sflag:s22] =	ssyncset.done $0x0  }
0x3b: {  	s13 =	simm.s32 $0x14100;
	[sflag:s22] =	ssyncadd.s32 $0xFFFFC180  }
0x3c: {  	[spmem:s2] =	stream.indirect.scatter.add.f32 [tilespmem:s28], [sflag:$0x4], $0x80, s13, s24, $0xb8;
	[tilespmem:$0x1C880] =	vst v63  }
0x3d: {  	_ =	swait.ge [sflag:s30], $0x3E80  }
0x3e: {  	[sflag:s30] =	ssyncset.done $0x0  }
0x3f: {  	s26 =	simm.s32 $0x13980;
	[sflag:s30] =	ssyncadd.s32 $0xFFFFC180  }
0x40: {  	[tilespmem:s25], [sflag:$0x1] =	stream.indirect.gather [hbm4b:s5+s24], $0x80, s26, s24, $0xb8;
	[tilespmem:$0x1C880] =	vst v63  }
0x41: {  	s29 =	simm.s32 $0x2;
	s31 =	simm.s32 $0x1;
	s26 =	simm.s32 $0x800  }
.LBB2_2:
0x42: {  	_ =	swait.ge [sflag:s1], $0x3E80;
	s8 =	sshll.u32 s29, $0x7  }
0x43: {  	[sflag:s1] =	ssyncset.done $0x0;
	s8 =	sand.u32 $0x700, s8  }
0x44: {  	[sflag:s1] =	ssyncadd.s32 $0xFFFFC180;
	s9 =	sor.u32 $0x14080, s8  }
0x45: {  	[spmem:s2] =	stream.indirect.scatter.add.f32 [tilespmem:s25], [sflag:$0x3], $0x80, s9, s24, $0xb8;
	[tilespmem:$0x1C880] =	vst v63  }
0x46: {  	_ =	swait.ge [sflag:s0], $0x3E80  }
0x47: {  	[sflag:s0] =	ssyncset.done $0x0  }
0x48: {  	s12 =	sadd.s32 $0x13900, s8;
	[sflag:s0] =	ssyncadd.s32 $0xFFFFC180  }
0x49: {  	[tilespmem:s28], [sflag:$0x2] =	stream.indirect.gather [hbm4b:s5+s24], $0x80, s12, s24, $0xb8;
	[tilespmem:$0x1C880] =	vst v63  }
0x4a: {  	_ =	swait.ge [sflag:s22], $0x3E80  }
0x4b: {  	[sflag:s22] =	ssyncset.done $0x0  }
0x4c: {  	s8 =	sadd.s32 $0x14100, s8;
	[sflag:s22] =	ssyncadd.s32 $0xFFFFC180  }
0x4d: {  	[spmem:s2] =	stream.indirect.scatter.add.f32 [tilespmem:s28], [sflag:$0x4], $0x80, s8, s24, $0xb8;
	[tilespmem:$0x1C880] =	vst v63  }
0x4e: {  	p0 =	sgt.u32 s31, $0x23;
	s8 =	sand.u32 $0x3, s31  }
0x4f: {  	_ =	swait.ge [sflag:s30], $0x3E80;
	p1 =	sne.s32 @!p0 s8, $0x3  }
0x50: {  	[sflag:s30] =	ssyncset.done $0x0;
	p1 =	por p1, p0  }
0x51: {  	s13 =	sand.u32 $0x23, s31;
	[sflag:s30] =	ssyncadd.s32 $0xFFFFC180;
	s8 =	simm.s32 @!p1 $0x5  }
0x52: {  	s10 =	sshrl.u32 s31, $0x2;
	p0 =	sne.s32 s13, $0x3;
	_ =	swait.ge @!p1 [sflag:s8], $0x400  }
0x53: {  	s9 =	sshll.u32 @!p0 s10, $0x3;
	[sflag:s8] =	ssyncset.done @!p1 $0x0  }
0x54: {  	s9 =	sadd.s32 @!p0 s9, s14;
	[sflag:s8] =	ssyncadd.s32 @!p1 $0xFFFFFC00  }
0x55: {  	s10 =	sshll.u32 @!p0 s10, $0xA;
	s12 =	sshll.u32 @!p0 s9, $0x7;
	_ =	swait.ge @!p1 [sflag:s8], $0x400  }
0x56: {  	s13 =	simm.s32 @!p0 $0x0;
	s12 =	sadd.s32 @!p0 s4, s12;
	[sflag:s8] =	ssyncset.done @!p1 $0x0  }
0x57: {  	[sflag:s8] =	ssyncadd.s32 @!p1 $0xFFFFFC00;
	s8 =	sand.u32 @!p0 $0x400, s10;
	s10 =	sshrl.u32 @!p0 s12, $0x3  }
0x58: {  	s9 =	sshll.u32 @!p0 s9, $0x4;
	s12 =	sor.u32 @!p0 $0x13880, s8;
	s10 =	sadd.s32 @!p0 s6, s10  }
0x59: {  	[tilespmem:s12], [sflag:$0x5] =	stream.linear.gather @!p0 [hbm4b:s10+s13], $0x400, $0x38;
	[tilespmem:$0x1C880] =	vst v63  }
0x5a: {  	s9 =	sadd.s32 @!p0 s7, s9;
	s8 =	sor.u32 @!p0 $0x14080, s8  }
0x5b: {  	[tilespmem:s8], [sflag:$0x5] =	stream.linear.gather @!p0 [hbm4b:s9+s13], $0x400, $0x38;
	[tilespmem:$0x1C880] =	vst v63  }
0x5c: {  	p0 =	seq.s32 s26, $0xA000  }
.Ltmp2:
0x5d: {  	_ = 	snop;
	(pc) =	sbr.rel @p0 .LBB2_4-.Ltmp2, $1  }
0x5e: {  	_ =	sdelay $0x3  }
.Ltmp3:
0x5f: {  	(pc) =	sbr.rel .LBB2_2-.Ltmp3, $4  }
0x60: {  	s8 =	sand.u32 $0x1C00, s26  }
0x61: {  	s31 =	sadd.s32 $0x1, s31;
	s8 =	sshrl.u32 s8, $0x2  }
0x62: {  	s26 =	sadd.s32 $0x400, s26;
	s29 =	sadd.s32 $0x2, s29;
	s8 =	sor.u32 $0x13880, s8  }
0x63: {  	[tilespmem:s25], [sflag:$0x1] =	stream.indirect.gather [hbm4b:s5+s24], $0x80, s8, s24, $0xb8;
	[tilespmem:$0x1C880] =	vst v63  }
.LBB2_5:
0x64: {  	_ =	sfence.sel $0x180000  }
0x65: {  	[bflag:$0x0] =	sbarrier.arrive $0xFFFF  }
0x66: {  	_ =	strace $0x90000050  }
0x67: {  	s0 =	stileid.u32;
	[bflag:$0x2] =	sbarrier.arrive $0xFFFF  }
0x68: {  	p0 =	sne.s32 s0, $0x0;
	s0 =	rddreg [dreg:$0x2]  }
0x69: {  	s0 =	sadd.s32 @!p0 $0x100000, s0  }
0x6a: {  	[sflag:s0] =	ssyncadd.tile.s32 @!p0 $0x1;
	_ =	shalt  }
.Lfunc_end2:
_tile_overlayer_lowered:
.L_overlay_start_2:
0x6b: {  	(tag) =	ssettag $0x2  }
0x6c: {  	s0 =	rddreg [dreg:$0x0];
	s2 =	stileid.u32  }
0x6d: {  	s1 =	rddreg [dreg:$0x1];
	p0 =	sne.s32 s2, $0x0  }
0x6e: {  	s3 =	rddreg [dreg:$0x2];
	[bflag:$0x3] =	sbarrier.arrive $0xFFFF;
	s2 =	simm.s32 @!p0 $0x1C06  }
0x6f: {  	[timem:s3], [sflag:s2] =	dma.local @!p0 [hbm:s0], s1  }
0x70: {  	s0 =	simm.s32 @!p0 $0x6  }
0x71: {  	_ =	swait.ge @!p0 [sflag:s0], s1  }
0x72: {  	s1 =	ssub.s32 @!p0 $0x0, s1;
	[sflag:s0] =	ssyncset.done @!p0 $0x0  }
0x73: {  	[sflag:s0] =	ssyncadd.s32 @!p0 s1  }
0x74: {  	[bflag:$0x3] =	sbarrier.arrive $0xFFFF  }
0x75: {  	_ =	shalt  }

</sc_bundles>
